<compile_context>
chip_gen: v7x
topology: tpu7x:2x2x1
jax: 0.10.2.dev20260603
libtpu: 0.0.44.dev20260713+nightly
codegen_flags: <defaults>
</compile_context>

<pallas_src>
import jax
import jax.numpy as jnp
from jax.experimental import pallas as pl
from jax.experimental.pallas import tpu as pltpu, tpu_sc as plsc

N = 1024
C = 5
Q = 15
NQ = C * Q
NH = N - NQ
D0, D1 = 256, 128
E0, E1 = 128, 128
FE = 64
KERN, STRIDE = 8, 4
CONV_OUT = (FE - KERN) // STRIDE + 1
HI = jax.lax.Precision.HIGHEST

BI = 128
NI = N // BI
JT = 512
GW = 128
NEG = -1e9


def _lrelu(x):
    return jnp.where(x > 0, x, 0.01 * x)


def _dgT(a, b):
    return jax.lax.dot_general(a, b, (((0,), (1,)), ((), ())), precision=HI)


def _colsum_T(p, y):
    return jax.lax.dot_general(p, y, (((0,), (0,)), ((), ())), precision=HI)


def _tl_col(labc):
    rows = jax.lax.broadcasted_iota(jnp.int32, (N, 1), 0)
    return jnp.where(rows >= NH, NH - 1 - rows, labc)


def _fused_kernel(labc, labr, f0, f1, W0, b0, W1, b1, Win, binr, Wl, Wr,
                  attc, bg, wconv, bconv, Wlab, blabr, out_o,
                  g_s, gl_s, gr_s, grT_s, agl_s, agr_s, sz_s):
    step = pl.program_id(0)

    @pl.when(step == 0)
    def _pre():
        tlc = _tl_col(labc[...])
        classes = jax.lax.broadcasted_iota(jnp.int32, (1, C), 1)
        P = (tlc == classes).astype(jnp.float32)
        ones = jnp.ones((N, 1), jnp.float32)
        cnt = jnp.maximum(_colsum_T(P, ones), 1.0)
        rows = jax.lax.broadcasted_iota(jnp.int32, (N, 1), 0)
        qmask = (rows >= NH).astype(jnp.float32)

        def classmean(y):
            mean = _colsum_T(P, y) / cnt
            return jnp.dot(P, mean, precision=HI) + qmask * y

        y0 = jnp.dot(f0[...], W0[...], precision=HI)
        h0 = _lrelu(classmean(y0) + b0[...])
        y1 = jnp.dot(f1[...], W1[...], precision=HI)
        h1 = _lrelu(classmean(y1) + b1[...])
        oh = P + 0.2 * qmask

        Win_ = Win[...]
        u = (jnp.dot(h0, Win_[0:E0, :], precision=HI)
             + jnp.dot(h1, Win_[E0:E0 + E1, :], precision=HI)
             + jnp.dot(oh, Win_[E0 + E1:, :], precision=HI))
        g_s[...] = _lrelu(classmean(u) + binr[...])

        Wl_ = Wl[...]
        gl = (jnp.dot(h0, Wl_[0:E0, :], precision=HI)
              + jnp.dot(h1, Wl_[E0:E0 + E1, :], precision=HI)
              + jnp.dot(oh, Wl_[E0 + E1:, :], precision=HI))
        Wr_ = Wr[...]
        gr = (jnp.dot(h0, Wr_[0:E0, :], precision=HI)
              + jnp.dot(h1, Wr_[E0:E0 + E1, :], precision=HI)
              + jnp.dot(oh, Wr_[E0 + E1:, :], precision=HI))
        grT = (_dgT(Wr_[0:E0, :], h0) + _dgT(Wr_[E0:E0 + E1, :], h1)
               + _dgT(Wr_[E0 + E1:, :], oh))
        gl_s[...] = gl
        gr_s[...] = gr
        grT_s[...] = grT
        agl_s[...] = 0.6 * jnp.dot(gl, attc[...], precision=HI)
        agr_s[...] = 0.6 * _colsum_T(attc[...], grT)

    @pl.when((step >= 1) & (step <= NI))
    def _att():
        ib = step - 1
        row0 = pl.multiple_of(ib * BI, BI)
        glb = gl_s[pl.ds(row0, BI), :]
        grtb = grT_s[...]
        parts = []
        for jt in range(0, N, JT):
            acc = jnp.zeros((BI, JT), jnp.float32)
            for k in range(FE):
                s = glb[:, k:k + 1] + grtb[k:k + 1, jt:jt + JT]
                acc = acc + (0.4 * attc[k, 0]) * jnp.abs(s)
            parts.append(acc)
        e = (jnp.concatenate(parts, axis=1)
             + agl_s[pl.ds(row0, BI), :] + agr_s[...])
        ii = row0 + jax.lax.broadcasted_iota(jnp.int32, (BI, N), 0)
        jj = jax.lax.broadcasted_iota(jnp.int32, (BI, N), 1)
        rows_b = row0 + jax.lax.broadcasted_iota(jnp.int32, (BI, 1), 0)
        tlc_b = jnp.where(rows_b >= NH, NH - 1 - rows_b, labc[pl.ds(row0, BI), :])
        cols = jax.lax.broadcasted_iota(jnp.int32, (1, N), 1)
        tlr = jnp.where(cols >= NH, NH - 1 - cols, labr[...])
        allowed = (tlc_b != tlr) | (ii == jj)
        e = jnp.where(allowed, e, NEG)
        m = jnp.max(e, axis=1, keepdims=True)
        p = jnp.exp(e - m)
        alpha = p / jnp.sum(p, axis=1, keepdims=True)
        av = jnp.dot(alpha, gr_s[...], precision=HI) + bg[...]
        av = jnp.where(av > 0, av, jnp.exp(jnp.minimum(av, 0.0)) - 1.0)
        d = jax.lax.broadcasted_iota(jnp.int32, (FE, CONV_OUT), 0)
        t = jax.lax.broadcasted_iota(jnp.int32, (FE, CONV_OUT), 1)
        off = d - STRIDE * t
        Wc = jnp.zeros((FE, CONV_OUT), jnp.float32)
        for k in range(KERN):
            Wc = Wc + wconv[k, 0] * (off == k).astype(jnp.float32)
        aconv = jnp.dot(av, Wc, precision=HI) + bconv[0, 0]
        aconv = 1.0 / (1.0 + jnp.exp(-aconv))
        Wlab_ = Wlab[...]
        z_blk = (jnp.dot(g_s[pl.ds(row0, BI), :], Wlab_[0:FE, :], precision=HI)
                 + jnp.dot(aconv, Wlab_[FE:, :], precision=HI))
        classes = jax.lax.broadcasted_iota(jnp.int32, (1, C), 1)
        P_blk = (labc[pl.ds(row0, BI), :] == classes).astype(jnp.float32)
        Sz = _colsum_T(P_blk, z_blk)

        @pl.when(step == 1)
        def _init():
            sz_s[...] = Sz

        @pl.when(step > 1)
        def _accum():
            sz_s[...] = sz_s[...] + Sz

        @pl.when(step == NI)
        def _emit():
            P = (labc[...] == classes).astype(jnp.float32)
            ones = jnp.ones((N, 1), jnp.float32)
            cnt = jnp.maximum(_colsum_T(P, ones), 1.0)
            out_o[...] = jnp.zeros((C, 128), jnp.float32)
            out_o[:, 0:C] = sz_s[...] / cnt + blabr[...]


def kernel(features_0, features_1, labels, W0, b0, W1, b1, Win, bin_,
           Wl, Wr, att, bg, wconv, bconv, Wlab, blab):
    labels = labels.astype(jnp.int32)
    f32 = jnp.float32
    shp = jax.ShapeDtypeStruct

    def cst(shape):
        return pl.BlockSpec(shape, lambda i: tuple(0 for _ in shape))

    vmem = pltpu.VMEM
    mtab = pl.pallas_call(
        _fused_kernel,
        grid=(NI + 1,),
        in_specs=[
            cst((N, 1)),
            cst((1, N)),
            cst((N, D0)), cst((N, D1)),
            cst((D0, E0)), cst((1, E0)),
            cst((D1, E1)), cst((1, E1)),
            cst((E0 + E1 + C, FE)), cst((1, FE)),
            cst((E0 + E1 + C, FE)),
            cst((E0 + E1 + C, FE)),
            cst((FE, 1)), cst((1, FE)),
            cst((KERN, 1)), cst((1, 1)),
            cst((FE + CONV_OUT, C)), cst((1, C)),
        ],
        out_specs=cst((C, 128)),
        out_shape=shp((C, 128), f32),
        scratch_shapes=[vmem((N, FE), f32), vmem((N, FE), f32),
                        vmem((N, FE), f32), vmem((FE, N), f32),
                        vmem((N, 1), f32), vmem((1, N), f32),
                        vmem((C, C), f32)],
    )(labels.reshape(N, 1), labels.reshape(1, N), features_0, features_1,
      W0, b0.reshape(1, E0), W1, b1.reshape(1, E1), Win,
      bin_.reshape(1, FE), Wl, Wr, att.reshape(FE, 1), bg.reshape(1, FE),
      wconv.reshape(KERN, 1), bconv.reshape(1, 1), Wlab, blab.reshape(1, C))

    idx = labels.reshape(1, N)

    @pl.kernel(out_type=shp((N, 128), f32),
               mesh=plsc.VectorSubcoreMesh(core_axis_name="c",
                                           subcore_axis_name="s"))
    def _sc_gather(m_hbm, i_hbm, o_hbm):
        def body(i_vmem, o_vmem):
            pltpu.sync_copy(m_hbm.at[i_vmem.at[0]], o_vmem)

        pltpu.emit_pipeline(
            body,
            grid=(N // GW,),
            in_specs=[pl.BlockSpec((1, GW), index_map=lambda i: (0, i))],
            out_specs=[pl.BlockSpec((GW, 128), index_map=lambda i: (i, 0))],
            core_axis_name="s",
            dimension_semantics=(pltpu.PARALLEL,),
        )(i_hbm, o_hbm)

    return _sc_gather(mtab, idx)[:, :C]

# --- scband reference (transcript-rebuilt; emitter-appended) ---
"""Pipeline reference for scband-ensemble-gcn-63642825392598 (READ-ONLY COPY).

The authoritative reference and input builder live on the scoring server;
editing this copy changes nothing except your own understanding.
"""

import jax, jax.numpy as jnp
import numpy as np

N = 1024
C = 5
Q = 15
NQ = C * Q
D0, D1 = 256, 128
E0, E1 = 128, 128
FE = 64
KERN, STRIDE = 8, 4
CAT = E0 + E1 + C
CONV_OUT = (FE - KERN) // STRIDE + 1
FC = FE + CONV_OUT


def _lrelu(x):
    return jnp.where(x > 0, x, 0.01 * x)


def _gcn(x, A, W, b):
    n = A.shape[0]
    i = jnp.arange(n)
    Ah = A.at[i, i].set(1.0)
    deg = Ah.sum(axis=1)
    dinv = jnp.where(deg > 0, 1.0 / jnp.sqrt(deg), 0.0)
    return (Ah * dinv[:, None] * dinv[None, :]) @ (x @ W) + b


def _gatv2(x, A, Wl, Wr, att, b):
    n = A.shape[0]
    i = jnp.arange(n)
    Ah = A.at[i, i].set(1.0)
    gl = x @ Wl
    gr = x @ Wr
    rows = []
    cs = 128
    for s in range(0, n, cs):
        m = gl[s:s + cs, None, :] + gr[None, :, :]
        m = jnp.where(m > 0, m, 0.2 * m)
        rows.append(m @ att)
    e = jnp.concatenate(rows, axis=0)
    e = jnp.where(Ah > 0, e, jnp.float32(-1e9))
    alpha = jax.nn.softmax(e, axis=1)
    return alpha @ gr + b


def _conv1d(x, w, b, stride):
    out = jax.lax.conv_general_dilated(x[:, None, :], w[None, None, :], (stride,), 'VALID')
    return out[:, 0, :] + b


def _forward(f0, f1, W0, b0, W1, b1, Win, bin_, Wl, Wr, att, bg, wconv, bconv, Wlab, blab, labels):
    n = labels.shape[0]
    oh = jnp.zeros((n, C), jnp.float32)
    oh = oh.at[jnp.arange(n - NQ), labels[:n - NQ]].set(1.0)
    oh = oh.at[n - NQ:, :].set(1.0 / C)
    tl = labels.at[n - NQ:].set(jnp.arange(-1, -(NQ + 1), -1, dtype=labels.dtype))
    A_in = (tl[:, None] == tl[None, :]).astype(jnp.float32)
    A_cross = (tl[:, None] != tl[None, :]).astype(jnp.float32)
    A_fin = (labels[:, None] == labels[None, :]).astype(jnp.float32)
    h0 = _lrelu(_gcn(f0, A_in, W0, b0))
    h1 = _lrelu(_gcn(f1, A_in, W1, b1))
    cat = jnp.concatenate([h0, h1, oh], axis=-1)
    g = _lrelu(_gcn(cat, A_in, Win, bin_))
    a = jax.nn.elu(_gatv2(cat, A_cross, Wl, Wr, att, bg))
    a = jax.nn.sigmoid(_conv1d(a, wconv, bconv, STRIDE))
    fc = jnp.concatenate([g, a], axis=-1)
    return _gcn(fc, A_fin, Wlab, blab)


def setup_inputs(seed: int = 0):
    key = jax.random.key(seed)
    ks = jax.random.split(key, 20)
    inp = {}
    inp['features_0'] = jax.random.normal(ks[0], (N, D0), jnp.float32)
    inp['features_1'] = jax.random.normal(ks[1], (N, D1), jnp.float32)
    inp['labels'] = jax.random.randint(ks[2], (N,), 0, C)
    inp['W0'] = jax.random.normal(ks[3], (D0, E0), jnp.float32) * 0.05
    inp['b0'] = jnp.zeros((E0,), jnp.float32)
    inp['W1'] = jax.random.normal(ks[4], (D1, E1), jnp.float32) * 0.05
    inp['b1'] = jnp.zeros((E1,), jnp.float32)
    inp['Win'] = jax.random.normal(ks[5], (CAT, FE), jnp.float32) * 0.05
    inp['bin_'] = jnp.zeros((FE,), jnp.float32)
    inp['Wl'] = jax.random.normal(ks[6], (CAT, FE), jnp.float32) * 0.05
    inp['Wr'] = jax.random.normal(ks[7], (CAT, FE), jnp.float32) * 0.05
    inp['att'] = jax.random.normal(ks[8], (FE,), jnp.float32) * 0.05
    inp['bg'] = jnp.zeros((FE,), jnp.float32)
    inp['wconv'] = jax.random.normal(ks[9], (KERN,), jnp.float32) * 0.05
    inp['bconv'] = jnp.zeros((), jnp.float32)
    inp['Wlab'] = jax.random.normal(ks[10], (FC, C), jnp.float32) * 0.05
    inp['blab'] = jnp.zeros((C,), jnp.float32)
    return inp


def reference(features_0, features_1, labels, W0, b0, W1, b1, Win, bin_, Wl, Wr, att, bg, wconv, bconv, Wlab, blab):
    return _forward(features_0, features_1, W0, b0, W1, b1, Win, bin_, Wl, Wr, att, bg, wconv, bconv, Wlab, blab, labels)

if __name__ == "__main__":
    import jax
    _d = setup_inputs()
    print(jax.jit(kernel)(*tuple(_d.values())))

</pallas_src>

<mosaic_0001>
#map = affine_map<(d0, d1) -> (0, 0)>
module attributes {stable_mosaic.version = 14 : i64} {
  func.func @_sc_gather(%arg0: i32, %arg1: i32, %arg2: memref<5x128xf32, #tpu.memory_space<hbm>>, %arg3: memref<1x1024xi32, #tpu.memory_space<hbm>>, %arg4: memref<1024x128xf32, #tpu.memory_space<hbm>>) attributes {dimension_semantics = [#tpu.dimension_semantics<core_parallel>, #tpu.dimension_semantics<subcore_parallel>], iteration_bounds = array<i64: 2, 16>, scalar_prefetch = 0 : i64, scratch_operands = 0 : i64, tpu.core_type = #tpu.core_type<sc_vector_subcore>, window_params = [{transform_indices = #map}, {transform_indices = #map}, {transform_indices = #map}]} {
    %lt3A = arith.constant 8 : i32
    %lt3A_0 = arith.cmpi slt, %arg1, %lt3A : i32
    %jit3A = arith.constant 1 : i32
    %jit3A_1 = arith.constant 0 : i32
    %select_n3A = arith.select %lt3A_0, %jit3A, %jit3A_1 : i32
    %lt3A_2 = arith.constant 8 : i32
    %lt3A_3 = arith.cmpi slt, %arg1, %lt3A_2 : i32
    %mul3A = arith.muli %arg1, %select_n3A : i32
    %mul3A_4 = arith.constant 0 : i32
    %mul3A_5 = arith.muli %arg1, %mul3A_4 : i32
    %add3A = arith.constant 8 : i32
    %add3A_6 = arith.addi %mul3A_5, %add3A : i32
    %select_n3A_7 = arith.select %lt3A_3, %mul3A, %add3A_6 : i32
    %mul3A_8 = arith.constant 1 : i32
    %mul3A_9 = arith.muli %mul3A_8, %select_n3A : i32
    "tpu.region"() ({
      %run_scoped3A = memref.alloca() : memref<2x1x128xi32, #tpu.memory_space<vmem>>
      %run_scoped3A_10 = tpu.sem_alloc : memref<2x!tpu.dma_semaphore, #tpu.memory_space<semaphore_mem>>
      %run_scoped3A_11 = memref.alloca() : memref<2x128x128xf32, #tpu.memory_space<vmem>>
      %run_scoped3A_12 = tpu.sem_alloc : memref<2x!tpu.dma_semaphore, #tpu.memory_space<semaphore_mem>>
      %gt3A = arith.constant 0 : i32
      %gt3A_13 = arith.cmpi sgt, %mul3A_9, %gt3A : i32
      %convert_element_type3A = arith.extui %gt3A_13 : i1 to i32
      %cond3A = arith.constant 0 : i32
      %cond3A_14 = arith.cmpi ne, %convert_element_type3A, %cond3A : i32
      scf.if %cond3A_14 {
        %mul3A_15 = arith.constant 1 : i32
        %mul3A_16 = arith.muli %mul3A_15, %select_n3A : i32
        %sub3A = arith.constant 1 : i32
        %sub3A_17 = arith.subi %mul3A_16, %sub3A : i32
        %eq3A = arith.constant 0 : i32
        %eq3A_18 = arith.cmpi eq, %sub3A_17, %eq3A : i32
        %add3A_19 = arith.constant 0 : i32
        %add3A_20 = arith.addi %add3A_19, %select_n3A_7 : i32
        %select_n3A_21 = arith.constant true
        %select_n3A_22 = arith.constant 0 : i32
        %select_n3A_23 = arith.constant -1 : i32
        %select_n3A_24 = arith.select %select_n3A_21, %select_n3A_23, %select_n3A_22 : i32
        %eq3A_25 = arith.constant -1 : i32
        %eq3A_26 = arith.cmpi eq, %select_n3A_24, %eq3A_25 : i32
        %sub3A_27 = arith.constant 1 : i32
        %sub3A_28 = arith.subi %select_n3A, %sub3A_27 : i32
        %select_n3A_29 = arith.select %eq3A_26, %sub3A_28, %select_n3A_24 : i32
        %add3A_30 = arith.addi %select_n3A_29, %select_n3A_7 : i32
        %select_n3A_31 = arith.constant true
        %select_n3A_32 = arith.constant 0 : i32
        %select_n3A_33 = arith.constant 1 : i32
        %select_n3A_34 = arith.select %select_n3A_31, %select_n3A_33, %select_n3A_32 : i32
        %eq3A_35 = arith.cmpi eq, %select_n3A_34, %select_n3A : i32
        %select_n3A_36 = arith.constant 0 : i32
        %select_n3A_37 = arith.select %eq3A_35, %select_n3A_36, %select_n3A_34 : i32
        %add3A_38 = arith.addi %select_n3A_37, %select_n3A_7 : i32
        %add3A_39 = arith.constant 1 : i32
        %add3A_40 = arith.addi %select_n3A_37, %add3A_39 : i32
        %select_n3A_41 = arith.constant true
        %select_n3A_42 = arith.select %select_n3A_41, %add3A_40, %select_n3A_37 : i32
        %eq3A_43 = arith.cmpi eq, %select_n3A_42, %select_n3A : i32
        %select_n3A_44 = arith.constant 0 : i32
        %select_n3A_45 = arith.select %eq3A_43, %select_n3A_44, %select_n3A_42 : i32
        %add3A_46 = arith.addi %select_n3A_45, %select_n3A_7 : i32
        "tpu.trace_start"() <{level = 10 : i32, message = "ep_initialize_0"}> : () -> ()
        %rem3A = arith.constant 0 : i32
        %rem3A_47 = arith.constant 2 : i32
        %rem3A_48 = arith.remui %rem3A, %rem3A_47 : i32
        %mul3A_49 = arith.constant 128 : i32
        %mul3A_50 = arith.muli %mul3A_49, %add3A_20 : i32
        %dma_start3A = arith.constant 0 : i32
        %dma_start3A_51 = arith.constant 0 : i32
        %dma_start3A_52 = tpu.memref_slice %run_scoped3A[%rem3A_48, %dma_start3A, %dma_start3A_51] : memref<2x1x128xi32, #tpu.memory_space<vmem>> -> memref<1x1x128xi32, #tpu.memory_space<vmem>>
        %dma_start3A_53 = tpu.memref_squeeze %dma_start3A_52 : memref<1x1x128xi32, #tpu.memory_space<vmem>> -> memref<1x128xi32, #tpu.memory_space<vmem>>
        %dma_start3A_54 = arith.constant 0 : i32
        %dma_start3A_55 = tpu.memref_slice %arg3[%dma_start3A_54, %mul3A_50] : memref<1x1024xi32, #tpu.memory_space<hbm>> -> memref<1x128xi32, #tpu.memory_space<hbm>>
        %dma_start3A_56 = tpu.memref_slice %run_scoped3A_10[%rem3A_48] : memref<2x!tpu.dma_semaphore, #tpu.memory_space<semaphore_mem>> -> memref<1x!tpu.dma_semaphore, #tpu.memory_space<semaphore_mem>>
        %dma_start3A_57 = tpu.memref_squeeze %dma_start3A_56 : memref<1x!tpu.dma_semaphore, #tpu.memory_space<semaphore_mem>> -> memref<!tpu.dma_semaphore, #tpu.memory_space<semaphore_mem>>
        %dma_start3A_58 = arith.constant 0 : i32
        %dma_start3A_59 = arith.constant 0 : i32
        %dma_start3A_60 = tpu.memref_slice %run_scoped3A[%rem3A_48, %dma_start3A_58, %dma_start3A_59] : memref<2x1x128xi32, #tpu.memory_space<vmem>> -> memref<1x1x128xi32, #tpu.memory_space<vmem>>
        %dma_start3A_61 = tpu.memref_squeeze %dma_start3A_60 : memref<1x1x128xi32, #tpu.memory_space<vmem>> -> memref<1x128xi32, #tpu.memory_space<vmem>>
        %dma_start3A_62 = arith.constant 0 : i32
        %dma_start3A_63 = tpu.memref_slice %arg3[%dma_start3A_62, %mul3A_50] : memref<1x1024xi32, #tpu.memory_space<hbm>> -> memref<1x128xi32, #tpu.memory_space<hbm>>
        tpu.enqueue_dma source(%dma_start3A_63 : memref<1x128xi32, #tpu.memory_space<hbm>>) target(%dma_start3A_61 : memref<1x128xi32, #tpu.memory_space<vmem>>) target_semaphore(%dma_start3A_57 : memref<!tpu.dma_semaphore, #tpu.memory_space<semaphore_mem>>)
        %add3A_64 = arith.constant 0 : i32
        %add3A_65 = arith.constant 1 : i32
        %add3A_66 = arith.addi %add3A_64, %add3A_65 : i32
        %select_n3A_67 = arith.constant true
        %select_n3A_68 = arith.constant 0 : i32
        %select_n3A_69 = arith.select %select_n3A_67, %add3A_66, %select_n3A_68 : i32
        %while3A = arith.constant 0 : i32
        %while3A_70 = arith.constant 0 : i32
        %while3A_71 = arith.constant 0 : i32
        %while3A_72 = arith.constant 0 : i32
        %while3A_73 = arith.constant 0 : i32
        "tpu.trace_stop"() : () -> ()
        %while3A_74 = arith.subi %mul3A_9, %while3A : i32
        %while3A_75 = arith.addi %while3A, %while3A_74 : i32
        %while3A_76 = arith.constant 1 : i32
        %while3A_77 = arith.divsi %while3A_74, %while3A_76 : i32
        %while3A_78 = arith.muli %while3A_77, %while3A_76 : i32
        %while3A_79 = arith.addi %while3A, %while3A_78 : i32
        %while3A_80 = arith.constant 1 : i32
        %while3A_81:5 = scf.for %while3A_135 = %while3A to %while3A_79 step %while3A_80 iter_args(%while3A_136 = %select_n3A_69, %while3A_137 = %while3A_70, %while3A_138 = %while3A_71, %while3A_139 = %while3A_72, %while3A_140 = %while3A_73) -> (i32, i32, i32, i32, i32)  : i32 {
          %mul3A_141 = arith.constant 1 : i32
          %mul3A_142 = arith.muli %mul3A_141, %select_n3A : i32
          %eq3A_143 = arith.constant 0 : i32
          %eq3A_144 = arith.cmpi eq, %while3A_135, %eq3A_143 : i32
          %sub3A_145 = arith.constant 1 : i32
          %sub3A_146 = arith.subi %mul3A_142, %sub3A_145 : i32
          %eq3A_147 = arith.cmpi eq, %while3A_135, %sub3A_146 : i32
          %add3A_148 = arith.addi %while3A_140, %select_n3A_7 : i32
          %sub3A_149 = arith.constant 1 : i32
          %sub3A_150 = arith.subi %while3A_140, %sub3A_149 : i32
          %select_n3A_151 = arith.constant true
          %select_n3A_152 = arith.select %select_n3A_151, %sub3A_150, %while3A_140 : i32
          %eq3A_153 = arith.constant -1 : i32
          %eq3A_154 = arith.cmpi eq, %select_n3A_152, %eq3A_153 : i32
          %sub3A_155 = arith.constant 1 : i32
          %sub3A_156 = arith.subi %select_n3A, %sub3A_155 : i32
          %select_n3A_157 = arith.select %eq3A_154, %sub3A_156, %select_n3A_152 : i32
          %add3A_158 = arith.addi %select_n3A_157, %select_n3A_7 : i32
          %add3A_159 = arith.constant 1 : i32
          %add3A_160 = arith.addi %while3A_140, %add3A_159 : i32
          %select_n3A_161 = arith.constant true
          %select_n3A_162 = arith.select %select_n3A_161, %add3A_160, %while3A_140 : i32
          %eq3A_163 = arith.cmpi eq, %select_n3A_162, %select_n3A : i32
          %select_n3A_164 = arith.constant 0 : i32
          %select_n3A_165 = arith.select %eq3A_163, %select_n3A_164, %select_n3A_162 : i32
          %add3A_166 = arith.addi %select_n3A_165, %select_n3A_7 : i32
          %add3A_167 = arith.constant 1 : i32
          %add3A_168 = arith.addi %select_n3A_165, %add3A_167 : i32
          %select_n3A_169 = arith.constant true
          %select_n3A_170 = arith.select %select_n3A_169, %add3A_168, %select_n3A_165 : i32
          %eq3A_171 = arith.cmpi eq, %select_n3A_170, %select_n3A : i32
          %select_n3A_172 = arith.constant 0 : i32
          %select_n3A_173 = arith.select %eq3A_171, %select_n3A_172, %select_n3A_170 : i32
          %add3A_174 = arith.addi %select_n3A_173, %select_n3A_7 : i32
          %ne3A = arith.cmpi ne, %add3A_148, %add3A_166 : i32
          %or3A = arith.constant false
          %or3A_175 = arith.ori %or3A, %ne3A : i1
          %sub3A_176 = arith.constant 2 : i32
          %sub3A_177 = arith.subi %mul3A_142, %sub3A_176 : i32
          %add3A_178 = arith.constant 1 : i32
          %add3A_179 = arith.addi %sub3A_177, %add3A_178 : i32
          %ge3A = arith.cmpi sge, %while3A_135, %add3A_179 : i32
          %not3A = arith.constant true
          %not3A_180 = arith.xori %ge3A, %not3A : i1
          %and3A = arith.andi %or3A_175, %not3A_180 : i1
          %convert_element_type3A_181 = arith.extui %and3A : i1 to i32
          %cond3A_182 = arith.constant 0 : i32
          %cond3A_183 = arith.cmpi ne, %convert_element_type3A_181, %cond3A_182 : i32
          scf.if %cond3A_183 {
            "tpu.trace_start"() <{level = 10 : i32, message = "ep_copy_in"}> : () -> ()
            %rem3A_287 = arith.constant 2 : i32
            %rem3A_288 = arith.remui %while3A_136, %rem3A_287 : i32
            %mul3A_289 = arith.constant 128 : i32
            %mul3A_290 = arith.muli %mul3A_289, %add3A_166 : i32
            %dma_start3A_291 = arith.constant 0 : i32
            %dma_start3A_292 = arith.constant 0 : i32
            %dma_start3A_293 = tpu.memref_slice %run_scoped3A[%rem3A_288, %dma_start3A_291, %dma_start3A_292] : memref<2x1x128xi32, #tpu.memory_space<vmem>> -> memref<1x1x128xi32, #tpu.memory_space<vmem>>
            %dma_start3A_294 = tpu.memref_squeeze %dma_start3A_293 : memref<1x1x128xi32, #tpu.memory_space<vmem>> -> memref<1x128xi32, #tpu.memory_space<vmem>>
            %dma_start3A_295 = arith.constant 0 : i32
            %dma_start3A_296 = tpu.memref_slice %arg3[%dma_start3A_295, %mul3A_290] : memref<1x1024xi32, #tpu.memory_space<hbm>> -> memref<1x128xi32, #tpu.memory_space<hbm>>
            %dma_start3A_297 = tpu.memref_slice %run_scoped3A_10[%rem3A_288] : memref<2x!tpu.dma_semaphore, #tpu.memory_space<semaphore_mem>> -> memref<1x!tpu.dma_semaphore, #tpu.memory_space<semaphore_mem>>
            %dma_start3A_298 = tpu.memref_squeeze %dma_start3A_297 : memref<1x!tpu.dma_semaphore, #tpu.memory_space<semaphore_mem>> -> memref<!tpu.dma_semaphore, #tpu.memory_space<semaphore_mem>>
            %dma_start3A_299 = arith.constant 0 : i32
            %dma_start3A_300 = arith.constant 0 : i32
            %dma_start3A_301 = tpu.memref_slice %run_scoped3A[%rem3A_288, %dma_start3A_299, %dma_start3A_300] : memref<2x1x128xi32, #tpu.memory_space<vmem>> -> memref<1x1x128xi32, #tpu.memory_space<vmem>>
            %dma_start3A_302 = tpu.memref_squeeze %dma_start3A_301 : memref<1x1x128xi32, #tpu.memory_space<vmem>> -> memref<1x128xi32, #tpu.memory_space<vmem>>
            %dma_start3A_303 = arith.constant 0 : i32
            %dma_start3A_304 = tpu.memref_slice %arg3[%dma_start3A_303, %mul3A_290] : memref<1x1024xi32, #tpu.memory_space<hbm>> -> memref<1x128xi32, #tpu.memory_space<hbm>>
            tpu.enqueue_dma source(%dma_start3A_304 : memref<1x128xi32, #tpu.memory_space<hbm>>) target(%dma_start3A_302 : memref<1x128xi32, #tpu.memory_space<vmem>>) target_semaphore(%dma_start3A_298 : memref<!tpu.dma_semaphore, #tpu.memory_space<semaphore_mem>>)
            "tpu.trace_stop"() : () -> ()
          } else {
          }
          %and3A_184 = arith.constant true
          %and3A_185 = arith.andi %and3A, %and3A_184 : i1
          %add3A_186 = arith.constant 1 : i32
          %add3A_187 = arith.addi %while3A_136, %add3A_186 : i32
          %select_n3A_188 = arith.select %and3A_185, %add3A_187, %while3A_136 : i32
          %ne3A_189 = arith.cmpi ne, %add3A_148, %add3A_166 : i32
          %or3A_190 = arith.constant false
          %or3A_191 = arith.ori %or3A_190, %ne3A_189 : i1
          %or3A_192 = arith.constant false
          %or3A_193 = arith.ori %or3A_191, %or3A_192 : i1
          %sub3A_194 = arith.constant 2 : i32
          %sub3A_195 = arith.subi %mul3A_142, %sub3A_194 : i32
          %add3A_196 = arith.constant 1 : i32
          %add3A_197 = arith.addi %sub3A_195, %add3A_196 : i32
          %ge3A_198 = arith.cmpi sge, %while3A_135, %add3A_197 : i32
          %not3A_199 = arith.constant true
          %not3A_200 = arith.xori %ge3A_198, %not3A_199 : i1
          %and3A_201 = arith.andi %or3A_193, %not3A_200 : i1
          %ne3A_202 = arith.cmpi ne, %add3A_148, %add3A_158 : i32
          %or3A_203 = arith.constant false
          %or3A_204 = arith.ori %or3A_203, %ne3A_202 : i1
          %or3A_205 = arith.ori %or3A_204, %eq3A_144 : i1
          %convert_element_type3A_206 = arith.extui %or3A_205 : i1 to i32
          %cond3A_207 = arith.constant 0 : i32
          %cond3A_208 = arith.cmpi ne, %convert_element_type3A_206, %cond3A_207 : i32
          scf.if %cond3A_208 {
            "tpu.trace_start"() <{level = 10 : i32, message = "ep_wait_in"}> : () -> ()
            %mul3A_287 = arith.constant 128 : i32
            %mul3A_288 = arith.muli %mul3A_287, %add3A_148 : i32
            %rem3A_289 = arith.constant 2 : i32
            %rem3A_290 = arith.remui %while3A_137, %rem3A_289 : i32
            %dma_wait3A = arith.constant 0 : i32
            %dma_wait3A_291 = arith.constant 0 : i32
            %dma_wait3A_292 = tpu.memref_slice %run_scoped3A[%rem3A_290, %dma_wait3A, %dma_wait3A_291] : memref<2x1x128xi32, #tpu.memory_space<vmem>> -> memref<1x1x128xi32, #tpu.memory_space<vmem>>
            %dma_wait3A_293 = tpu.memref_squeeze %dma_wait3A_292 : memref<1x1x128xi32, #tpu.memory_space<vmem>> -> memref<1x128xi32, #tpu.memory_space<vmem>>
            %dma_wait3A_294 = arith.constant 0 : i32
            %dma_wait3A_295 = tpu.memref_slice %arg3[%dma_wait3A_294, %mul3A_288] : memref<1x1024xi32, #tpu.memory_space<hbm>> -> memref<1x128xi32, #tpu.memory_space<hbm>>
            %dma_wait3A_296 = tpu.memref_slice %run_scoped3A_10[%rem3A_290] : memref<2x!tpu.dma_semaphore, #tpu.memory_space<semaphore_mem>> -> memref<1x!tpu.dma_semaphore, #tpu.memory_space<semaphore_mem>>
            %dma_wait3A_297 = tpu.memref_squeeze %dma_wait3A_296 : memref<1x!tpu.dma_semaphore, #tpu.memory_space<semaphore_mem>> -> memref<!tpu.dma_semaphore, #tpu.memory_space<semaphore_mem>>
            %dma_wait3A_298 = arith.constant 0 : i32
            %dma_wait3A_299 = arith.constant 0 : i32
            %dma_wait3A_300 = tpu.memref_slice %run_scoped3A[%rem3A_290, %dma_wait3A_298, %dma_wait3A_299] : memref<2x1x128xi32, #tpu.memory_space<vmem>> -> memref<1x1x128xi32, #tpu.memory_space<vmem>>
            %dma_wait3A_301 = tpu.memref_squeeze %dma_wait3A_300 : memref<1x1x128xi32, #tpu.memory_space<vmem>> -> memref<1x128xi32, #tpu.memory_space<vmem>>
            %dma_wait3A_302 = arith.constant 0 : i32
            %dma_wait3A_303 = tpu.memref_slice %arg3[%dma_wait3A_302, %mul3A_288] : memref<1x1024xi32, #tpu.memory_space<hbm>> -> memref<1x128xi32, #tpu.memory_space<hbm>>
            tpu.wait_dma2 semaphore(%dma_wait3A_297 : memref<!tpu.dma_semaphore, #tpu.memory_space<semaphore_mem>>) src(%dma_wait3A_303 : memref<1x128xi32, #tpu.memory_space<hbm>>) dst(%dma_wait3A_301 : memref<1x128xi32, #tpu.memory_space<vmem>>)
            "tpu.trace_stop"() : () -> ()
          } else {
          }
          %ne3A_209 = arith.cmpi ne, %add3A_148, %add3A_158 : i32
          %or3A_210 = arith.constant false
          %or3A_211 = arith.ori %or3A_210, %ne3A_209 : i1
          %or3A_212 = arith.constant false
          %or3A_213 = arith.ori %or3A_211, %or3A_212 : i1
          %or3A_214 = arith.ori %or3A_213, %eq3A_144 : i1
          %convert_element_type3A_215 = arith.extui %or3A_214 : i1 to i32
          %cond3A_216 = arith.constant 0 : i32
          %cond3A_217 = arith.cmpi ne, %convert_element_type3A_215, %cond3A_216 : i32
          scf.if %cond3A_217 {
          } else {
          }
          %rem3A_218 = arith.constant 2 : i32
          %rem3A_219 = arith.remui %while3A_137, %rem3A_218 : i32
          %rem3A_220 = arith.constant 2 : i32
          %rem3A_221 = arith.remui %while3A_138, %rem3A_220 : i32
          %run_scoped3A_222 = arith.constant 0 : i32
          "tpu.trace_start"() <{level = 10 : i32, message = "ep_run_kernel"}> : () -> ()
          "tpu.region"() ({
            %run_scoped3A_287 = tpu.sem_alloc : memref<!tpu.dma_semaphore, #tpu.memory_space<semaphore_mem>>
            %dma_start3A_288 = arith.constant 0 : i32
            %dma_start3A_289 = arith.constant 0 : i32
            %dma_start3A_290 = tpu.memref_slice %run_scoped3A_11[%rem3A_221, %dma_start3A_288, %dma_start3A_289] : memref<2x128x128xf32, #tpu.memory_space<vmem>> -> memref<1x128x128xf32, #tpu.memory_space<vmem>>
            %dma_start3A_291 = tpu.memref_squeeze %dma_start3A_290 : memref<1x128x128xf32, #tpu.memory_space<vmem>> -> memref<128x128xf32, #tpu.memory_space<vmem>>
            %dma_start3A_292 = arith.constant 0 : i32
            %dma_start3A_293 = arith.constant 0 : i32
            %dma_start3A_294 = tpu.memref_slice %run_scoped3A[%rem3A_219, %dma_start3A_292, %dma_start3A_293] : memref<2x1x128xi32, #tpu.memory_space<vmem>> -> memref<1x1x128xi32, #tpu.memory_space<vmem>>
            %dma_start3A_295 = tpu.memref_squeeze %dma_start3A_294 : memref<1x1x128xi32, #tpu.memory_space<vmem>> -> memref<1x128xi32, #tpu.memory_space<vmem>>
            %dma_start3A_296 = arith.constant 0 : i32
            %dma_start3A_297 = tpu.memref_slice %dma_start3A_295[%run_scoped3A_222, %dma_start3A_296] : memref<1x128xi32, #tpu.memory_space<vmem>> -> memref<1x128xi32, #tpu.memory_space<vmem>>
            %dma_start3A_298 = tpu.memref_squeeze %dma_start3A_297 : memref<1x128xi32, #tpu.memory_space<vmem>> -> memref<128xi32, #tpu.memory_space<vmem>>
            %dma_start3A_299 = arith.constant 0 : i32
            %dma_start3A_300 = arith.constant 0 : i32
            %dma_start3A_301 = tpu.memref_slice %arg2[%dma_start3A_299, %dma_start3A_300] : memref<5x128xf32, #tpu.memory_space<hbm>> -> memref<5x128xf32, #tpu.memory_space<hbm>>
            tpu.enqueue_indirect_dma source(%dma_start3A_301 : memref<5x128xf32, #tpu.memory_space<hbm>>) target(%dma_start3A_291 : memref<128x128xf32, #tpu.memory_space<vmem>>) offsets(%dma_start3A_298 : memref<128xi32, #tpu.memory_space<vmem>>) semaphore(%run_scoped3A_287 : memref<!tpu.dma_semaphore, #tpu.memory_space<semaphore_mem>>)
            %dma_wait3A = arith.constant 0 : i32
            %dma_wait3A_302 = arith.constant 0 : i32
            %dma_wait3A_303 = tpu.memref_slice %run_scoped3A_11[%rem3A_221, %dma_wait3A, %dma_wait3A_302] : memref<2x128x128xf32, #tpu.memory_space<vmem>> -> memref<1x128x128xf32, #tpu.memory_space<vmem>>
            %dma_wait3A_304 = tpu.memref_squeeze %dma_wait3A_303 : memref<1x128x128xf32, #tpu.memory_space<vmem>> -> memref<128x128xf32, #tpu.memory_space<vmem>>
            %dma_wait3A_305 = arith.constant 0 : i32
            %dma_wait3A_306 = arith.constant 0 : i32
            %dma_wait3A_307 = tpu.memref_slice %run_scoped3A[%rem3A_219, %dma_wait3A_305, %dma_wait3A_306] : memref<2x1x128xi32, #tpu.memory_space<vmem>> -> memref<1x1x128xi32, #tpu.memory_space<vmem>>
            %dma_wait3A_308 = tpu.memref_squeeze %dma_wait3A_307 : memref<1x1x128xi32, #tpu.memory_space<vmem>> -> memref<1x128xi32, #tpu.memory_space<vmem>>
            %dma_wait3A_309 = arith.constant 0 : i32
            %dma_wait3A_310 = tpu.memref_slice %dma_wait3A_308[%run_scoped3A_222, %dma_wait3A_309] : memref<1x128xi32, #tpu.memory_space<vmem>> -> memref<1x128xi32, #tpu.memory_space<vmem>>
            %dma_wait3A_311 = tpu.memref_squeeze %dma_wait3A_310 : memref<1x128xi32, #tpu.memory_space<vmem>> -> memref<128xi32, #tpu.memory_space<vmem>>
            %dma_wait3A_312 = arith.constant 0 : i32
            %dma_wait3A_313 = arith.constant 0 : i32
            %dma_wait3A_314 = tpu.memref_slice %arg2[%dma_wait3A_312, %dma_wait3A_313] : memref<5x128xf32, #tpu.memory_space<hbm>> -> memref<5x128xf32, #tpu.memory_space<hbm>>
            tpu.wait_indirect_dma semaphore(%run_scoped3A_287 : memref<!tpu.dma_semaphore, #tpu.memory_space<semaphore_mem>>) src(%dma_wait3A_314 : memref<5x128xf32, #tpu.memory_space<hbm>>) dst(%dma_wait3A_304 : memref<128x128xf32, #tpu.memory_space<vmem>>)
            tpu.yield
          }) : () -> ()
          "tpu.trace_stop"() : () -> ()
          %ne3A_223 = arith.cmpi ne, %add3A_148, %add3A_166 : i32
          %or3A_224 = arith.constant false
          %or3A_225 = arith.ori %or3A_224, %ne3A_223 : i1
          %or3A_226 = arith.ori %or3A_225, %eq3A_147 : i1
          %convert_element_type3A_227 = arith.extui %or3A_226 : i1 to i32
          %cond3A_228 = arith.constant 0 : i32
          %cond3A_229 = arith.cmpi ne, %convert_element_type3A_227, %cond3A_228 : i32
          scf.if %cond3A_229 {
          } else {
          }
          %and3A_230 = arith.constant false
          %and3A_231 = arith.andi %or3A_226, %and3A_230 : i1
          %ne3A_232 = arith.cmpi ne, %add3A_148, %add3A_166 : i32
          %or3A_233 = arith.constant false
          %or3A_234 = arith.ori %or3A_233, %ne3A_232 : i1
          %or3A_235 = arith.constant false
          %or3A_236 = arith.ori %or3A_234, %or3A_235 : i1
          %or3A_237 = arith.ori %or3A_236, %eq3A_147 : i1
          %convert_element_type3A_238 = arith.extui %or3A_237 : i1 to i32
          %cond3A_239 = arith.constant 0 : i32
          %cond3A_240 = arith.cmpi ne, %convert_element_type3A_238, %cond3A_239 : i32
          scf.if %cond3A_240 {
            "tpu.trace_start"() <{level = 10 : i32, message = "ep_copy_out"}> : () -> ()
            %rem3A_287 = arith.constant 2 : i32
            %rem3A_288 = arith.remui %while3A_138, %rem3A_287 : i32
            %mul3A_289 = arith.constant 128 : i32
            %mul3A_290 = arith.muli %mul3A_289, %add3A_148 : i32
            %dma_start3A_291 = arith.constant 0 : i32
            %dma_start3A_292 = arith.constant 0 : i32
            %dma_start3A_293 = tpu.memref_slice %run_scoped3A_11[%rem3A_288, %dma_start3A_291, %dma_start3A_292] : memref<2x128x128xf32, #tpu.memory_space<vmem>> -> memref<1x128x128xf32, #tpu.memory_space<vmem>>
            %dma_start3A_294 = tpu.memref_squeeze %dma_start3A_293 : memref<1x128x128xf32, #tpu.memory_space<vmem>> -> memref<128x128xf32, #tpu.memory_space<vmem>>
            %dma_start3A_295 = arith.constant 0 : i32
            %dma_start3A_296 = tpu.memref_slice %arg4[%mul3A_290, %dma_start3A_295] : memref<1024x128xf32, #tpu.memory_space<hbm>> -> memref<128x128xf32, #tpu.memory_space<hbm>>
            %dma_start3A_297 = tpu.memref_slice %run_scoped3A_12[%rem3A_288] : memref<2x!tpu.dma_semaphore, #tpu.memory_space<semaphore_mem>> -> memref<1x!tpu.dma_semaphore, #tpu.memory_space<semaphore_mem>>
            %dma_start3A_298 = tpu.memref_squeeze %dma_start3A_297 : memref<1x!tpu.dma_semaphore, #tpu.memory_space<semaphore_mem>> -> memref<!tpu.dma_semaphore, #tpu.memory_space<semaphore_mem>>
            %dma_start3A_299 = arith.constant 0 : i32
            %dma_start3A_300 = tpu.memref_slice %arg4[%mul3A_290, %dma_start3A_299] : memref<1024x128xf32, #tpu.memory_space<hbm>> -> memref<128x128xf32, #tpu.memory_space<hbm>>
            %dma_start3A_301 = arith.constant 0 : i32
            %dma_start3A_302 = arith.constant 0 : i32
            %dma_start3A_303 = tpu.memref_slice %run_scoped3A_11[%rem3A_288, %dma_start3A_301, %dma_start3A_302] : memref<2x128x128xf32, #tpu.memory_space<vmem>> -> memref<1x128x128xf32, #tpu.memory_space<vmem>>
            %dma_start3A_304 = tpu.memref_squeeze %dma_start3A_303 : memref<1x128x128xf32, #tpu.memory_space<vmem>> -> memref<128x128xf32, #tpu.memory_space<vmem>>
            tpu.enqueue_dma source(%dma_start3A_304 : memref<128x128xf32, #tpu.memory_space<vmem>>) target(%dma_start3A_300 : memref<128x128xf32, #tpu.memory_space<hbm>>) target_semaphore(%dma_start3A_298 : memref<!tpu.dma_semaphore, #tpu.memory_space<semaphore_mem>>)
            "tpu.trace_stop"() : () -> ()
          } else {
          }
          %and3A_241 = arith.constant true
          %and3A_242 = arith.andi %or3A_237, %and3A_241 : i1
          %add3A_243 = arith.constant 1 : i32
          %add3A_244 = arith.addi %while3A_138, %add3A_243 : i32
          %select_n3A_245 = arith.select %and3A_242, %add3A_244, %while3A_138 : i32
          %ne3A_246 = arith.cmpi ne, %add3A_148, %add3A_158 : i32
          %or3A_247 = arith.constant false
          %or3A_248 = arith.ori %or3A_247, %ne3A_246 : i1
          %not3A_249 = arith.constant true
          %not3A_250 = arith.xori %eq3A_144, %not3A_249 : i1
          %and3A_251 = arith.andi %or3A_248, %not3A_250 : i1
          %convert_element_type3A_252 = arith.extui %and3A_251 : i1 to i32
          %cond3A_253 = arith.constant 0 : i32
          %cond3A_254 = arith.cmpi ne, %convert_element_type3A_252, %cond3A_253 : i32
          scf.if %cond3A_254 {
          } else {
          }
          %and3A_255 = arith.constant false
          %and3A_256 = arith.andi %and3A_251, %and3A_255 : i1
          %ne3A_257 = arith.cmpi ne, %add3A_148, %add3A_158 : i32
          %or3A_258 = arith.constant false
          %or3A_259 = arith.ori %or3A_258, %ne3A_257 : i1
          %or3A_260 = arith.constant false
          %or3A_261 = arith.ori %or3A_259, %or3A_260 : i1
          %not3A_262 = arith.constant true
          %not3A_263 = arith.xori %eq3A_144, %not3A_262 : i1
          %and3A_264 = arith.andi %or3A_261, %not3A_263 : i1
          %convert_element_type3A_265 = arith.extui %and3A_264 : i1 to i32
          %cond3A_266 = arith.constant 0 : i32
          %cond3A_267 = arith.cmpi ne, %convert_element_type3A_265, %cond3A_266 : i32
          scf.if %cond3A_267 {
            "tpu.trace_start"() <{level = 10 : i32, message = "ep_wait_out"}> : () -> ()
            %rem3A_287 = arith.constant 2 : i32
            %rem3A_288 = arith.remui %while3A_139, %rem3A_287 : i32
            %mul3A_289 = arith.constant 128 : i32
            %mul3A_290 = arith.muli %mul3A_289, %add3A_158 : i32
            %dma_wait3A = arith.constant 0 : i32
            %dma_wait3A_291 = arith.constant 0 : i32
            %dma_wait3A_292 = tpu.memref_slice %run_scoped3A_11[%rem3A_288, %dma_wait3A, %dma_wait3A_291] : memref<2x128x128xf32, #tpu.memory_space<vmem>> -> memref<1x128x128xf32, #tpu.memory_space<vmem>>
            %dma_wait3A_293 = tpu.memref_squeeze %dma_wait3A_292 : memref<1x128x128xf32, #tpu.memory_space<vmem>> -> memref<128x128xf32, #tpu.memory_space<vmem>>
            %dma_wait3A_294 = arith.constant 0 : i32
            %dma_wait3A_295 = tpu.memref_slice %arg4[%mul3A_290, %dma_wait3A_294] : memref<1024x128xf32, #tpu.memory_space<hbm>> -> memref<128x128xf32, #tpu.memory_space<hbm>>
            %dma_wait3A_296 = tpu.memref_slice %run_scoped3A_12[%rem3A_288] : memref<2x!tpu.dma_semaphore, #tpu.memory_space<semaphore_mem>> -> memref<1x!tpu.dma_semaphore, #tpu.memory_space<semaphore_mem>>
            %dma_wait3A_297 = tpu.memref_squeeze %dma_wait3A_296 : memref<1x!tpu.dma_semaphore, #tpu.memory_space<semaphore_mem>> -> memref<!tpu.dma_semaphore, #tpu.memory_space<semaphore_mem>>
            %dma_wait3A_298 = arith.constant 0 : i32
            %dma_wait3A_299 = tpu.memref_slice %arg4[%mul3A_290, %dma_wait3A_298] : memref<1024x128xf32, #tpu.memory_space<hbm>> -> memref<128x128xf32, #tpu.memory_space<hbm>>
            %dma_wait3A_300 = arith.constant 0 : i32
            %dma_wait3A_301 = arith.constant 0 : i32
            %dma_wait3A_302 = tpu.memref_slice %run_scoped3A_11[%rem3A_288, %dma_wait3A_300, %dma_wait3A_301] : memref<2x128x128xf32, #tpu.memory_space<vmem>> -> memref<1x128x128xf32, #tpu.memory_space<vmem>>
            %dma_wait3A_303 = tpu.memref_squeeze %dma_wait3A_302 : memref<1x128x128xf32, #tpu.memory_space<vmem>> -> memref<128x128xf32, #tpu.memory_space<vmem>>
            tpu.wait_dma2 semaphore(%dma_wait3A_297 : memref<!tpu.dma_semaphore, #tpu.memory_space<semaphore_mem>>) src(%dma_wait3A_303 : memref<128x128xf32, #tpu.memory_space<vmem>>) dst(%dma_wait3A_299 : memref<128x128xf32, #tpu.memory_space<hbm>>)
            "tpu.trace_stop"() : () -> ()
          } else {
          }
          %and3A_268 = arith.constant true
          %and3A_269 = arith.andi %and3A_264, %and3A_268 : i1
          %add3A_270 = arith.constant 1 : i32
          %add3A_271 = arith.addi %while3A_139, %add3A_270 : i32
          %select_n3A_272 = arith.select %and3A_269, %add3A_271, %while3A_139 : i32
          %ne3A_273 = arith.cmpi ne, %add3A_148, %add3A_166 : i32
          %or3A_274 = arith.constant false
          %or3A_275 = arith.ori %or3A_274, %ne3A_273 : i1
          %or3A_276 = arith.ori %or3A_275, %eq3A_147 : i1
          %add3A_277 = arith.constant 1 : i32
          %add3A_278 = arith.addi %while3A_137, %add3A_277 : i32
          %select_n3A_279 = arith.select %or3A_276, %add3A_278, %while3A_137 : i32
          %add3A_280 = arith.constant 1 : i32
          %add3A_281 = arith.addi %while3A_140, %add3A_280 : i32
          %select_n3A_282 = arith.constant true
          %select_n3A_283 = arith.select %select_n3A_282, %add3A_281, %while3A_140 : i32
          %eq3A_284 = arith.cmpi eq, %select_n3A_283, %select_n3A : i32
          %select_n3A_285 = arith.constant 0 : i32
          %select_n3A_286 = arith.select %eq3A_284, %select_n3A_285, %select_n3A_283 : i32
          scf.yield %select_n3A_188, %select_n3A_279, %select_n3A_245, %select_n3A_272, %select_n3A_286 : i32, i32, i32, i32, i32
        }
        %while3A_82 = arith.constant 1 : i32
        %while3A_83:5 = scf.for %while3A_135 = %while3A_79 to %while3A_75 step %while3A_82 iter_args(%while3A_136 = %while3A_81#0, %while3A_137 = %while3A_81#1, %while3A_138 = %while3A_81#2, %while3A_139 = %while3A_81#3, %while3A_140 = %while3A_81#4) -> (i32, i32, i32, i32, i32)  : i32 {
          %mul3A_141 = arith.constant 1 : i32
          %mul3A_142 = arith.muli %mul3A_141, %select_n3A : i32
          %eq3A_143 = arith.constant 0 : i32
          %eq3A_144 = arith.cmpi eq, %while3A_135, %eq3A_143 : i32
          %sub3A_145 = arith.constant 1 : i32
          %sub3A_146 = arith.subi %mul3A_142, %sub3A_145 : i32
          %eq3A_147 = arith.cmpi eq, %while3A_135, %sub3A_146 : i32
          %add3A_148 = arith.addi %while3A_140, %select_n3A_7 : i32
          %sub3A_149 = arith.constant 1 : i32
          %sub3A_150 = arith.subi %while3A_140, %sub3A_149 : i32
          %select_n3A_151 = arith.constant true
          %select_n3A_152 = arith.select %select_n3A_151, %sub3A_150, %while3A_140 : i32
          %eq3A_153 = arith.constant -1 : i32
          %eq3A_154 = arith.cmpi eq, %select_n3A_152, %eq3A_153 : i32
          %sub3A_155 = arith.constant 1 : i32
          %sub3A_156 = arith.subi %select_n3A, %sub3A_155 : i32
          %select_n3A_157 = arith.select %eq3A_154, %sub3A_156, %select_n3A_152 : i32
          %add3A_158 = arith.addi %select_n3A_157, %select_n3A_7 : i32
          %add3A_159 = arith.constant 1 : i32
          %add3A_160 = arith.addi %while3A_140, %add3A_159 : i32
          %select_n3A_161 = arith.constant true
          %select_n3A_162 = arith.select %select_n3A_161, %add3A_160, %while3A_140 : i32
          %eq3A_163 = arith.cmpi eq, %select_n3A_162, %select_n3A : i32
          %select_n3A_164 = arith.constant 0 : i32
          %select_n3A_165 = arith.select %eq3A_163, %select_n3A_164, %select_n3A_162 : i32
          %add3A_166 = arith.addi %select_n3A_165, %select_n3A_7 : i32
          %add3A_167 = arith.constant 1 : i32
          %add3A_168 = arith.addi %select_n3A_165, %add3A_167 : i32
          %select_n3A_169 = arith.constant true
          %select_n3A_170 = arith.select %select_n3A_169, %add3A_168, %select_n3A_165 : i32
          %eq3A_171 = arith.cmpi eq, %select_n3A_170, %select_n3A : i32
          %select_n3A_172 = arith.constant 0 : i32
          %select_n3A_173 = arith.select %eq3A_171, %select_n3A_172, %select_n3A_170 : i32
          %add3A_174 = arith.addi %select_n3A_173, %select_n3A_7 : i32
          %ne3A = arith.cmpi ne, %add3A_148, %add3A_166 : i32
          %or3A = arith.constant false
          %or3A_175 = arith.ori %or3A, %ne3A : i1
          %sub3A_176 = arith.constant 2 : i32
          %sub3A_177 = arith.subi %mul3A_142, %sub3A_176 : i32
          %add3A_178 = arith.constant 1 : i32
          %add3A_179 = arith.addi %sub3A_177, %add3A_178 : i32
          %ge3A = arith.cmpi sge, %while3A_135, %add3A_179 : i32
          %not3A = arith.constant true
          %not3A_180 = arith.xori %ge3A, %not3A : i1
          %and3A = arith.andi %or3A_175, %not3A_180 : i1
          %convert_element_type3A_181 = arith.extui %and3A : i1 to i32
          %cond3A_182 = arith.constant 0 : i32
          %cond3A_183 = arith.cmpi ne, %convert_element_type3A_181, %cond3A_182 : i32
          scf.if %cond3A_183 {
            "tpu.trace_start"() <{level = 10 : i32, message = "ep_copy_in"}> : () -> ()
            %rem3A_287 = arith.constant 2 : i32
            %rem3A_288 = arith.remui %while3A_136, %rem3A_287 : i32
            %mul3A_289 = arith.constant 128 : i32
            %mul3A_290 = arith.muli %mul3A_289, %add3A_166 : i32
            %dma_start3A_291 = arith.constant 0 : i32
            %dma_start3A_292 = arith.constant 0 : i32
            %dma_start3A_293 = tpu.memref_slice %run_scoped3A[%rem3A_288, %dma_start3A_291, %dma_start3A_292] : memref<2x1x128xi32, #tpu.memory_space<vmem>> -> memref<1x1x128xi32, #tpu.memory_space<vmem>>
            %dma_start3A_294 = tpu.memref_squeeze %dma_start3A_293 : memref<1x1x128xi32, #tpu.memory_space<vmem>> -> memref<1x128xi32, #tpu.memory_space<vmem>>
            %dma_start3A_295 = arith.constant 0 : i32
            %dma_start3A_296 = tpu.memref_slice %arg3[%dma_start3A_295, %mul3A_290] : memref<1x1024xi32, #tpu.memory_space<hbm>> -> memref<1x128xi32, #tpu.memory_space<hbm>>
            %dma_start3A_297 = tpu.memref_slice %run_scoped3A_10[%rem3A_288] : memref<2x!tpu.dma_semaphore, #tpu.memory_space<semaphore_mem>> -> memref<1x!tpu.dma_semaphore, #tpu.memory_space<semaphore_mem>>
            %dma_start3A_298 = tpu.memref_squeeze %dma_start3A_297 : memref<1x!tpu.dma_semaphore, #tpu.memory_space<semaphore_mem>> -> memref<!tpu.dma_semaphore, #tpu.memory_space<semaphore_mem>>
            %dma_start3A_299 = arith.constant 0 : i32
            %dma_start3A_300 = arith.constant 0 : i32
            %dma_start3A_301 = tpu.memref_slice %run_scoped3A[%rem3A_288, %dma_start3A_299, %dma_start3A_300] : memref<2x1x128xi32, #tpu.memory_space<vmem>> -> memref<1x1x128xi32, #tpu.memory_space<vmem>>
            %dma_start3A_302 = tpu.memref_squeeze %dma_start3A_301 : memref<1x1x128xi32, #tpu.memory_space<vmem>> -> memref<1x128xi32, #tpu.memory_space<vmem>>
            %dma_start3A_303 = arith.constant 0 : i32
            %dma_start3A_304 = tpu.memref_slice %arg3[%dma_start3A_303, %mul3A_290] : memref<1x1024xi32, #tpu.memory_space<hbm>> -> memref<1x128xi32, #tpu.memory_space<hbm>>
            tpu.enqueue_dma source(%dma_start3A_304 : memref<1x128xi32, #tpu.memory_space<hbm>>) target(%dma_start3A_302 : memref<1x128xi32, #tpu.memory_space<vmem>>) target_semaphore(%dma_start3A_298 : memref<!tpu.dma_semaphore, #tpu.memory_space<semaphore_mem>>)
            "tpu.trace_stop"() : () -> ()
          } else {
          }
          %and3A_184 = arith.constant true
          %and3A_185 = arith.andi %and3A, %and3A_184 : i1
          %add3A_186 = arith.constant 1 : i32
          %add3A_187 = arith.addi %while3A_136, %add3A_186 : i32
          %select_n3A_188 = arith.select %and3A_185, %add3A_187, %while3A_136 : i32
          %ne3A_189 = arith.cmpi ne, %add3A_148, %add3A_166 : i32
          %or3A_190 = arith.constant false
          %or3A_191 = arith.ori %or3A_190, %ne3A_189 : i1
          %or3A_192 = arith.constant false
          %or3A_193 = arith.ori %or3A_191, %or3A_192 : i1
          %sub3A_194 = arith.constant 2 : i32
          %sub3A_195 = arith.subi %mul3A_142, %sub3A_194 : i32
          %add3A_196 = arith.constant 1 : i32
          %add3A_197 = arith.addi %sub3A_195, %add3A_196 : i32
          %ge3A_198 = arith.cmpi sge, %while3A_135, %add3A_197 : i32
          %not3A_199 = arith.constant true
          %not3A_200 = arith.xori %ge3A_198, %not3A_199 : i1
          %and3A_201 = arith.andi %or3A_193, %not3A_200 : i1
          %ne3A_202 = arith.cmpi ne, %add3A_148, %add3A_158 : i32
          %or3A_203 = arith.constant false
          %or3A_204 = arith.ori %or3A_203, %ne3A_202 : i1
          %or3A_205 = arith.ori %or3A_204, %eq3A_144 : i1
          %convert_element_type3A_206 = arith.extui %or3A_205 : i1 to i32
          %cond3A_207 = arith.constant 0 : i32
          %cond3A_208 = arith.cmpi ne, %convert_element_type3A_206, %cond3A_207 : i32
          scf.if %cond3A_208 {
            "tpu.trace_start"() <{level = 10 : i32, message = "ep_wait_in"}> : () -> ()
            %mul3A_287 = arith.constant 128 : i32
            %mul3A_288 = arith.muli %mul3A_287, %add3A_148 : i32
            %rem3A_289 = arith.constant 2 : i32
            %rem3A_290 = arith.remui %while3A_137, %rem3A_289 : i32
            %dma_wait3A = arith.constant 0 : i32
            %dma_wait3A_291 = arith.constant 0 : i32
            %dma_wait3A_292 = tpu.memref_slice %run_scoped3A[%rem3A_290, %dma_wait3A, %dma_wait3A_291] : memref<2x1x128xi32, #tpu.memory_space<vmem>> -> memref<1x1x128xi32, #tpu.memory_space<vmem>>
            %dma_wait3A_293 = tpu.memref_squeeze %dma_wait3A_292 : memref<1x1x128xi32, #tpu.memory_space<vmem>> -> memref<1x128xi32, #tpu.memory_space<vmem>>
            %dma_wait3A_294 = arith.constant 0 : i32
            %dma_wait3A_295 = tpu.memref_slice %arg3[%dma_wait3A_294, %mul3A_288] : memref<1x1024xi32, #tpu.memory_space<hbm>> -> memref<1x128xi32, #tpu.memory_space<hbm>>
            %dma_wait3A_296 = tpu.memref_slice %run_scoped3A_10[%rem3A_290] : memref<2x!tpu.dma_semaphore, #tpu.memory_space<semaphore_mem>> -> memref<1x!tpu.dma_semaphore, #tpu.memory_space<semaphore_mem>>
            %dma_wait3A_297 = tpu.memref_squeeze %dma_wait3A_296 : memref<1x!tpu.dma_semaphore, #tpu.memory_space<semaphore_mem>> -> memref<!tpu.dma_semaphore, #tpu.memory_space<semaphore_mem>>
            %dma_wait3A_298 = arith.constant 0 : i32
            %dma_wait3A_299 = arith.constant 0 : i32
            %dma_wait3A_300 = tpu.memref_slice %run_scoped3A[%rem3A_290, %dma_wait3A_298, %dma_wait3A_299] : memref<2x1x128xi32, #tpu.memory_space<vmem>> -> memref<1x1x128xi32, #tpu.memory_space<vmem>>
            %dma_wait3A_301 = tpu.memref_squeeze %dma_wait3A_300 : memref<1x1x128xi32, #tpu.memory_space<vmem>> -> memref<1x128xi32, #tpu.memory_space<vmem>>
            %dma_wait3A_302 = arith.constant 0 : i32
            %dma_wait3A_303 = tpu.memref_slice %arg3[%dma_wait3A_302, %mul3A_288] : memref<1x1024xi32, #tpu.memory_space<hbm>> -> memref<1x128xi32, #tpu.memory_space<hbm>>
            tpu.wait_dma2 semaphore(%dma_wait3A_297 : memref<!tpu.dma_semaphore, #tpu.memory_space<semaphore_mem>>) src(%dma_wait3A_303 : memref<1x128xi32, #tpu.memory_space<hbm>>) dst(%dma_wait3A_301 : memref<1x128xi32, #tpu.memory_space<vmem>>)
            "tpu.trace_stop"() : () -> ()
          } else {
          }
          %ne3A_209 = arith.cmpi ne, %add3A_148, %add3A_158 : i32
          %or3A_210 = arith.constant false
          %or3A_211 = arith.ori %or3A_210, %ne3A_209 : i1
          %or3A_212 = arith.constant false
          %or3A_213 = arith.ori %or3A_211, %or3A_212 : i1
          %or3A_214 = arith.ori %or3A_213, %eq3A_144 : i1
          %convert_element_type3A_215 = arith.extui %or3A_214 : i1 to i32
          %cond3A_216 = arith.constant 0 : i32
          %cond3A_217 = arith.cmpi ne, %convert_element_type3A_215, %cond3A_216 : i32
          scf.if %cond3A_217 {
          } else {
          }
          %rem3A_218 = arith.constant 2 : i32
          %rem3A_219 = arith.remui %while3A_137, %rem3A_218 : i32
          %rem3A_220 = arith.constant 2 : i32
          %rem3A_221 = arith.remui %while3A_138, %rem3A_220 : i32
          %run_scoped3A_222 = arith.constant 0 : i32
          "tpu.trace_start"() <{level = 10 : i32, message = "ep_run_kernel"}> : () -> ()
          "tpu.region"() ({
            %run_scoped3A_287 = tpu.sem_alloc : memref<!tpu.dma_semaphore, #tpu.memory_space<semaphore_mem>>
            %dma_start3A_288 = arith.constant 0 : i32
            %dma_start3A_289 = arith.constant 0 : i32
            %dma_start3A_290 = tpu.memref_slice %run_scoped3A_11[%rem3A_221, %dma_start3A_288, %dma_start3A_289] : memref<2x128x128xf32, #tpu.memory_space<vmem>> -> memref<1x128x128xf32, #tpu.memory_space<vmem>>
            %dma_start3A_291 = tpu.memref_squeeze %dma_start3A_290 : memref<1x128x128xf32, #tpu.memory_space<vmem>> -> memref<128x128xf32, #tpu.memory_space<vmem>>
            %dma_start3A_292 = arith.constant 0 : i32
            %dma_start3A_293 = arith.constant 0 : i32
            %dma_start3A_294 = tpu.memref_slice %run_scoped3A[%rem3A_219, %dma_start3A_292, %dma_start3A_293] : memref<2x1x128xi32, #tpu.memory_space<vmem>> -> memref<1x1x128xi32, #tpu.memory_space<vmem>>
            %dma_start3A_295 = tpu.memref_squeeze %dma_start3A_294 : memref<1x1x128xi32, #tpu.memory_space<vmem>> -> memref<1x128xi32, #tpu.memory_space<vmem>>
            %dma_start3A_296 = arith.constant 0 : i32
            %dma_start3A_297 = tpu.memref_slice %dma_start3A_295[%run_scoped3A_222, %dma_start3A_296] : memref<1x128xi32, #tpu.memory_space<vmem>> -> memref<1x128xi32, #tpu.memory_space<vmem>>
            %dma_start3A_298 = tpu.memref_squeeze %dma_start3A_297 : memref<1x128xi32, #tpu.memory_space<vmem>> -> memref<128xi32, #tpu.memory_space<vmem>>
            %dma_start3A_299 = arith.constant 0 : i32
            %dma_start3A_300 = arith.constant 0 : i32
            %dma_start3A_301 = tpu.memref_slice %arg2[%dma_start3A_299, %dma_start3A_300] : memref<5x128xf32, #tpu.memory_space<hbm>> -> memref<5x128xf32, #tpu.memory_space<hbm>>
            tpu.enqueue_indirect_dma source(%dma_start3A_301 : memref<5x128xf32, #tpu.memory_space<hbm>>) target(%dma_start3A_291 : memref<128x128xf32, #tpu.memory_space<vmem>>) offsets(%dma_start3A_298 : memref<128xi32, #tpu.memory_space<vmem>>) semaphore(%run_scoped3A_287 : memref<!tpu.dma_semaphore, #tpu.memory_space<semaphore_mem>>)
            %dma_wait3A = arith.constant 0 : i32
            %dma_wait3A_302 = arith.constant 0 : i32
            %dma_wait3A_303 = tpu.memref_slice %run_scoped3A_11[%rem3A_221, %dma_wait3A, %dma_wait3A_302] : memref<2x128x128xf32, #tpu.memory_space<vmem>> -> memref<1x128x128xf32, #tpu.memory_space<vmem>>
            %dma_wait3A_304 = tpu.memref_squeeze %dma_wait3A_303 : memref<1x128x128xf32, #tpu.memory_space<vmem>> -> memref<128x128xf32, #tpu.memory_space<vmem>>
            %dma_wait3A_305 = arith.constant 0 : i32
            %dma_wait3A_306 = arith.constant 0 : i32
            %dma_wait3A_307 = tpu.memref_slice %run_scoped3A[%rem3A_219, %dma_wait3A_305, %dma_wait3A_306] : memref<2x1x128xi32, #tpu.memory_space<vmem>> -> memref<1x1x128xi32, #tpu.memory_space<vmem>>
            %dma_wait3A_308 = tpu.memref_squeeze %dma_wait3A_307 : memref<1x1x128xi32, #tpu.memory_space<vmem>> -> memref<1x128xi32, #tpu.memory_space<vmem>>
            %dma_wait3A_309 = arith.constant 0 : i32
            %dma_wait3A_310 = tpu.memref_slice %dma_wait3A_308[%run_scoped3A_222, %dma_wait3A_309] : memref<1x128xi32, #tpu.memory_space<vmem>> -> memref<1x128xi32, #tpu.memory_space<vmem>>
            %dma_wait3A_311 = tpu.memref_squeeze %dma_wait3A_310 : memref<1x128xi32, #tpu.memory_space<vmem>> -> memref<128xi32, #tpu.memory_space<vmem>>
            %dma_wait3A_312 = arith.constant 0 : i32
            %dma_wait3A_313 = arith.constant 0 : i32
            %dma_wait3A_314 = tpu.memref_slice %arg2[%dma_wait3A_312, %dma_wait3A_313] : memref<5x128xf32, #tpu.memory_space<hbm>> -> memref<5x128xf32, #tpu.memory_space<hbm>>
            tpu.wait_indirect_dma semaphore(%run_scoped3A_287 : memref<!tpu.dma_semaphore, #tpu.memory_space<semaphore_mem>>) src(%dma_wait3A_314 : memref<5x128xf32, #tpu.memory_space<hbm>>) dst(%dma_wait3A_304 : memref<128x128xf32, #tpu.memory_space<vmem>>)
            tpu.yield
          }) : () -> ()
          "tpu.trace_stop"() : () -> ()
          %ne3A_223 = arith.cmpi ne, %add3A_148, %add3A_166 : i32
          %or3A_224 = arith.constant false
          %or3A_225 = arith.ori %or3A_224, %ne3A_223 : i1
          %or3A_226 = arith.ori %or3A_225, %eq3A_147 : i1
          %convert_element_type3A_227 = arith.extui %or3A_226 : i1 to i32
          %cond3A_228 = arith.constant 0 : i32
          %cond3A_229 = arith.cmpi ne, %convert_element_type3A_227, %cond3A_228 : i32
          scf.if %cond3A_229 {
          } else {
          }
          %and3A_230 = arith.constant false
          %and3A_231 = arith.andi %or3A_226, %and3A_230 : i1
          %ne3A_232 = arith.cmpi ne, %add3A_148, %add3A_166 : i32
          %or3A_233 = arith.constant false
          %or3A_234 = arith.ori %or3A_233, %ne3A_232 : i1
          %or3A_235 = arith.constant false
          %or3A_236 = arith.ori %or3A_234, %or3A_235 : i1
          %or3A_237 = arith.ori %or3A_236, %eq3A_147 : i1
          %convert_element_type3A_238 = arith.extui %or3A_237 : i1 to i32
          %cond3A_239 = arith.constant 0 : i32
          %cond3A_240 = arith.cmpi ne, %convert_element_type3A_238, %cond3A_239 : i32
          scf.if %cond3A_240 {
            "tpu.trace_start"() <{level = 10 : i32, message = "ep_copy_out"}> : () -> ()
            %rem3A_287 = arith.constant 2 : i32
            %rem3A_288 = arith.remui %while3A_138, %rem3A_287 : i32
            %mul3A_289 = arith.constant 128 : i32
            %mul3A_290 = arith.muli %mul3A_289, %add3A_148 : i32
            %dma_start3A_291 = arith.constant 0 : i32
            %dma_start3A_292 = arith.constant 0 : i32
            %dma_start3A_293 = tpu.memref_slice %run_scoped3A_11[%rem3A_288, %dma_start3A_291, %dma_start3A_292] : memref<2x128x128xf32, #tpu.memory_space<vmem>> -> memref<1x128x128xf32, #tpu.memory_space<vmem>>
            %dma_start3A_294 = tpu.memref_squeeze %dma_start3A_293 : memref<1x128x128xf32, #tpu.memory_space<vmem>> -> memref<128x128xf32, #tpu.memory_space<vmem>>
            %dma_start3A_295 = arith.constant 0 : i32
            %dma_start3A_296 = tpu.memref_slice %arg4[%mul3A_290, %dma_start3A_295] : memref<1024x128xf32, #tpu.memory_space<hbm>> -> memref<128x128xf32, #tpu.memory_space<hbm>>
            %dma_start3A_297 = tpu.memref_slice %run_scoped3A_12[%rem3A_288] : memref<2x!tpu.dma_semaphore, #tpu.memory_space<semaphore_mem>> -> memref<1x!tpu.dma_semaphore, #tpu.memory_space<semaphore_mem>>
            %dma_start3A_298 = tpu.memref_squeeze %dma_start3A_297 : memref<1x!tpu.dma_semaphore, #tpu.memory_space<semaphore_mem>> -> memref<!tpu.dma_semaphore, #tpu.memory_space<semaphore_mem>>
            %dma_start3A_299 = arith.constant 0 : i32
            %dma_start3A_300 = tpu.memref_slice %arg4[%mul3A_290, %dma_start3A_299] : memref<1024x128xf32, #tpu.memory_space<hbm>> -> memref<128x128xf32, #tpu.memory_space<hbm>>
            %dma_start3A_301 = arith.constant 0 : i32
            %dma_start3A_302 = arith.constant 0 : i32
            %dma_start3A_303 = tpu.memref_slice %run_scoped3A_11[%rem3A_288, %dma_start3A_301, %dma_start3A_302] : memref<2x128x128xf32, #tpu.memory_space<vmem>> -> memref<1x128x128xf32, #tpu.memory_space<vmem>>
            %dma_start3A_304 = tpu.memref_squeeze %dma_start3A_303 : memref<1x128x128xf32, #tpu.memory_space<vmem>> -> memref<128x128xf32, #tpu.memory_space<vmem>>
            tpu.enqueue_dma source(%dma_start3A_304 : memref<128x128xf32, #tpu.memory_space<vmem>>) target(%dma_start3A_300 : memref<128x128xf32, #tpu.memory_space<hbm>>) target_semaphore(%dma_start3A_298 : memref<!tpu.dma_semaphore, #tpu.memory_space<semaphore_mem>>)
            "tpu.trace_stop"() : () -> ()
          } else {
          }
          %and3A_241 = arith.constant true
          %and3A_242 = arith.andi %or3A_237, %and3A_241 : i1
          %add3A_243 = arith.constant 1 : i32
          %add3A_244 = arith.addi %while3A_138, %add3A_243 : i32
          %select_n3A_245 = arith.select %and3A_242, %add3A_244, %while3A_138 : i32
          %ne3A_246 = arith.cmpi ne, %add3A_148, %add3A_158 : i32
          %or3A_247 = arith.constant false
          %or3A_248 = arith.ori %or3A_247, %ne3A_246 : i1
          %not3A_249 = arith.constant true
          %not3A_250 = arith.xori %eq3A_144, %not3A_249 : i1
          %and3A_251 = arith.andi %or3A_248, %not3A_250 : i1
          %convert_element_type3A_252 = arith.extui %and3A_251 : i1 to i32
          %cond3A_253 = arith.constant 0 : i32
          %cond3A_254 = arith.cmpi ne, %convert_element_type3A_252, %cond3A_253 : i32
          scf.if %cond3A_254 {
          } else {
          }
          %and3A_255 = arith.constant false
          %and3A_256 = arith.andi %and3A_251, %and3A_255 : i1
          %ne3A_257 = arith.cmpi ne, %add3A_148, %add3A_158 : i32
          %or3A_258 = arith.constant false
          %or3A_259 = arith.ori %or3A_258, %ne3A_257 : i1
          %or3A_260 = arith.constant false
          %or3A_261 = arith.ori %or3A_259, %or3A_260 : i1
          %not3A_262 = arith.constant true
          %not3A_263 = arith.xori %eq3A_144, %not3A_262 : i1
          %and3A_264 = arith.andi %or3A_261, %not3A_263 : i1
          %convert_element_type3A_265 = arith.extui %and3A_264 : i1 to i32
          %cond3A_266 = arith.constant 0 : i32
          %cond3A_267 = arith.cmpi ne, %convert_element_type3A_265, %cond3A_266 : i32
          scf.if %cond3A_267 {
            "tpu.trace_start"() <{level = 10 : i32, message = "ep_wait_out"}> : () -> ()
            %rem3A_287 = arith.constant 2 : i32
            %rem3A_288 = arith.remui %while3A_139, %rem3A_287 : i32
            %mul3A_289 = arith.constant 128 : i32
            %mul3A_290 = arith.muli %mul3A_289, %add3A_158 : i32
            %dma_wait3A = arith.constant 0 : i32
            %dma_wait3A_291 = arith.constant 0 : i32
            %dma_wait3A_292 = tpu.memref_slice %run_scoped3A_11[%rem3A_288, %dma_wait3A, %dma_wait3A_291] : memref<2x128x128xf32, #tpu.memory_space<vmem>> -> memref<1x128x128xf32, #tpu.memory_space<vmem>>
            %dma_wait3A_293 = tpu.memref_squeeze %dma_wait3A_292 : memref<1x128x128xf32, #tpu.memory_space<vmem>> -> memref<128x128xf32, #tpu.memory_space<vmem>>
            %dma_wait3A_294 = arith.constant 0 : i32
            %dma_wait3A_295 = tpu.memref_slice %arg4[%mul3A_290, %dma_wait3A_294] : memref<1024x128xf32, #tpu.memory_space<hbm>> -> memref<128x128xf32, #tpu.memory_space<hbm>>
            %dma_wait3A_296 = tpu.memref_slice %run_scoped3A_12[%rem3A_288] : memref<2x!tpu.dma_semaphore, #tpu.memory_space<semaphore_mem>> -> memref<1x!tpu.dma_semaphore, #tpu.memory_space<semaphore_mem>>
            %dma_wait3A_297 = tpu.memref_squeeze %dma_wait3A_296 : memref<1x!tpu.dma_semaphore, #tpu.memory_space<semaphore_mem>> -> memref<!tpu.dma_semaphore, #tpu.memory_space<semaphore_mem>>
            %dma_wait3A_298 = arith.constant 0 : i32
            %dma_wait3A_299 = tpu.memref_slice %arg4[%mul3A_290, %dma_wait3A_298] : memref<1024x128xf32, #tpu.memory_space<hbm>> -> memref<128x128xf32, #tpu.memory_space<hbm>>
            %dma_wait3A_300 = arith.constant 0 : i32
            %dma_wait3A_301 = arith.constant 0 : i32
            %dma_wait3A_302 = tpu.memref_slice %run_scoped3A_11[%rem3A_288, %dma_wait3A_300, %dma_wait3A_301] : memref<2x128x128xf32, #tpu.memory_space<vmem>> -> memref<1x128x128xf32, #tpu.memory_space<vmem>>
            %dma_wait3A_303 = tpu.memref_squeeze %dma_wait3A_302 : memref<1x128x128xf32, #tpu.memory_space<vmem>> -> memref<128x128xf32, #tpu.memory_space<vmem>>
            tpu.wait_dma2 semaphore(%dma_wait3A_297 : memref<!tpu.dma_semaphore, #tpu.memory_space<semaphore_mem>>) src(%dma_wait3A_303 : memref<128x128xf32, #tpu.memory_space<vmem>>) dst(%dma_wait3A_299 : memref<128x128xf32, #tpu.memory_space<hbm>>)
            "tpu.trace_stop"() : () -> ()
          } else {
          }
          %and3A_268 = arith.constant true
          %and3A_269 = arith.andi %and3A_264, %and3A_268 : i1
          %add3A_270 = arith.constant 1 : i32
          %add3A_271 = arith.addi %while3A_139, %add3A_270 : i32
          %select_n3A_272 = arith.select %and3A_269, %add3A_271, %while3A_139 : i32
          %ne3A_273 = arith.cmpi ne, %add3A_148, %add3A_166 : i32
          %or3A_274 = arith.constant false
          %or3A_275 = arith.ori %or3A_274, %ne3A_273 : i1
          %or3A_276 = arith.ori %or3A_275, %eq3A_147 : i1
          %add3A_277 = arith.constant 1 : i32
          %add3A_278 = arith.addi %while3A_137, %add3A_277 : i32
          %select_n3A_279 = arith.select %or3A_276, %add3A_278, %while3A_137 : i32
          %add3A_280 = arith.constant 1 : i32
          %add3A_281 = arith.addi %while3A_140, %add3A_280 : i32
          %select_n3A_282 = arith.constant true
          %select_n3A_283 = arith.select %select_n3A_282, %add3A_281, %while3A_140 : i32
          %eq3A_284 = arith.cmpi eq, %select_n3A_283, %select_n3A : i32
          %select_n3A_285 = arith.constant 0 : i32
          %select_n3A_286 = arith.select %eq3A_284, %select_n3A_285, %select_n3A_283 : i32
          scf.yield %select_n3A_188, %select_n3A_279, %select_n3A_245, %select_n3A_272, %select_n3A_286 : i32, i32, i32, i32, i32
        }
        %sub3A_84 = arith.constant 1 : i32
        %sub3A_85 = arith.subi %while3A_83#4, %sub3A_84 : i32
        %select_n3A_86 = arith.constant true
        %select_n3A_87 = arith.select %select_n3A_86, %sub3A_85, %while3A_83#4 : i32
        %eq3A_88 = arith.constant -1 : i32
        %eq3A_89 = arith.cmpi eq, %select_n3A_87, %eq3A_88 : i32
        %sub3A_90 = arith.constant 1 : i32
        %sub3A_91 = arith.subi %select_n3A, %sub3A_90 : i32
        %select_n3A_92 = arith.select %eq3A_89, %sub3A_91, %select_n3A_87 : i32
        %sub3A_93 = arith.constant 1 : i32
        %sub3A_94 = arith.subi %mul3A_9, %sub3A_93 : i32
        %mul3A_95 = arith.constant 1 : i32
        %mul3A_96 = arith.muli %mul3A_95, %select_n3A : i32
        %eq3A_97 = arith.constant 0 : i32
        %eq3A_98 = arith.cmpi eq, %sub3A_94, %eq3A_97 : i32
        %sub3A_99 = arith.constant 1 : i32
        %sub3A_100 = arith.subi %mul3A_96, %sub3A_99 : i32
        %eq3A_101 = arith.cmpi eq, %sub3A_94, %sub3A_100 : i32
        %add3A_102 = arith.addi %select_n3A_92, %select_n3A_7 : i32
        %sub3A_103 = arith.constant 1 : i32
        %sub3A_104 = arith.subi %select_n3A_92, %sub3A_103 : i32
        %select_n3A_105 = arith.constant true
        %select_n3A_106 = arith.select %select_n3A_105, %sub3A_104, %select_n3A_92 : i32
        %eq3A_107 = arith.constant -1 : i32
        %eq3A_108 = arith.cmpi eq, %select_n3A_106, %eq3A_107 : i32
        %sub3A_109 = arith.constant 1 : i32
        %sub3A_110 = arith.subi %select_n3A, %sub3A_109 : i32
        %select_n3A_111 = arith.select %eq3A_108, %sub3A_110, %select_n3A_106 : i32
        %add3A_112 = arith.addi %select_n3A_111, %select_n3A_7 : i32
        %add3A_113 = arith.constant 1 : i32
        %add3A_114 = arith.addi %select_n3A_92, %add3A_113 : i32
        %select_n3A_115 = arith.constant true
        %select_n3A_116 = arith.select %select_n3A_115, %add3A_114, %select_n3A_92 : i32
        %eq3A_117 = arith.cmpi eq, %select_n3A_116, %select_n3A : i32
        %select_n3A_118 = arith.constant 0 : i32
        %select_n3A_119 = arith.select %eq3A_117, %select_n3A_118, %select_n3A_116 : i32
        %add3A_120 = arith.addi %select_n3A_119, %select_n3A_7 : i32
        %add3A_121 = arith.constant 1 : i32
        %add3A_122 = arith.addi %select_n3A_119, %add3A_121 : i32
        %select_n3A_123 = arith.constant true
        %select_n3A_124 = arith.select %select_n3A_123, %add3A_122, %select_n3A_119 : i32
        %eq3A_125 = arith.cmpi eq, %select_n3A_124, %select_n3A : i32
        %select_n3A_126 = arith.constant 0 : i32
        %select_n3A_127 = arith.select %eq3A_125, %select_n3A_126, %select_n3A_124 : i32
        %add3A_128 = arith.addi %select_n3A_127, %select_n3A_7 : i32
        %convert_element_type3A_129 = arith.extui %eq3A_101 : i1 to i32
        %cond3A_130 = arith.constant 0 : i32
        %cond3A_131 = arith.cmpi ne, %convert_element_type3A_129, %cond3A_130 : i32
        scf.if %cond3A_131 {
        } else {
        }
        %convert_element_type3A_132 = arith.extui %eq3A_101 : i1 to i32
        %cond3A_133 = arith.constant 0 : i32
        %cond3A_134 = arith.cmpi ne, %convert_element_type3A_132, %cond3A_133 : i32
        scf.if %cond3A_134 {
          "tpu.trace_start"() <{level = 10 : i32, message = "ep_finalize"}> : () -> ()
          %rem3A_135 = arith.constant 2 : i32
          %rem3A_136 = arith.remui %while3A_83#3, %rem3A_135 : i32
          %mul3A_137 = arith.constant 128 : i32
          %mul3A_138 = arith.muli %mul3A_137, %add3A_102 : i32
          %dma_wait3A = arith.constant 0 : i32
          %dma_wait3A_139 = arith.constant 0 : i32
          %dma_wait3A_140 = tpu.memref_slice %run_scoped3A_11[%rem3A_136, %dma_wait3A, %dma_wait3A_139] : memref<2x128x128xf32, #tpu.memory_space<vmem>> -> memref<1x128x128xf32, #tpu.memory_space<vmem>>
          %dma_wait3A_141 = tpu.memref_squeeze %dma_wait3A_140 : memref<1x128x128xf32, #tpu.memory_space<vmem>> -> memref<128x128xf32, #tpu.memory_space<vmem>>
          %dma_wait3A_142 = arith.constant 0 : i32
          %dma_wait3A_143 = tpu.memref_slice %arg4[%mul3A_138, %dma_wait3A_142] : memref<1024x128xf32, #tpu.memory_space<hbm>> -> memref<128x128xf32, #tpu.memory_space<hbm>>
          %dma_wait3A_144 = tpu.memref_slice %run_scoped3A_12[%rem3A_136] : memref<2x!tpu.dma_semaphore, #tpu.memory_space<semaphore_mem>> -> memref<1x!tpu.dma_semaphore, #tpu.memory_space<semaphore_mem>>
          %dma_wait3A_145 = tpu.memref_squeeze %dma_wait3A_144 : memref<1x!tpu.dma_semaphore, #tpu.memory_space<semaphore_mem>> -> memref<!tpu.dma_semaphore, #tpu.memory_space<semaphore_mem>>
          %dma_wait3A_146 = arith.constant 0 : i32
          %dma_wait3A_147 = tpu.memref_slice %arg4[%mul3A_138, %dma_wait3A_146] : memref<1024x128xf32, #tpu.memory_space<hbm>> -> memref<128x128xf32, #tpu.memory_space<hbm>>
          %dma_wait3A_148 = arith.constant 0 : i32
          %dma_wait3A_149 = arith.constant 0 : i32
          %dma_wait3A_150 = tpu.memref_slice %run_scoped3A_11[%rem3A_136, %dma_wait3A_148, %dma_wait3A_149] : memref<2x128x128xf32, #tpu.memory_space<vmem>> -> memref<1x128x128xf32, #tpu.memory_space<vmem>>
          %dma_wait3A_151 = tpu.memref_squeeze %dma_wait3A_150 : memref<1x128x128xf32, #tpu.memory_space<vmem>> -> memref<128x128xf32, #tpu.memory_space<vmem>>
          tpu.wait_dma2 semaphore(%dma_wait3A_145 : memref<!tpu.dma_semaphore, #tpu.memory_space<semaphore_mem>>) src(%dma_wait3A_151 : memref<128x128xf32, #tpu.memory_space<vmem>>) dst(%dma_wait3A_147 : memref<128x128xf32, #tpu.memory_space<hbm>>)
          "tpu.trace_stop"() : () -> ()
        } else {
        }
      } else {
      }
      tpu.yield
    }) : () -> ()
    return
  }
}

module attributes {stable_mosaic.version = 14 : i64} {
  func.func @_fused_kernel(%arg0: i32, %arg1: memref<1024x1xi32, #tpu.memory_space<vmem>>, %arg2: memref<1x1024xi32, #tpu.memory_space<vmem>>, %arg3: memref<1024x256xf32, #tpu.memory_space<vmem>>, %arg4: memref<1024x128xf32, #tpu.memory_space<vmem>>, %arg5: memref<256x128xf32, #tpu.memory_space<vmem>>, %arg6: memref<1x128xf32, #tpu.memory_space<vmem>>, %arg7: memref<128x128xf32, #tpu.memory_space<vmem>>, %arg8: memref<1x128xf32, #tpu.memory_space<vmem>>, %arg9: memref<261x64xf32, #tpu.memory_space<vmem>>, %arg10: memref<1x64xf32, #tpu.memory_space<vmem>>, %arg11: memref<261x64xf32, #tpu.memory_space<vmem>>, %arg12: memref<261x64xf32, #tpu.memory_space<vmem>>, %arg13: memref<64x1xf32, #tpu.memory_space<vmem>>, %arg14: memref<1x64xf32, #tpu.memory_space<vmem>>, %arg15: memref<8x1xf32, #tpu.memory_space<vmem>>, %arg16: memref<1x1xf32, #tpu.memory_space<vmem>>, %arg17: memref<79x5xf32, #tpu.memory_space<vmem>>, %arg18: memref<1x5xf32, #tpu.memory_space<vmem>>, %arg19: memref<5x128xf32, #tpu.memory_space<vmem>>, %arg20: memref<1024x64xf32, #tpu.memory_space<vmem>>, %arg21: memref<1024x64xf32, #tpu.memory_space<vmem>>, %arg22: memref<1024x64xf32, #tpu.memory_space<vmem>>, %arg23: memref<64x1024xf32, #tpu.memory_space<vmem>>, %arg24: memref<1024x1xf32, #tpu.memory_space<vmem>>, %arg25: memref<1x1024xf32, #tpu.memory_space<vmem>>, %arg26: memref<5x5xf32, #tpu.memory_space<vmem>>) attributes {dimension_semantics = [#tpu.dimension_semantics<arbitrary>], iteration_bounds = array<i64: 9>, scalar_prefetch = 0 : i64, scratch_operands = 7 : i64, tpu.core_type = #tpu.core_type<tc>, window_params = [{pipeline_mode = #tpu.pipeline_mode<synchronous>, transform_indices = @transform_0, window_bounds = array<i64: 1024, 1>}, {pipeline_mode = #tpu.pipeline_mode<synchronous>, transform_indices = @transform_1, window_bounds = array<i64: 1, 1024>}, {pipeline_mode = #tpu.pipeline_mode<synchronous>, transform_indices = @transform_2, window_bounds = array<i64: 1024, 256>}, {pipeline_mode = #tpu.pipeline_mode<synchronous>, transform_indices = @transform_3, window_bounds = array<i64: 1024, 128>}, {pipeline_mode = #tpu.pipeline_mode<synchronous>, transform_indices = @transform_4, window_bounds = array<i64: 256, 128>}, {pipeline_mode = #tpu.pipeline_mode<synchronous>, transform_indices = @transform_5, window_bounds = array<i64: 1, 128>}, {pipeline_mode = #tpu.pipeline_mode<synchronous>, transform_indices = @transform_6, window_bounds = array<i64: 128, 128>}, {pipeline_mode = #tpu.pipeline_mode<synchronous>, transform_indices = @transform_7, window_bounds = array<i64: 1, 128>}, {pipeline_mode = #tpu.pipeline_mode<synchronous>, transform_indices = @transform_8, window_bounds = array<i64: 261, 64>}, {pipeline_mode = #tpu.pipeline_mode<synchronous>, transform_indices = @transform_9, window_bounds = array<i64: 1, 64>}, {pipeline_mode = #tpu.pipeline_mode<synchronous>, transform_indices = @transform_10, window_bounds = array<i64: 261, 64>}, {pipeline_mode = #tpu.pipeline_mode<synchronous>, transform_indices = @transform_11, window_bounds = array<i64: 261, 64>}, {pipeline_mode = #tpu.pipeline_mode<synchronous>, transform_indices = @transform_12, window_bounds = array<i64: 64, 1>}, {pipeline_mode = #tpu.pipeline_mode<synchronous>, transform_indices = @transform_13, window_bounds = array<i64: 1, 64>}, {pipeline_mode = #tpu.pipeline_mode<synchronous>, transform_indices = @transform_14, window_bounds = array<i64: 8, 1>}, {pipeline_mode = #tpu.pipeline_mode<synchronous>, transform_indices = @transform_15, window_bounds = array<i64: 1, 1>}, {pipeline_mode = #tpu.pipeline_mode<synchronous>, transform_indices = @transform_16, window_bounds = array<i64: 79, 5>}, {pipeline_mode = #tpu.pipeline_mode<synchronous>, transform_indices = @transform_17, window_bounds = array<i64: 1, 5>}, {pipeline_mode = #tpu.pipeline_mode<synchronous>, transform_indices = @transform_18, window_bounds = array<i64: 5, 128>}]} {
    %eq3A = arith.constant 0 : i32
    %eq3A_0 = arith.cmpi eq, %arg0, %eq3A : i32
    %convert_element_type3A = arith.extui %eq3A_0 : i1 to i32
    %cond3A = arith.constant 0 : i32
    %cond3A_1 = arith.cmpi ne, %convert_element_type3A, %cond3A : i32
    scf.if %cond3A_1 {
      %get3A = arith.constant 0 : index
      %get3A_7 = arith.constant 0 : index
      %get3A_8 = vector.load %arg1[%get3A, %get3A_7] : memref<1024x1xi32, #tpu.memory_space<vmem>>, vector<1024x1xi32>
      %iota3A = tpu.iota {dimensions = array<i32: 0>} : vector<1024x1xi32>
      %ge3A_9 = arith.constant 949 : i32
      %ge3A_10 = vector.broadcast %ge3A_9 : i32 to vector<1024x1xi32>
      %ge3A_11 = arith.cmpi sge, %iota3A, %ge3A_10 : vector<1024x1xi32>
      %sub3A = arith.constant 948 : i32
      %sub3A_12 = vector.broadcast %sub3A : i32 to vector<1024x1xi32>
      %sub3A_13 = arith.subi %sub3A_12, %iota3A : vector<1024x1xi32>
      %select_n3A = arith.select %ge3A_11, %sub3A_13, %get3A_8 : vector<1024x1xi1>, vector<1024x1xi32>
      %iota3A_14 = tpu.iota {dimensions = array<i32: 1>} : vector<1x5xi32>
      %eq3A_15 = vector.broadcast %select_n3A : vector<1024x1xi32> to vector<1024x5xi32>
      %eq3A_16 = vector.broadcast %iota3A_14 : vector<1x5xi32> to vector<1024x5xi32>
      %eq3A_17 = arith.cmpi eq, %eq3A_15, %eq3A_16 : vector<1024x5xi32>
      %convert_element_type3A_18 = arith.extui %eq3A_17 : vector<1024x5xi1> to vector<1024x5xi32>
      %convert_element_type3A_19 = arith.sitofp %convert_element_type3A_18 : vector<1024x5xi32> to vector<1024x5xf32>
      %broadcast_in_dim3A = arith.constant 1.000000e+00 : f32
      %broadcast_in_dim3A_20 = vector.broadcast %broadcast_in_dim3A : f32 to vector<1024x1xf32>
      %dot_general3A = arith.constant dense<0.000000e+00> : vector<5x1xf32>
      %dot_general3A_21 = tpu.matmul %convert_element_type3A_19, %broadcast_in_dim3A_20, %dot_general3A {dimension_numbers = #tpu.dot_dimension_numbers<[0], [0], [1], [1], [0, 1, 1, 1], [], []>, precision = #tpu.contract_precision<fp32>, transpose_lhs_hint = false} : vector<1024x5xf32>, vector<1024x1xf32>, vector<5x1xf32> -> vector<5x1xf32>
      %max3A = arith.constant 1.000000e+00 : f32
      %max3A_22 = vector.broadcast %max3A : f32 to vector<5x1xf32>
      %max3A_23 = arith.maximumf %dot_general3A_21, %max3A_22 : vector<5x1xf32>
      %iota3A_24 = tpu.iota {dimensions = array<i32: 0>} : vector<1024x1xi32>
      %ge3A_25 = arith.constant 949 : i32
      %ge3A_26 = vector.broadcast %ge3A_25 : i32 to vector<1024x1xi32>
      %ge3A_27 = arith.cmpi sge, %iota3A_24, %ge3A_26 : vector<1024x1xi32>
      %convert_element_type3A_28 = arith.extui %ge3A_27 : vector<1024x1xi1> to vector<1024x1xi32>
      %convert_element_type3A_29 = arith.sitofp %convert_element_type3A_28 : vector<1024x1xi32> to vector<1024x1xf32>
      %get3A_30 = arith.constant 0 : index
      %get3A_31 = arith.constant 0 : index
      %get3A_32 = vector.load %arg3[%get3A_30, %get3A_31] : memref<1024x256xf32, #tpu.memory_space<vmem>>, vector<1024x256xf32>
      %get3A_33 = arith.constant 0 : index
      %get3A_34 = arith.constant 0 : index
      %get3A_35 = vector.load %arg5[%get3A_33, %get3A_34] : memref<256x128xf32, #tpu.memory_space<vmem>>, vector<256x128xf32>
      %dot_general3A_36 = arith.constant dense<0.000000e+00> : vector<1024x128xf32>
      %dot_general3A_37 = tpu.matmul %get3A_32, %get3A_35, %dot_general3A_36 {dimension_numbers = #tpu.dot_dimension_numbers<[1], [0], [0], [1], [0, 0, 1, 1], [], []>, precision = #tpu.contract_precision<fp32>, transpose_lhs_hint = false} : vector<1024x256xf32>, vector<256x128xf32>, vector<1024x128xf32> -> vector<1024x128xf32>
      %dot_general3A_38 = arith.constant dense<0.000000e+00> : vector<5x128xf32>
      %dot_general3A_39 = tpu.matmul %convert_element_type3A_19, %dot_general3A_37, %dot_general3A_38 {dimension_numbers = #tpu.dot_dimension_numbers<[0], [0], [1], [1], [0, 1, 1, 1], [], []>, precision = #tpu.contract_precision<fp32>, transpose_lhs_hint = false} : vector<1024x5xf32>, vector<1024x128xf32>, vector<5x128xf32> -> vector<5x128xf32>
      %div3A = vector.broadcast %max3A_23 : vector<5x1xf32> to vector<5x128xf32>
      %div3A_40 = arith.divf %dot_general3A_39, %div3A : vector<5x128xf32>
      %dot_general3A_41 = arith.constant dense<0.000000e+00> : vector<1024x128xf32>
      %dot_general3A_42 = tpu.matmul %convert_element_type3A_19, %div3A_40, %dot_general3A_41 {dimension_numbers = #tpu.dot_dimension_numbers<[1], [0], [0], [1], [0, 0, 1, 1], [], []>, precision = #tpu.contract_precision<fp32>, transpose_lhs_hint = false} : vector<1024x5xf32>, vector<5x128xf32>, vector<1024x128xf32> -> vector<1024x128xf32>
      %mul3A = vector.broadcast %convert_element_type3A_29 : vector<1024x1xf32> to vector<1024x128xf32>
      %mul3A_43 = arith.mulf %mul3A, %dot_general3A_37 : vector<1024x128xf32>
      %add3A = arith.addf %dot_general3A_42, %mul3A_43 : vector<1024x128xf32>
      %get3A_44 = arith.constant 0 : index
      %get3A_45 = arith.constant 0 : index
      %get3A_46 = vector.load %arg6[%get3A_44, %get3A_45] : memref<1x128xf32, #tpu.memory_space<vmem>>, vector<1x128xf32>
      %add3A_47 = vector.broadcast %get3A_46 : vector<1x128xf32> to vector<1024x128xf32>
      %add3A_48 = arith.addf %add3A, %add3A_47 : vector<1024x128xf32>
      %gt3A = arith.constant 0.000000e+00 : f32
      %gt3A_49 = vector.broadcast %gt3A : f32 to vector<1024x128xf32>
      %gt3A_50 = arith.cmpf ogt, %add3A_48, %gt3A_49 : vector<1024x128xf32>
      %mul3A_51 = arith.constant 0.00999999977 : f32
      %mul3A_52 = vector.broadcast %mul3A_51 : f32 to vector<1024x128xf32>
      %mul3A_53 = arith.mulf %mul3A_52, %add3A_48 : vector<1024x128xf32>
      %select_n3A_54 = arith.select %gt3A_50, %add3A_48, %mul3A_53 : vector<1024x128xi1>, vector<1024x128xf32>
      %get3A_55 = arith.constant 0 : index
      %get3A_56 = arith.constant 0 : index
      %get3A_57 = vector.load %arg4[%get3A_55, %get3A_56] : memref<1024x128xf32, #tpu.memory_space<vmem>>, vector<1024x128xf32>
      %get3A_58 = arith.constant 0 : index
      %get3A_59 = arith.constant 0 : index
      %get3A_60 = vector.load %arg7[%get3A_58, %get3A_59] : memref<128x128xf32, #tpu.memory_space<vmem>>, vector<128x128xf32>
      %dot_general3A_61 = arith.constant dense<0.000000e+00> : vector<1024x128xf32>
      %dot_general3A_62 = tpu.matmul %get3A_57, %get3A_60, %dot_general3A_61 {dimension_numbers = #tpu.dot_dimension_numbers<[1], [0], [0], [1], [0, 0, 1, 1], [], []>, precision = #tpu.contract_precision<fp32>, transpose_lhs_hint = false} : vector<1024x128xf32>, vector<128x128xf32>, vector<1024x128xf32> -> vector<1024x128xf32>
      %dot_general3A_63 = arith.constant dense<0.000000e+00> : vector<5x128xf32>
      %dot_general3A_64 = tpu.matmul %convert_element_type3A_19, %dot_general3A_62, %dot_general3A_63 {dimension_numbers = #tpu.dot_dimension_numbers<[0], [0], [1], [1], [0, 1, 1, 1], [], []>, precision = #tpu.contract_precision<fp32>, transpose_lhs_hint = false} : vector<1024x5xf32>, vector<1024x128xf32>, vector<5x128xf32> -> vector<5x128xf32>
      %div3A_65 = vector.broadcast %max3A_23 : vector<5x1xf32> to vector<5x128xf32>
      %div3A_66 = arith.divf %dot_general3A_64, %div3A_65 : vector<5x128xf32>
      %dot_general3A_67 = arith.constant dense<0.000000e+00> : vector<1024x128xf32>
      %dot_general3A_68 = tpu.matmul %convert_element_type3A_19, %div3A_66, %dot_general3A_67 {dimension_numbers = #tpu.dot_dimension_numbers<[1], [0], [0], [1], [0, 0, 1, 1], [], []>, precision = #tpu.contract_precision<fp32>, transpose_lhs_hint = false} : vector<1024x5xf32>, vector<5x128xf32>, vector<1024x128xf32> -> vector<1024x128xf32>
      %mul3A_69 = vector.broadcast %convert_element_type3A_29 : vector<1024x1xf32> to vector<1024x128xf32>
      %mul3A_70 = arith.mulf %mul3A_69, %dot_general3A_62 : vector<1024x128xf32>
      %add3A_71 = arith.addf %dot_general3A_68, %mul3A_70 : vector<1024x128xf32>
      %get3A_72 = arith.constant 0 : index
      %get3A_73 = arith.constant 0 : index
      %get3A_74 = vector.load %arg8[%get3A_72, %get3A_73] : memref<1x128xf32, #tpu.memory_space<vmem>>, vector<1x128xf32>
      %add3A_75 = vector.broadcast %get3A_74 : vector<1x128xf32> to vector<1024x128xf32>
      %add3A_76 = arith.addf %add3A_71, %add3A_75 : vector<1024x128xf32>
      %gt3A_77 = arith.constant 0.000000e+00 : f32
      %gt3A_78 = vector.broadcast %gt3A_77 : f32 to vector<1024x128xf32>
      %gt3A_79 = arith.cmpf ogt, %add3A_76, %gt3A_78 : vector<1024x128xf32>
      %mul3A_80 = arith.constant 0.00999999977 : f32
      %mul3A_81 = vector.broadcast %mul3A_80 : f32 to vector<1024x128xf32>
      %mul3A_82 = arith.mulf %mul3A_81, %add3A_76 : vector<1024x128xf32>
      %select_n3A_83 = arith.select %gt3A_79, %add3A_76, %mul3A_82 : vector<1024x128xi1>, vector<1024x128xf32>
      %mul3A_84 = arith.constant 2.000000e-01 : f32
      %mul3A_85 = vector.broadcast %mul3A_84 : f32 to vector<1024x1xf32>
      %mul3A_86 = arith.mulf %mul3A_85, %convert_element_type3A_29 : vector<1024x1xf32>
      %add3A_87 = vector.broadcast %mul3A_86 : vector<1024x1xf32> to vector<1024x5xf32>
      %add3A_88 = arith.addf %convert_element_type3A_19, %add3A_87 : vector<1024x5xf32>
      %get3A_89 = arith.constant 0 : index
      %get3A_90 = arith.constant 0 : index
      %get3A_91 = vector.load %arg9[%get3A_89, %get3A_90] : memref<261x64xf32, #tpu.memory_space<vmem>>, vector<261x64xf32>
      %slice3A = vector.extract_strided_slice %get3A_91 {offsets = [0, 0], sizes = [128, 64], strides = [1, 1]} : vector<261x64xf32> to vector<128x64xf32>
      %dot_general3A_92 = arith.constant dense<0.000000e+00> : vector<1024x64xf32>
      %dot_general3A_93 = tpu.matmul %select_n3A_54, %slice3A, %dot_general3A_92 {dimension_numbers = #tpu.dot_dimension_numbers<[1], [0], [0], [1], [0, 0, 1, 1], [], []>, precision = #tpu.contract_precision<fp32>, transpose_lhs_hint = false} : vector<1024x128xf32>, vector<128x64xf32>, vector<1024x64xf32> -> vector<1024x64xf32>
      %slice3A_94 = vector.extract_strided_slice %get3A_91 {offsets = [128, 0], sizes = [128, 64], strides = [1, 1]} : vector<261x64xf32> to vector<128x64xf32>
      %dot_general3A_95 = arith.constant dense<0.000000e+00> : vector<1024x64xf32>
      %dot_general3A_96 = tpu.matmul %select_n3A_83, %slice3A_94, %dot_general3A_95 {dimension_numbers = #tpu.dot_dimension_numbers<[1], [0], [0], [1], [0, 0, 1, 1], [], []>, precision = #tpu.contract_precision<fp32>, transpose_lhs_hint = false} : vector<1024x128xf32>, vector<128x64xf32>, vector<1024x64xf32> -> vector<1024x64xf32>
      %add3A_97 = arith.addf %dot_general3A_93, %dot_general3A_96 : vector<1024x64xf32>
      %slice3A_98 = vector.extract_strided_slice %get3A_91 {offsets = [256, 0], sizes = [5, 64], strides = [1, 1]} : vector<261x64xf32> to vector<5x64xf32>
      %dot_general3A_99 = arith.constant dense<0.000000e+00> : vector<1024x64xf32>
      %dot_general3A_100 = tpu.matmul %add3A_88, %slice3A_98, %dot_general3A_99 {dimension_numbers = #tpu.dot_dimension_numbers<[1], [0], [0], [1], [0, 0, 1, 1], [], []>, precision = #tpu.contract_precision<fp32>, transpose_lhs_hint = false} : vector<1024x5xf32>, vector<5x64xf32>, vector<1024x64xf32> -> vector<1024x64xf32>
      %add3A_101 = arith.addf %add3A_97, %dot_general3A_100 : vector<1024x64xf32>
      %dot_general3A_102 = arith.constant dense<0.000000e+00> : vector<5x64xf32>
      %dot_general3A_103 = tpu.matmul %convert_element_type3A_19, %add3A_101, %dot_general3A_102 {dimension_numbers = #tpu.dot_dimension_numbers<[0], [0], [1], [1], [0, 1, 1, 1], [], []>, precision = #tpu.contract_precision<fp32>, transpose_lhs_hint = false} : vector<1024x5xf32>, vector<1024x64xf32>, vector<5x64xf32> -> vector<5x64xf32>
      %div3A_104 = vector.broadcast %max3A_23 : vector<5x1xf32> to vector<5x64xf32>
      %div3A_105 = arith.divf %dot_general3A_103, %div3A_104 : vector<5x64xf32>
      %dot_general3A_106 = arith.constant dense<0.000000e+00> : vector<1024x64xf32>
      %dot_general3A_107 = tpu.matmul %convert_element_type3A_19, %div3A_105, %dot_general3A_106 {dimension_numbers = #tpu.dot_dimension_numbers<[1], [0], [0], [1], [0, 0, 1, 1], [], []>, precision = #tpu.contract_precision<fp32>, transpose_lhs_hint = false} : vector<1024x5xf32>, vector<5x64xf32>, vector<1024x64xf32> -> vector<1024x64xf32>
      %mul3A_108 = vector.broadcast %convert_element_type3A_29 : vector<1024x1xf32> to vector<1024x64xf32>
      %mul3A_109 = arith.mulf %mul3A_108, %add3A_101 : vector<1024x64xf32>
      %add3A_110 = arith.addf %dot_general3A_107, %mul3A_109 : vector<1024x64xf32>
      %get3A_111 = arith.constant 0 : index
      %get3A_112 = arith.constant 0 : index
      %get3A_113 = vector.load %arg10[%get3A_111, %get3A_112] : memref<1x64xf32, #tpu.memory_space<vmem>>, vector<1x64xf32>
      %add3A_114 = vector.broadcast %get3A_113 : vector<1x64xf32> to vector<1024x64xf32>
      %add3A_115 = arith.addf %add3A_110, %add3A_114 : vector<1024x64xf32>
      %gt3A_116 = arith.constant 0.000000e+00 : f32
      %gt3A_117 = vector.broadcast %gt3A_116 : f32 to vector<1024x64xf32>
      %gt3A_118 = arith.cmpf ogt, %add3A_115, %gt3A_117 : vector<1024x64xf32>
      %mul3A_119 = arith.constant 0.00999999977 : f32
      %mul3A_120 = vector.broadcast %mul3A_119 : f32 to vector<1024x64xf32>
      %mul3A_121 = arith.mulf %mul3A_120, %add3A_115 : vector<1024x64xf32>
      %select_n3A_122 = arith.select %gt3A_118, %add3A_115, %mul3A_121 : vector<1024x64xi1>, vector<1024x64xf32>
      %swap3A = arith.constant 0 : index
      %swap3A_123 = arith.constant 0 : index
      %swap3A_124 = vector.load %arg20[%swap3A, %swap3A_123] : memref<1024x64xf32, #tpu.memory_space<vmem>>, vector<1024x64xf32>
      tpu.vector_store %arg20[%swap3A, %swap3A_123], %select_n3A_122 {strides = array<i32>} : memref<1024x64xf32, #tpu.memory_space<vmem>>, vector<1024x64xf32>,
      %get3A_125 = arith.constant 0 : index
      %get3A_126 = arith.constant 0 : index
      %get3A_127 = vector.load %arg11[%get3A_125, %get3A_126] : memref<261x64xf32, #tpu.memory_space<vmem>>, vector<261x64xf32>
      %slice3A_128 = vector.extract_strided_slice %get3A_127 {offsets = [0, 0], sizes = [128, 64], strides = [1, 1]} : vector<261x64xf32> to vector<128x64xf32>
      %dot_general3A_129 = arith.constant dense<0.000000e+00> : vector<1024x64xf32>
      %dot_general3A_130 = tpu.matmul %select_n3A_54, %slice3A_128, %dot_general3A_129 {dimension_numbers = #tpu.dot_dimension_numbers<[1], [0], [0], [1], [0, 0, 1, 1], [], []>, precision = #tpu.contract_precision<fp32>, transpose_lhs_hint = false} : vector<1024x128xf32>, vector<128x64xf32>, vector<1024x64xf32> -> vector<1024x64xf32>
      %slice3A_131 = vector.extract_strided_slice %get3A_127 {offsets = [128, 0], sizes = [128, 64], strides = [1, 1]} : vector<261x64xf32> to vector<128x64xf32>
      %dot_general3A_132 = arith.constant dense<0.000000e+00> : vector<1024x64xf32>
      %dot_general3A_133 = tpu.matmul %select_n3A_83, %slice3A_131, %dot_general3A_132 {dimension_numbers = #tpu.dot_dimension_numbers<[1], [0], [0], [1], [0, 0, 1, 1], [], []>, precision = #tpu.contract_precision<fp32>, transpose_lhs_hint = false} : vector<1024x128xf32>, vector<128x64xf32>, vector<1024x64xf32> -> vector<1024x64xf32>
      %add3A_134 = arith.addf %dot_general3A_130, %dot_general3A_133 : vector<1024x64xf32>
      %slice3A_135 = vector.extract_strided_slice %get3A_127 {offsets = [256, 0], sizes = [5, 64], strides = [1, 1]} : vector<261x64xf32> to vector<5x64xf32>
      %dot_general3A_136 = arith.constant dense<0.000000e+00> : vector<1024x64xf32>
      %dot_general3A_137 = tpu.matmul %add3A_88, %slice3A_135, %dot_general3A_136 {dimension_numbers = #tpu.dot_dimension_numbers<[1], [0], [0], [1], [0, 0, 1, 1], [], []>, precision = #tpu.contract_precision<fp32>, transpose_lhs_hint = false} : vector<1024x5xf32>, vector<5x64xf32>, vector<1024x64xf32> -> vector<1024x64xf32>
      %add3A_138 = arith.addf %add3A_134, %dot_general3A_137 : vector<1024x64xf32>
      %get3A_139 = arith.constant 0 : index
      %get3A_140 = arith.constant 0 : index
      %get3A_141 = vector.load %arg12[%get3A_139, %get3A_140] : memref<261x64xf32, #tpu.memory_space<vmem>>, vector<261x64xf32>
      %slice3A_142 = vector.extract_strided_slice %get3A_141 {offsets = [0, 0], sizes = [128, 64], strides = [1, 1]} : vector<261x64xf32> to vector<128x64xf32>
      %dot_general3A_143 = arith.constant dense<0.000000e+00> : vector<1024x64xf32>
      %dot_general3A_144 = tpu.matmul %select_n3A_54, %slice3A_142, %dot_general3A_143 {dimension_numbers = #tpu.dot_dimension_numbers<[1], [0], [0], [1], [0, 0, 1, 1], [], []>, precision = #tpu.contract_precision<fp32>, transpose_lhs_hint = false} : vector<1024x128xf32>, vector<128x64xf32>, vector<1024x64xf32> -> vector<1024x64xf32>
      %slice3A_145 = vector.extract_strided_slice %get3A_141 {offsets = [128, 0], sizes = [128, 64], strides = [1, 1]} : vector<261x64xf32> to vector<128x64xf32>
      %dot_general3A_146 = arith.constant dense<0.000000e+00> : vector<1024x64xf32>
      %dot_general3A_147 = tpu.matmul %select_n3A_83, %slice3A_145, %dot_general3A_146 {dimension_numbers = #tpu.dot_dimension_numbers<[1], [0], [0], [1], [0, 0, 1, 1], [], []>, precision = #tpu.contract_precision<fp32>, transpose_lhs_hint = false} : vector<1024x128xf32>, vector<128x64xf32>, vector<1024x64xf32> -> vector<1024x64xf32>
      %add3A_148 = arith.addf %dot_general3A_144, %dot_general3A_147 : vector<1024x64xf32>
      %slice3A_149 = vector.extract_strided_slice %get3A_141 {offsets = [256, 0], sizes = [5, 64], strides = [1, 1]} : vector<261x64xf32> to vector<5x64xf32>
      %dot_general3A_150 = arith.constant dense<0.000000e+00> : vector<1024x64xf32>
      %dot_general3A_151 = tpu.matmul %add3A_88, %slice3A_149, %dot_general3A_150 {dimension_numbers = #tpu.dot_dimension_numbers<[1], [0], [0], [1], [0, 0, 1, 1], [], []>, precision = #tpu.contract_precision<fp32>, transpose_lhs_hint = false} : vector<1024x5xf32>, vector<5x64xf32>, vector<1024x64xf32> -> vector<1024x64xf32>
      %add3A_152 = arith.addf %add3A_148, %dot_general3A_151 : vector<1024x64xf32>
      %slice3A_153 = vector.extract_strided_slice %get3A_141 {offsets = [0, 0], sizes = [128, 64], strides = [1, 1]} : vector<261x64xf32> to vector<128x64xf32>
      %dot_general3A_154 = arith.constant dense<0.000000e+00> : vector<64x1024xf32>
      %dot_general3A_155 = tpu.matmul %slice3A_153, %select_n3A_54, %dot_general3A_154 {dimension_numbers = #tpu.dot_dimension_numbers<[0], [1], [1], [0], [0, 1, 1, 0], [], []>, precision = #tpu.contract_precision<fp32>, transpose_lhs_hint = false} : vector<128x64xf32>, vector<1024x128xf32>, vector<64x1024xf32> -> vector<64x1024xf32>
      %slice3A_156 = vector.extract_strided_slice %get3A_141 {offsets = [128, 0], sizes = [128, 64], strides = [1, 1]} : vector<261x64xf32> to vector<128x64xf32>
      %dot_general3A_157 = arith.constant dense<0.000000e+00> : vector<64x1024xf32>
      %dot_general3A_158 = tpu.matmul %slice3A_156, %select_n3A_83, %dot_general3A_157 {dimension_numbers = #tpu.dot_dimension_numbers<[0], [1], [1], [0], [0, 1, 1, 0], [], []>, precision = #tpu.contract_precision<fp32>, transpose_lhs_hint = false} : vector<128x64xf32>, vector<1024x128xf32>, vector<64x1024xf32> -> vector<64x1024xf32>
      %add3A_159 = arith.addf %dot_general3A_155, %dot_general3A_158 : vector<64x1024xf32>
      %slice3A_160 = vector.extract_strided_slice %get3A_141 {offsets = [256, 0], sizes = [5, 64], strides = [1, 1]} : vector<261x64xf32> to vector<5x64xf32>
      %dot_general3A_161 = arith.constant dense<0.000000e+00> : vector<64x1024xf32>
      %dot_general3A_162 = tpu.matmul %slice3A_160, %add3A_88, %dot_general3A_161 {dimension_numbers = #tpu.dot_dimension_numbers<[0], [1], [1], [0], [0, 1, 1, 0], [], []>, precision = #tpu.contract_precision<fp32>, transpose_lhs_hint = false} : vector<5x64xf32>, vector<1024x5xf32>, vector<64x1024xf32> -> vector<64x1024xf32>
      %add3A_163 = arith.addf %add3A_159, %dot_general3A_162 : vector<64x1024xf32>
      %swap3A_164 = arith.constant 0 : index
      %swap3A_165 = arith.constant 0 : index
      %swap3A_166 = vector.load %arg21[%swap3A_164, %swap3A_165] : memref<1024x64xf32, #tpu.memory_space<vmem>>, vector<1024x64xf32>
      tpu.vector_store %arg21[%swap3A_164, %swap3A_165], %add3A_138 {strides = array<i32>} : memref<1024x64xf32, #tpu.memory_space<vmem>>, vector<1024x64xf32>,
      %swap3A_167 = arith.constant 0 : index
      %swap3A_168 = arith.constant 0 : index
      %swap3A_169 = vector.load %arg22[%swap3A_167, %swap3A_168] : memref<1024x64xf32, #tpu.memory_space<vmem>>, vector<1024x64xf32>
      tpu.vector_store %arg22[%swap3A_167, %swap3A_168], %add3A_152 {strides = array<i32>} : memref<1024x64xf32, #tpu.memory_space<vmem>>, vector<1024x64xf32>,
      %swap3A_170 = arith.constant 0 : index
      %swap3A_171 = arith.constant 0 : index
      %swap3A_172 = vector.load %arg23[%swap3A_170, %swap3A_171] : memref<64x1024xf32, #tpu.memory_space<vmem>>, vector<64x1024xf32>
      tpu.vector_store %arg23[%swap3A_170, %swap3A_171], %add3A_163 {strides = array<i32>} : memref<64x1024xf32, #tpu.memory_space<vmem>>, vector<64x1024xf32>,
      %get3A_173 = arith.constant 0 : index
      %get3A_174 = arith.constant 0 : index
      %get3A_175 = vector.load %arg13[%get3A_173, %get3A_174] : memref<64x1xf32, #tpu.memory_space<vmem>>, vector<64x1xf32>
      %dot_general3A_176 = arith.constant dense<0.000000e+00> : vector<1024x1xf32>
      %dot_general3A_177 = tpu.matmul %add3A_138, %get3A_175, %dot_general3A_176 {dimension_numbers = #tpu.dot_dimension_numbers<[1], [0], [0], [1], [0, 0, 1, 1], [], []>, precision = #tpu.contract_precision<fp32>, transpose_lhs_hint = false} : vector<1024x64xf32>, vector<64x1xf32>, vector<1024x1xf32> -> vector<1024x1xf32>
      %mul3A_178 = arith.constant 6.000000e-01 : f32
      %mul3A_179 = vector.broadcast %mul3A_178 : f32 to vector<1024x1xf32>
      %mul3A_180 = arith.mulf %mul3A_179, %dot_general3A_177 : vector<1024x1xf32>
      %swap3A_181 = arith.constant 0 : index
      %swap3A_182 = arith.constant 0 : index
      %swap3A_183 = vector.load %arg24[%swap3A_181, %swap3A_182] : memref<1024x1xf32, #tpu.memory_space<vmem>>, vector<1024x1xf32>
      tpu.vector_store %arg24[%swap3A_181, %swap3A_182], %mul3A_180 {strides = array<i32>} : memref<1024x1xf32, #tpu.memory_space<vmem>>, vector<1024x1xf32>,
      %get3A_184 = arith.constant 0 : index
      %get3A_185 = arith.constant 0 : index
      %get3A_186 = vector.load %arg13[%get3A_184, %get3A_185] : memref<64x1xf32, #tpu.memory_space<vmem>>, vector<64x1xf32>
      %dot_general3A_187 = arith.constant dense<0.000000e+00> : vector<1x1024xf32>
      %dot_general3A_188 = tpu.matmul %get3A_186, %add3A_163, %dot_general3A_187 {dimension_numbers = #tpu.dot_dimension_numbers<[0], [0], [1], [1], [0, 1, 1, 1], [], []>, precision = #tpu.contract_precision<fp32>, transpose_lhs_hint = false} : vector<64x1xf32>, vector<64x1024xf32>, vector<1x1024xf32> -> vector<1x1024xf32>
      %mul3A_189 = arith.constant 6.000000e-01 : f32
      %mul3A_190 = vector.broadcast %mul3A_189 : f32 to vector<1x1024xf32>
      %mul3A_191 = arith.mulf %mul3A_190, %dot_general3A_188 : vector<1x1024xf32>
      %swap3A_192 = arith.constant 0 : index
      %swap3A_193 = arith.constant 0 : index
      %swap3A_194 = vector.load %arg25[%swap3A_192, %swap3A_193] : memref<1x1024xf32, #tpu.memory_space<vmem>>, vector<1x1024xf32>
      tpu.vector_store %arg25[%swap3A_192, %swap3A_193], %mul3A_191 {strides = array<i32>} : memref<1x1024xf32, #tpu.memory_space<vmem>>, vector<1x1024xf32>,
    } else {
    }
    %ge3A = arith.constant 1 : i32
    %ge3A_2 = arith.cmpi sge, %arg0, %ge3A : i32
    %le3A = arith.constant 8 : i32
    %le3A_3 = arith.cmpi sle, %arg0, %le3A : i32
    %and3A = arith.andi %ge3A_2, %le3A_3 : i1
    %convert_element_type3A_4 = arith.extui %and3A : i1 to i32
    %cond3A_5 = arith.constant 0 : i32
    %cond3A_6 = arith.cmpi ne, %convert_element_type3A_4, %cond3A_5 : i32
    scf.if %cond3A_6 {
      %sub3A = arith.constant 1 : i32
      %sub3A_7 = arith.subi %arg0, %sub3A : i32
      %mul3A = arith.constant 128 : i32
      %mul3A_8 = arith.muli %sub3A_7, %mul3A : i32
      %multiple_of3A = tpu.assume_multiple %mul3A_8, 128 : i32
      %get3A = arith.index_cast %multiple_of3A : i32 to index
      %get3A_9 = arith.constant 0 : index
      %get3A_10 = vector.load %arg21[%get3A, %get3A_9] : memref<1024x64xf32, #tpu.memory_space<vmem>>, vector<128x64xf32>
      %get3A_11 = arith.constant 0 : index
      %get3A_12 = arith.constant 0 : index
      %get3A_13 = vector.load %arg23[%get3A_11, %get3A_12] : memref<64x1024xf32, #tpu.memory_space<vmem>>, vector<64x1024xf32>
      %broadcast_in_dim3A = arith.constant 0.000000e+00 : f32
      %broadcast_in_dim3A_14 = vector.broadcast %broadcast_in_dim3A : f32 to vector<128x512xf32>
      %slice3A = vector.extract_strided_slice %get3A_10 {offsets = [0, 0], sizes = [128, 1], strides = [1, 1]} : vector<128x64xf32> to vector<128x1xf32>
      %slice3A_15 = vector.extract_strided_slice %get3A_13 {offsets = [0, 0], sizes = [1, 512], strides = [1, 1]} : vector<64x1024xf32> to vector<1x512xf32>
      %add3A = vector.broadcast %slice3A : vector<128x1xf32> to vector<128x512xf32>
      %add3A_16 = vector.broadcast %slice3A_15 : vector<1x512xf32> to vector<128x512xf32>
      %add3A_17 = arith.addf %add3A, %add3A_16 : vector<128x512xf32>
      %get3A_18 = arith.constant 0 : index
      %get3A_19 = arith.constant 0 : index
      %get3A_20 = vector.load %arg13[%get3A_18, %get3A_19] : memref<64x1xf32, #tpu.memory_space<vmem>>, vector<1x1xf32>
      %get3A_21 = vector.extract %get3A_20[0, 0] : f32 from vector<1x1xf32>
      %mul3A_22 = arith.constant 4.000000e-01 : f32
      %mul3A_23 = arith.mulf %mul3A_22, %get3A_21 : f32
      %abs3A = math.absf %add3A_17 : vector<128x512xf32>
      %mul3A_24 = vector.broadcast %mul3A_23 : f32 to vector<128x512xf32>
      %mul3A_25 = arith.mulf %mul3A_24, %abs3A : vector<128x512xf32>
      %add3A_26 = arith.addf %broadcast_in_dim3A_14, %mul3A_25 : vector<128x512xf32>
      %slice3A_27 = vector.extract_strided_slice %get3A_10 {offsets = [0, 1], sizes = [128, 1], strides = [1, 1]} : vector<128x64xf32> to vector<128x1xf32>
      %slice3A_28 = vector.extract_strided_slice %get3A_13 {offsets = [1, 0], sizes = [1, 512], strides = [1, 1]} : vector<64x1024xf32> to vector<1x512xf32>
      %add3A_29 = vector.broadcast %slice3A_27 : vector<128x1xf32> to vector<128x512xf32>
      %add3A_30 = vector.broadcast %slice3A_28 : vector<1x512xf32> to vector<128x512xf32>
      %add3A_31 = arith.addf %add3A_29, %add3A_30 : vector<128x512xf32>
      %get3A_32 = arith.constant 1 : index
      %get3A_33 = arith.constant 0 : index
      %get3A_34 = vector.load %arg13[%get3A_32, %get3A_33] : memref<64x1xf32, #tpu.memory_space<vmem>>, vector<1x1xf32>
      %get3A_35 = vector.extract %get3A_34[0, 0] : f32 from vector<1x1xf32>
      %mul3A_36 = arith.constant 4.000000e-01 : f32
      %mul3A_37 = arith.mulf %mul3A_36, %get3A_35 : f32
      %abs3A_38 = math.absf %add3A_31 : vector<128x512xf32>
      %mul3A_39 = vector.broadcast %mul3A_37 : f32 to vector<128x512xf32>
      %mul3A_40 = arith.mulf %mul3A_39, %abs3A_38 : vector<128x512xf32>
      %add3A_41 = arith.addf %add3A_26, %mul3A_40 : vector<128x512xf32>
      %slice3A_42 = vector.extract_strided_slice %get3A_10 {offsets = [0, 2], sizes = [128, 1], strides = [1, 1]} : vector<128x64xf32> to vector<128x1xf32>
      %slice3A_43 = vector.extract_strided_slice %get3A_13 {offsets = [2, 0], sizes = [1, 512], strides = [1, 1]} : vector<64x1024xf32> to vector<1x512xf32>
      %add3A_44 = vector.broadcast %slice3A_42 : vector<128x1xf32> to vector<128x512xf32>
      %add3A_45 = vector.broadcast %slice3A_43 : vector<1x512xf32> to vector<128x512xf32>
      %add3A_46 = arith.addf %add3A_44, %add3A_45 : vector<128x512xf32>
      %get3A_47 = arith.constant 2 : index
      %get3A_48 = arith.constant 0 : index
      %get3A_49 = vector.load %arg13[%get3A_47, %get3A_48] : memref<64x1xf32, #tpu.memory_space<vmem>>, vector<1x1xf32>
      %get3A_50 = vector.extract %get3A_49[0, 0] : f32 from vector<1x1xf32>
      %mul3A_51 = arith.constant 4.000000e-01 : f32
      %mul3A_52 = arith.mulf %mul3A_51, %get3A_50 : f32
      %abs3A_53 = math.absf %add3A_46 : vector<128x512xf32>
      %mul3A_54 = vector.broadcast %mul3A_52 : f32 to vector<128x512xf32>
      %mul3A_55 = arith.mulf %mul3A_54, %abs3A_53 : vector<128x512xf32>
      %add3A_56 = arith.addf %add3A_41, %mul3A_55 : vector<128x512xf32>
      %slice3A_57 = vector.extract_strided_slice %get3A_10 {offsets = [0, 3], sizes = [128, 1], strides = [1, 1]} : vector<128x64xf32> to vector<128x1xf32>
      %slice3A_58 = vector.extract_strided_slice %get3A_13 {offsets = [3, 0], sizes = [1, 512], strides = [1, 1]} : vector<64x1024xf32> to vector<1x512xf32>
      %add3A_59 = vector.broadcast %slice3A_57 : vector<128x1xf32> to vector<128x512xf32>
      %add3A_60 = vector.broadcast %slice3A_58 : vector<1x512xf32> to vector<128x512xf32>
      %add3A_61 = arith.addf %add3A_59, %add3A_60 : vector<128x512xf32>
      %get3A_62 = arith.constant 3 : index
      %get3A_63 = arith.constant 0 : index
      %get3A_64 = vector.load %arg13[%get3A_62, %get3A_63] : memref<64x1xf32, #tpu.memory_space<vmem>>, vector<1x1xf32>
      %get3A_65 = vector.extract %get3A_64[0, 0] : f32 from vector<1x1xf32>
      %mul3A_66 = arith.constant 4.000000e-01 : f32
      %mul3A_67 = arith.mulf %mul3A_66, %get3A_65 : f32
      %abs3A_68 = math.absf %add3A_61 : vector<128x512xf32>
      %mul3A_69 = vector.broadcast %mul3A_67 : f32 to vector<128x512xf32>
      %mul3A_70 = arith.mulf %mul3A_69, %abs3A_68 : vector<128x512xf32>
      %add3A_71 = arith.addf %add3A_56, %mul3A_70 : vector<128x512xf32>
      %slice3A_72 = vector.extract_strided_slice %get3A_10 {offsets = [0, 4], sizes = [128, 1], strides = [1, 1]} : vector<128x64xf32> to vector<128x1xf32>
      %slice3A_73 = vector.extract_strided_slice %get3A_13 {offsets = [4, 0], sizes = [1, 512], strides = [1, 1]} : vector<64x1024xf32> to vector<1x512xf32>
      %add3A_74 = vector.broadcast %slice3A_72 : vector<128x1xf32> to vector<128x512xf32>
      %add3A_75 = vector.broadcast %slice3A_73 : vector<1x512xf32> to vector<128x512xf32>
      %add3A_76 = arith.addf %add3A_74, %add3A_75 : vector<128x512xf32>
      %get3A_77 = arith.constant 4 : index
      %get3A_78 = arith.constant 0 : index
      %get3A_79 = vector.load %arg13[%get3A_77, %get3A_78] : memref<64x1xf32, #tpu.memory_space<vmem>>, vector<1x1xf32>
      %get3A_80 = vector.extract %get3A_79[0, 0] : f32 from vector<1x1xf32>
      %mul3A_81 = arith.constant 4.000000e-01 : f32
      %mul3A_82 = arith.mulf %mul3A_81, %get3A_80 : f32
      %abs3A_83 = math.absf %add3A_76 : vector<128x512xf32>
      %mul3A_84 = vector.broadcast %mul3A_82 : f32 to vector<128x512xf32>
      %mul3A_85 = arith.mulf %mul3A_84, %abs3A_83 : vector<128x512xf32>
      %add3A_86 = arith.addf %add3A_71, %mul3A_85 : vector<128x512xf32>
      %slice3A_87 = vector.extract_strided_slice %get3A_10 {offsets = [0, 5], sizes = [128, 1], strides = [1, 1]} : vector<128x64xf32> to vector<128x1xf32>
      %slice3A_88 = vector.extract_strided_slice %get3A_13 {offsets = [5, 0], sizes = [1, 512], strides = [1, 1]} : vector<64x1024xf32> to vector<1x512xf32>
      %add3A_89 = vector.broadcast %slice3A_87 : vector<128x1xf32> to vector<128x512xf32>
      %add3A_90 = vector.broadcast %slice3A_88 : vector<1x512xf32> to vector<128x512xf32>
      %add3A_91 = arith.addf %add3A_89, %add3A_90 : vector<128x512xf32>
      %get3A_92 = arith.constant 5 : index
      %get3A_93 = arith.constant 0 : index
      %get3A_94 = vector.load %arg13[%get3A_92, %get3A_93] : memref<64x1xf32, #tpu.memory_space<vmem>>, vector<1x1xf32>
      %get3A_95 = vector.extract %get3A_94[0, 0] : f32 from vector<1x1xf32>
      %mul3A_96 = arith.constant 4.000000e-01 : f32
      %mul3A_97 = arith.mulf %mul3A_96, %get3A_95 : f32
      %abs3A_98 = math.absf %add3A_91 : vector<128x512xf32>
      %mul3A_99 = vector.broadcast %mul3A_97 : f32 to vector<128x512xf32>
      %mul3A_100 = arith.mulf %mul3A_99, %abs3A_98 : vector<128x512xf32>
      %add3A_101 = arith.addf %add3A_86, %mul3A_100 : vector<128x512xf32>
      %slice3A_102 = vector.extract_strided_slice %get3A_10 {offsets = [0, 6], sizes = [128, 1], strides = [1, 1]} : vector<128x64xf32> to vector<128x1xf32>
      %slice3A_103 = vector.extract_strided_slice %get3A_13 {offsets = [6, 0], sizes = [1, 512], strides = [1, 1]} : vector<64x1024xf32> to vector<1x512xf32>
      %add3A_104 = vector.broadcast %slice3A_102 : vector<128x1xf32> to vector<128x512xf32>
      %add3A_105 = vector.broadcast %slice3A_103 : vector<1x512xf32> to vector<128x512xf32>
      %add3A_106 = arith.addf %add3A_104, %add3A_105 : vector<128x512xf32>
      %get3A_107 = arith.constant 6 : index
      %get3A_108 = arith.constant 0 : index
      %get3A_109 = vector.load %arg13[%get3A_107, %get3A_108] : memref<64x1xf32, #tpu.memory_space<vmem>>, vector<1x1xf32>
      %get3A_110 = vector.extract %get3A_109[0, 0] : f32 from vector<1x1xf32>
      %mul3A_111 = arith.constant 4.000000e-01 : f32
      %mul3A_112 = arith.mulf %mul3A_111, %get3A_110 : f32
      %abs3A_113 = math.absf %add3A_106 : vector<128x512xf32>
      %mul3A_114 = vector.broadcast %mul3A_112 : f32 to vector<128x512xf32>
      %mul3A_115 = arith.mulf %mul3A_114, %abs3A_113 : vector<128x512xf32>
      %add3A_116 = arith.addf %add3A_101, %mul3A_115 : vector<128x512xf32>
      %slice3A_117 = vector.extract_strided_slice %get3A_10 {offsets = [0, 7], sizes = [128, 1], strides = [1, 1]} : vector<128x64xf32> to vector<128x1xf32>
      %slice3A_118 = vector.extract_strided_slice %get3A_13 {offsets = [7, 0], sizes = [1, 512], strides = [1, 1]} : vector<64x1024xf32> to vector<1x512xf32>
      %add3A_119 = vector.broadcast %slice3A_117 : vector<128x1xf32> to vector<128x512xf32>
      %add3A_120 = vector.broadcast %slice3A_118 : vector<1x512xf32> to vector<128x512xf32>
      %add3A_121 = arith.addf %add3A_119, %add3A_120 : vector<128x512xf32>
      %get3A_122 = arith.constant 7 : index
      %get3A_123 = arith.constant 0 : index
      %get3A_124 = vector.load %arg13[%get3A_122, %get3A_123] : memref<64x1xf32, #tpu.memory_space<vmem>>, vector<1x1xf32>
      %get3A_125 = vector.extract %get3A_124[0, 0] : f32 from vector<1x1xf32>
      %mul3A_126 = arith.constant 4.000000e-01 : f32
      %mul3A_127 = arith.mulf %mul3A_126, %get3A_125 : f32
      %abs3A_128 = math.absf %add3A_121 : vector<128x512xf32>
      %mul3A_129 = vector.broadcast %mul3A_127 : f32 to vector<128x512xf32>
      %mul3A_130 = arith.mulf %mul3A_129, %abs3A_128 : vector<128x512xf32>
      %add3A_131 = arith.addf %add3A_116, %mul3A_130 : vector<128x512xf32>
      %slice3A_132 = vector.extract_strided_slice %get3A_10 {offsets = [0, 8], sizes = [128, 1], strides = [1, 1]} : vector<128x64xf32> to vector<128x1xf32>
      %slice3A_133 = vector.extract_strided_slice %get3A_13 {offsets = [8, 0], sizes = [1, 512], strides = [1, 1]} : vector<64x1024xf32> to vector<1x512xf32>
      %add3A_134 = vector.broadcast %slice3A_132 : vector<128x1xf32> to vector<128x512xf32>
      %add3A_135 = vector.broadcast %slice3A_133 : vector<1x512xf32> to vector<128x512xf32>
      %add3A_136 = arith.addf %add3A_134, %add3A_135 : vector<128x512xf32>
      %get3A_137 = arith.constant 8 : index
      %get3A_138 = arith.constant 0 : index
      %get3A_139 = vector.load %arg13[%get3A_137, %get3A_138] : memref<64x1xf32, #tpu.memory_space<vmem>>, vector<1x1xf32>
      %get3A_140 = vector.extract %get3A_139[0, 0] : f32 from vector<1x1xf32>
      %mul3A_141 = arith.constant 4.000000e-01 : f32
      %mul3A_142 = arith.mulf %mul3A_141, %get3A_140 : f32
      %abs3A_143 = math.absf %add3A_136 : vector<128x512xf32>
      %mul3A_144 = vector.broadcast %mul3A_142 : f32 to vector<128x512xf32>
      %mul3A_145 = arith.mulf %mul3A_144, %abs3A_143 : vector<128x512xf32>
      %add3A_146 = arith.addf %add3A_131, %mul3A_145 : vector<128x512xf32>
      %slice3A_147 = vector.extract_strided_slice %get3A_10 {offsets = [0, 9], sizes = [128, 1], strides = [1, 1]} : vector<128x64xf32> to vector<128x1xf32>
      %slice3A_148 = vector.extract_strided_slice %get3A_13 {offsets = [9, 0], sizes = [1, 512], strides = [1, 1]} : vector<64x1024xf32> to vector<1x512xf32>
      %add3A_149 = vector.broadcast %slice3A_147 : vector<128x1xf32> to vector<128x512xf32>
      %add3A_150 = vector.broadcast %slice3A_148 : vector<1x512xf32> to vector<128x512xf32>
      %add3A_151 = arith.addf %add3A_149, %add3A_150 : vector<128x512xf32>
      %get3A_152 = arith.constant 9 : index
      %get3A_153 = arith.constant 0 : index
      %get3A_154 = vector.load %arg13[%get3A_152, %get3A_153] : memref<64x1xf32, #tpu.memory_space<vmem>>, vector<1x1xf32>
      %get3A_155 = vector.extract %get3A_154[0, 0] : f32 from vector<1x1xf32>
      %mul3A_156 = arith.constant 4.000000e-01 : f32
      %mul3A_157 = arith.mulf %mul3A_156, %get3A_155 : f32
      %abs3A_158 = math.absf %add3A_151 : vector<128x512xf32>
      %mul3A_159 = vector.broadcast %mul3A_157 : f32 to vector<128x512xf32>
      %mul3A_160 = arith.mulf %mul3A_159, %abs3A_158 : vector<128x512xf32>
      %add3A_161 = arith.addf %add3A_146, %mul3A_160 : vector<128x512xf32>
      %slice3A_162 = vector.extract_strided_slice %get3A_10 {offsets = [0, 10], sizes = [128, 1], strides = [1, 1]} : vector<128x64xf32> to vector<128x1xf32>
      %slice3A_163 = vector.extract_strided_slice %get3A_13 {offsets = [10, 0], sizes = [1, 512], strides = [1, 1]} : vector<64x1024xf32> to vector<1x512xf32>
      %add3A_164 = vector.broadcast %slice3A_162 : vector<128x1xf32> to vector<128x512xf32>
      %add3A_165 = vector.broadcast %slice3A_163 : vector<1x512xf32> to vector<128x512xf32>
      %add3A_166 = arith.addf %add3A_164, %add3A_165 : vector<128x512xf32>
      %get3A_167 = arith.constant 10 : index
      %get3A_168 = arith.constant 0 : index
      %get3A_169 = vector.load %arg13[%get3A_167, %get3A_168] : memref<64x1xf32, #tpu.memory_space<vmem>>, vector<1x1xf32>
      %get3A_170 = vector.extract %get3A_169[0, 0] : f32 from vector<1x1xf32>
      %mul3A_171 = arith.constant 4.000000e-01 : f32
      %mul3A_172 = arith.mulf %mul3A_171, %get3A_170 : f32
      %abs3A_173 = math.absf %add3A_166 : vector<128x512xf32>
      %mul3A_174 = vector.broadcast %mul3A_172 : f32 to vector<128x512xf32>
      %mul3A_175 = arith.mulf %mul3A_174, %abs3A_173 : vector<128x512xf32>
      %add3A_176 = arith.addf %add3A_161, %mul3A_175 : vector<128x512xf32>
      %slice3A_177 = vector.extract_strided_slice %get3A_10 {offsets = [0, 11], sizes = [128, 1], strides = [1, 1]} : vector<128x64xf32> to vector<128x1xf32>
      %slice3A_178 = vector.extract_strided_slice %get3A_13 {offsets = [11, 0], sizes = [1, 512], strides = [1, 1]} : vector<64x1024xf32> to vector<1x512xf32>
      %add3A_179 = vector.broadcast %slice3A_177 : vector<128x1xf32> to vector<128x512xf32>
      %add3A_180 = vector.broadcast %slice3A_178 : vector<1x512xf32> to vector<128x512xf32>
      %add3A_181 = arith.addf %add3A_179, %add3A_180 : vector<128x512xf32>
      %get3A_182 = arith.constant 11 : index
      %get3A_183 = arith.constant 0 : index
      %get3A_184 = vector.load %arg13[%get3A_182, %get3A_183] : memref<64x1xf32, #tpu.memory_space<vmem>>, vector<1x1xf32>
      %get3A_185 = vector.extract %get3A_184[0, 0] : f32 from vector<1x1xf32>
      %mul3A_186 = arith.constant 4.000000e-01 : f32
      %mul3A_187 = arith.mulf %mul3A_186, %get3A_185 : f32
      %abs3A_188 = math.absf %add3A_181 : vector<128x512xf32>
      %mul3A_189 = vector.broadcast %mul3A_187 : f32 to vector<128x512xf32>
      %mul3A_190 = arith.mulf %mul3A_189, %abs3A_188 : vector<128x512xf32>
      %add3A_191 = arith.addf %add3A_176, %mul3A_190 : vector<128x512xf32>
      %slice3A_192 = vector.extract_strided_slice %get3A_10 {offsets = [0, 12], sizes = [128, 1], strides = [1, 1]} : vector<128x64xf32> to vector<128x1xf32>
      %slice3A_193 = vector.extract_strided_slice %get3A_13 {offsets = [12, 0], sizes = [1, 512], strides = [1, 1]} : vector<64x1024xf32> to vector<1x512xf32>
      %add3A_194 = vector.broadcast %slice3A_192 : vector<128x1xf32> to vector<128x512xf32>
      %add3A_195 = vector.broadcast %slice3A_193 : vector<1x512xf32> to vector<128x512xf32>
      %add3A_196 = arith.addf %add3A_194, %add3A_195 : vector<128x512xf32>
      %get3A_197 = arith.constant 12 : index
      %get3A_198 = arith.constant 0 : index
      %get3A_199 = vector.load %arg13[%get3A_197, %get3A_198] : memref<64x1xf32, #tpu.memory_space<vmem>>, vector<1x1xf32>
      %get3A_200 = vector.extract %get3A_199[0, 0] : f32 from vector<1x1xf32>
      %mul3A_201 = arith.constant 4.000000e-01 : f32
      %mul3A_202 = arith.mulf %mul3A_201, %get3A_200 : f32
      %abs3A_203 = math.absf %add3A_196 : vector<128x512xf32>
      %mul3A_204 = vector.broadcast %mul3A_202 : f32 to vector<128x512xf32>
      %mul3A_205 = arith.mulf %mul3A_204, %abs3A_203 : vector<128x512xf32>
      %add3A_206 = arith.addf %add3A_191, %mul3A_205 : vector<128x512xf32>
      %slice3A_207 = vector.extract_strided_slice %get3A_10 {offsets = [0, 13], sizes = [128, 1], strides = [1, 1]} : vector<128x64xf32> to vector<128x1xf32>
      %slice3A_208 = vector.extract_strided_slice %get3A_13 {offsets = [13, 0], sizes = [1, 512], strides = [1, 1]} : vector<64x1024xf32> to vector<1x512xf32>
      %add3A_209 = vector.broadcast %slice3A_207 : vector<128x1xf32> to vector<128x512xf32>
      %add3A_210 = vector.broadcast %slice3A_208 : vector<1x512xf32> to vector<128x512xf32>
      %add3A_211 = arith.addf %add3A_209, %add3A_210 : vector<128x512xf32>
      %get3A_212 = arith.constant 13 : index
      %get3A_213 = arith.constant 0 : index
      %get3A_214 = vector.load %arg13[%get3A_212, %get3A_213] : memref<64x1xf32, #tpu.memory_space<vmem>>, vector<1x1xf32>
      %get3A_215 = vector.extract %get3A_214[0, 0] : f32 from vector<1x1xf32>
      %mul3A_216 = arith.constant 4.000000e-01 : f32
      %mul3A_217 = arith.mulf %mul3A_216, %get3A_215 : f32
      %abs3A_218 = math.absf %add3A_211 : vector<128x512xf32>
      %mul3A_219 = vector.broadcast %mul3A_217 : f32 to vector<128x512xf32>
      %mul3A_220 = arith.mulf %mul3A_219, %abs3A_218 : vector<128x512xf32>
      %add3A_221 = arith.addf %add3A_206, %mul3A_220 : vector<128x512xf32>
      %slice3A_222 = vector.extract_strided_slice %get3A_10 {offsets = [0, 14], sizes = [128, 1], strides = [1, 1]} : vector<128x64xf32> to vector<128x1xf32>
      %slice3A_223 = vector.extract_strided_slice %get3A_13 {offsets = [14, 0], sizes = [1, 512], strides = [1, 1]} : vector<64x1024xf32> to vector<1x512xf32>
      %add3A_224 = vector.broadcast %slice3A_222 : vector<128x1xf32> to vector<128x512xf32>
      %add3A_225 = vector.broadcast %slice3A_223 : vector<1x512xf32> to vector<128x512xf32>
      %add3A_226 = arith.addf %add3A_224, %add3A_225 : vector<128x512xf32>
      %get3A_227 = arith.constant 14 : index
      %get3A_228 = arith.constant 0 : index
      %get3A_229 = vector.load %arg13[%get3A_227, %get3A_228] : memref<64x1xf32, #tpu.memory_space<vmem>>, vector<1x1xf32>
      %get3A_230 = vector.extract %get3A_229[0, 0] : f32 from vector<1x1xf32>
      %mul3A_231 = arith.constant 4.000000e-01 : f32
      %mul3A_232 = arith.mulf %mul3A_231, %get3A_230 : f32
      %abs3A_233 = math.absf %add3A_226 : vector<128x512xf32>
      %mul3A_234 = vector.broadcast %mul3A_232 : f32 to vector<128x512xf32>
      %mul3A_235 = arith.mulf %mul3A_234, %abs3A_233 : vector<128x512xf32>
      %add3A_236 = arith.addf %add3A_221, %mul3A_235 : vector<128x512xf32>
      %slice3A_237 = vector.extract_strided_slice %get3A_10 {offsets = [0, 15], sizes = [128, 1], strides = [1, 1]} : vector<128x64xf32> to vector<128x1xf32>
      %slice3A_238 = vector.extract_strided_slice %get3A_13 {offsets = [15, 0], sizes = [1, 512], strides = [1, 1]} : vector<64x1024xf32> to vector<1x512xf32>
      %add3A_239 = vector.broadcast %slice3A_237 : vector<128x1xf32> to vector<128x512xf32>
      %add3A_240 = vector.broadcast %slice3A_238 : vector<1x512xf32> to vector<128x512xf32>
      %add3A_241 = arith.addf %add3A_239, %add3A_240 : vector<128x512xf32>
      %get3A_242 = arith.constant 15 : index
      %get3A_243 = arith.constant 0 : index
      %get3A_244 = vector.load %arg13[%get3A_242, %get3A_243] : memref<64x1xf32, #tpu.memory_space<vmem>>, vector<1x1xf32>
      %get3A_245 = vector.extract %get3A_244[0, 0] : f32 from vector<1x1xf32>
      %mul3A_246 = arith.constant 4.000000e-01 : f32
      %mul3A_247 = arith.mulf %mul3A_246, %get3A_245 : f32
      %abs3A_248 = math.absf %add3A_241 : vector<128x512xf32>
      %mul3A_249 = vector.broadcast %mul3A_247 : f32 to vector<128x512xf32>
      %mul3A_250 = arith.mulf %mul3A_249, %abs3A_248 : vector<128x512xf32>
      %add3A_251 = arith.addf %add3A_236, %mul3A_250 : vector<128x512xf32>
      %slice3A_252 = vector.extract_strided_slice %get3A_10 {offsets = [0, 16], sizes = [128, 1], strides = [1, 1]} : vector<128x64xf32> to vector<128x1xf32>
      %slice3A_253 = vector.extract_strided_slice %get3A_13 {offsets = [16, 0], sizes = [1, 512], strides = [1, 1]} : vector<64x1024xf32> to vector<1x512xf32>
      %add3A_254 = vector.broadcast %slice3A_252 : vector<128x1xf32> to vector<128x512xf32>
      %add3A_255 = vector.broadcast %slice3A_253 : vector<1x512xf32> to vector<128x512xf32>
      %add3A_256 = arith.addf %add3A_254, %add3A_255 : vector<128x512xf32>
      %get3A_257 = arith.constant 16 : index
      %get3A_258 = arith.constant 0 : index
      %get3A_259 = vector.load %arg13[%get3A_257, %get3A_258] : memref<64x1xf32, #tpu.memory_space<vmem>>, vector<1x1xf32>
      %get3A_260 = vector.extract %get3A_259[0, 0] : f32 from vector<1x1xf32>
      %mul3A_261 = arith.constant 4.000000e-01 : f32
      %mul3A_262 = arith.mulf %mul3A_261, %get3A_260 : f32
      %abs3A_263 = math.absf %add3A_256 : vector<128x512xf32>
      %mul3A_264 = vector.broadcast %mul3A_262 : f32 to vector<128x512xf32>
      %mul3A_265 = arith.mulf %mul3A_264, %abs3A_263 : vector<128x512xf32>
      %add3A_266 = arith.addf %add3A_251, %mul3A_265 : vector<128x512xf32>
      %slice3A_267 = vector.extract_strided_slice %get3A_10 {offsets = [0, 17], sizes = [128, 1], strides = [1, 1]} : vector<128x64xf32> to vector<128x1xf32>
      %slice3A_268 = vector.extract_strided_slice %get3A_13 {offsets = [17, 0], sizes = [1, 512], strides = [1, 1]} : vector<64x1024xf32> to vector<1x512xf32>
      %add3A_269 = vector.broadcast %slice3A_267 : vector<128x1xf32> to vector<128x512xf32>
      %add3A_270 = vector.broadcast %slice3A_268 : vector<1x512xf32> to vector<128x512xf32>
      %add3A_271 = arith.addf %add3A_269, %add3A_270 : vector<128x512xf32>
      %get3A_272 = arith.constant 17 : index
      %get3A_273 = arith.constant 0 : index
      %get3A_274 = vector.load %arg13[%get3A_272, %get3A_273] : memref<64x1xf32, #tpu.memory_space<vmem>>, vector<1x1xf32>
      %get3A_275 = vector.extract %get3A_274[0, 0] : f32 from vector<1x1xf32>
      %mul3A_276 = arith.constant 4.000000e-01 : f32
      %mul3A_277 = arith.mulf %mul3A_276, %get3A_275 : f32
      %abs3A_278 = math.absf %add3A_271 : vector<128x512xf32>
      %mul3A_279 = vector.broadcast %mul3A_277 : f32 to vector<128x512xf32>
      %mul3A_280 = arith.mulf %mul3A_279, %abs3A_278 : vector<128x512xf32>
      %add3A_281 = arith.addf %add3A_266, %mul3A_280 : vector<128x512xf32>
      %slice3A_282 = vector.extract_strided_slice %get3A_10 {offsets = [0, 18], sizes = [128, 1], strides = [1, 1]} : vector<128x64xf32> to vector<128x1xf32>
      %slice3A_283 = vector.extract_strided_slice %get3A_13 {offsets = [18, 0], sizes = [1, 512], strides = [1, 1]} : vector<64x1024xf32> to vector<1x512xf32>
      %add3A_284 = vector.broadcast %slice3A_282 : vector<128x1xf32> to vector<128x512xf32>
      %add3A_285 = vector.broadcast %slice3A_283 : vector<1x512xf32> to vector<128x512xf32>
      %add3A_286 = arith.addf %add3A_284, %add3A_285 : vector<128x512xf32>
      %get3A_287 = arith.constant 18 : index
      %get3A_288 = arith.constant 0 : index
      %get3A_289 = vector.load %arg13[%get3A_287, %get3A_288] : memref<64x1xf32, #tpu.memory_space<vmem>>, vector<1x1xf32>
      %get3A_290 = vector.extract %get3A_289[0, 0] : f32 from vector<1x1xf32>
      %mul3A_291 = arith.constant 4.000000e-01 : f32
      %mul3A_292 = arith.mulf %mul3A_291, %get3A_290 : f32
      %abs3A_293 = math.absf %add3A_286 : vector<128x512xf32>
      %mul3A_294 = vector.broadcast %mul3A_292 : f32 to vector<128x512xf32>
      %mul3A_295 = arith.mulf %mul3A_294, %abs3A_293 : vector<128x512xf32>
      %add3A_296 = arith.addf %add3A_281, %mul3A_295 : vector<128x512xf32>
      %slice3A_297 = vector.extract_strided_slice %get3A_10 {offsets = [0, 19], sizes = [128, 1], strides = [1, 1]} : vector<128x64xf32> to vector<128x1xf32>
      %slice3A_298 = vector.extract_strided_slice %get3A_13 {offsets = [19, 0], sizes = [1, 512], strides = [1, 1]} : vector<64x1024xf32> to vector<1x512xf32>
      %add3A_299 = vector.broadcast %slice3A_297 : vector<128x1xf32> to vector<128x512xf32>
      %add3A_300 = vector.broadcast %slice3A_298 : vector<1x512xf32> to vector<128x512xf32>
      %add3A_301 = arith.addf %add3A_299, %add3A_300 : vector<128x512xf32>
      %get3A_302 = arith.constant 19 : index
      %get3A_303 = arith.constant 0 : index
      %get3A_304 = vector.load %arg13[%get3A_302, %get3A_303] : memref<64x1xf32, #tpu.memory_space<vmem>>, vector<1x1xf32>
      %get3A_305 = vector.extract %get3A_304[0, 0] : f32 from vector<1x1xf32>
      %mul3A_306 = arith.constant 4.000000e-01 : f32
      %mul3A_307 = arith.mulf %mul3A_306, %get3A_305 : f32
      %abs3A_308 = math.absf %add3A_301 : vector<128x512xf32>
      %mul3A_309 = vector.broadcast %mul3A_307 : f32 to vector<128x512xf32>
      %mul3A_310 = arith.mulf %mul3A_309, %abs3A_308 : vector<128x512xf32>
      %add3A_311 = arith.addf %add3A_296, %mul3A_310 : vector<128x512xf32>
      %slice3A_312 = vector.extract_strided_slice %get3A_10 {offsets = [0, 20], sizes = [128, 1], strides = [1, 1]} : vector<128x64xf32> to vector<128x1xf32>
      %slice3A_313 = vector.extract_strided_slice %get3A_13 {offsets = [20, 0], sizes = [1, 512], strides = [1, 1]} : vector<64x1024xf32> to vector<1x512xf32>
      %add3A_314 = vector.broadcast %slice3A_312 : vector<128x1xf32> to vector<128x512xf32>
      %add3A_315 = vector.broadcast %slice3A_313 : vector<1x512xf32> to vector<128x512xf32>
      %add3A_316 = arith.addf %add3A_314, %add3A_315 : vector<128x512xf32>
      %get3A_317 = arith.constant 20 : index
      %get3A_318 = arith.constant 0 : index
      %get3A_319 = vector.load %arg13[%get3A_317, %get3A_318] : memref<64x1xf32, #tpu.memory_space<vmem>>, vector<1x1xf32>
      %get3A_320 = vector.extract %get3A_319[0, 0] : f32 from vector<1x1xf32>
      %mul3A_321 = arith.constant 4.000000e-01 : f32
      %mul3A_322 = arith.mulf %mul3A_321, %get3A_320 : f32
      %abs3A_323 = math.absf %add3A_316 : vector<128x512xf32>
      %mul3A_324 = vector.broadcast %mul3A_322 : f32 to vector<128x512xf32>
      %mul3A_325 = arith.mulf %mul3A_324, %abs3A_323 : vector<128x512xf32>
      %add3A_326 = arith.addf %add3A_311, %mul3A_325 : vector<128x512xf32>
      %slice3A_327 = vector.extract_strided_slice %get3A_10 {offsets = [0, 21], sizes = [128, 1], strides = [1, 1]} : vector<128x64xf32> to vector<128x1xf32>
      %slice3A_328 = vector.extract_strided_slice %get3A_13 {offsets = [21, 0], sizes = [1, 512], strides = [1, 1]} : vector<64x1024xf32> to vector<1x512xf32>
      %add3A_329 = vector.broadcast %slice3A_327 : vector<128x1xf32> to vector<128x512xf32>
      %add3A_330 = vector.broadcast %slice3A_328 : vector<1x512xf32> to vector<128x512xf32>
      %add3A_331 = arith.addf %add3A_329, %add3A_330 : vector<128x512xf32>
      %get3A_332 = arith.constant 21 : index
      %get3A_333 = arith.constant 0 : index
      %get3A_334 = vector.load %arg13[%get3A_332, %get3A_333] : memref<64x1xf32, #tpu.memory_space<vmem>>, vector<1x1xf32>
      %get3A_335 = vector.extract %get3A_334[0, 0] : f32 from vector<1x1xf32>
      %mul3A_336 = arith.constant 4.000000e-01 : f32
      %mul3A_337 = arith.mulf %mul3A_336, %get3A_335 : f32
      %abs3A_338 = math.absf %add3A_331 : vector<128x512xf32>
      %mul3A_339 = vector.broadcast %mul3A_337 : f32 to vector<128x512xf32>
      %mul3A_340 = arith.mulf %mul3A_339, %abs3A_338 : vector<128x512xf32>
      %add3A_341 = arith.addf %add3A_326, %mul3A_340 : vector<128x512xf32>
      %slice3A_342 = vector.extract_strided_slice %get3A_10 {offsets = [0, 22], sizes = [128, 1], strides = [1, 1]} : vector<128x64xf32> to vector<128x1xf32>
      %slice3A_343 = vector.extract_strided_slice %get3A_13 {offsets = [22, 0], sizes = [1, 512], strides = [1, 1]} : vector<64x1024xf32> to vector<1x512xf32>
      %add3A_344 = vector.broadcast %slice3A_342 : vector<128x1xf32> to vector<128x512xf32>
      %add3A_345 = vector.broadcast %slice3A_343 : vector<1x512xf32> to vector<128x512xf32>
      %add3A_346 = arith.addf %add3A_344, %add3A_345 : vector<128x512xf32>
      %get3A_347 = arith.constant 22 : index
      %get3A_348 = arith.constant 0 : index
      %get3A_349 = vector.load %arg13[%get3A_347, %get3A_348] : memref<64x1xf32, #tpu.memory_space<vmem>>, vector<1x1xf32>
      %get3A_350 = vector.extract %get3A_349[0, 0] : f32 from vector<1x1xf32>
      %mul3A_351 = arith.constant 4.000000e-01 : f32
      %mul3A_352 = arith.mulf %mul3A_351, %get3A_350 : f32
      %abs3A_353 = math.absf %add3A_346 : vector<128x512xf32>
      %mul3A_354 = vector.broadcast %mul3A_352 : f32 to vector<128x512xf32>
      %mul3A_355 = arith.mulf %mul3A_354, %abs3A_353 : vector<128x512xf32>
      %add3A_356 = arith.addf %add3A_341, %mul3A_355 : vector<128x512xf32>
      %slice3A_357 = vector.extract_strided_slice %get3A_10 {offsets = [0, 23], sizes = [128, 1], strides = [1, 1]} : vector<128x64xf32> to vector<128x1xf32>
      %slice3A_358 = vector.extract_strided_slice %get3A_13 {offsets = [23, 0], sizes = [1, 512], strides = [1, 1]} : vector<64x1024xf32> to vector<1x512xf32>
      %add3A_359 = vector.broadcast %slice3A_357 : vector<128x1xf32> to vector<128x512xf32>
      %add3A_360 = vector.broadcast %slice3A_358 : vector<1x512xf32> to vector<128x512xf32>
      %add3A_361 = arith.addf %add3A_359, %add3A_360 : vector<128x512xf32>
      %get3A_362 = arith.constant 23 : index
      %get3A_363 = arith.constant 0 : index
      %get3A_364 = vector.load %arg13[%get3A_362, %get3A_363] : memref<64x1xf32, #tpu.memory_space<vmem>>, vector<1x1xf32>
      %get3A_365 = vector.extract %get3A_364[0, 0] : f32 from vector<1x1xf32>
      %mul3A_366 = arith.constant 4.000000e-01 : f32
      %mul3A_367 = arith.mulf %mul3A_366, %get3A_365 : f32
      %abs3A_368 = math.absf %add3A_361 : vector<128x512xf32>
      %mul3A_369 = vector.broadcast %mul3A_367 : f32 to vector<128x512xf32>
      %mul3A_370 = arith.mulf %mul3A_369, %abs3A_368 : vector<128x512xf32>
      %add3A_371 = arith.addf %add3A_356, %mul3A_370 : vector<128x512xf32>
      %slice3A_372 = vector.extract_strided_slice %get3A_10 {offsets = [0, 24], sizes = [128, 1], strides = [1, 1]} : vector<128x64xf32> to vector<128x1xf32>
      %slice3A_373 = vector.extract_strided_slice %get3A_13 {offsets = [24, 0], sizes = [1, 512], strides = [1, 1]} : vector<64x1024xf32> to vector<1x512xf32>
      %add3A_374 = vector.broadcast %slice3A_372 : vector<128x1xf32> to vector<128x512xf32>
      %add3A_375 = vector.broadcast %slice3A_373 : vector<1x512xf32> to vector<128x512xf32>
      %add3A_376 = arith.addf %add3A_374, %add3A_375 : vector<128x512xf32>
      %get3A_377 = arith.constant 24 : index
      %get3A_378 = arith.constant 0 : index
      %get3A_379 = vector.load %arg13[%get3A_377, %get3A_378] : memref<64x1xf32, #tpu.memory_space<vmem>>, vector<1x1xf32>
      %get3A_380 = vector.extract %get3A_379[0, 0] : f32 from vector<1x1xf32>
      %mul3A_381 = arith.constant 4.000000e-01 : f32
      %mul3A_382 = arith.mulf %mul3A_381, %get3A_380 : f32
      %abs3A_383 = math.absf %add3A_376 : vector<128x512xf32>
      %mul3A_384 = vector.broadcast %mul3A_382 : f32 to vector<128x512xf32>
      %mul3A_385 = arith.mulf %mul3A_384, %abs3A_383 : vector<128x512xf32>
      %add3A_386 = arith.addf %add3A_371, %mul3A_385 : vector<128x512xf32>
      %slice3A_387 = vector.extract_strided_slice %get3A_10 {offsets = [0, 25], sizes = [128, 1], strides = [1, 1]} : vector<128x64xf32> to vector<128x1xf32>
      %slice3A_388 = vector.extract_strided_slice %get3A_13 {offsets = [25, 0], sizes = [1, 512], strides = [1, 1]} : vector<64x1024xf32> to vector<1x512xf32>
      %add3A_389 = vector.broadcast %slice3A_387 : vector<128x1xf32> to vector<128x512xf32>
      %add3A_390 = vector.broadcast %slice3A_388 : vector<1x512xf32> to vector<128x512xf32>
      %add3A_391 = arith.addf %add3A_389, %add3A_390 : vector<128x512xf32>
      %get3A_392 = arith.constant 25 : index
      %get3A_393 = arith.constant 0 : index
      %get3A_394 = vector.load %arg13[%get3A_392, %get3A_393] : memref<64x1xf32, #tpu.memory_space<vmem>>, vector<1x1xf32>
      %get3A_395 = vector.extract %get3A_394[0, 0] : f32 from vector<1x1xf32>
      %mul3A_396 = arith.constant 4.000000e-01 : f32
      %mul3A_397 = arith.mulf %mul3A_396, %get3A_395 : f32
      %abs3A_398 = math.absf %add3A_391 : vector<128x512xf32>
      %mul3A_399 = vector.broadcast %mul3A_397 : f32 to vector<128x512xf32>
      %mul3A_400 = arith.mulf %mul3A_399, %abs3A_398 : vector<128x512xf32>
      %add3A_401 = arith.addf %add3A_386, %mul3A_400 : vector<128x512xf32>
      %slice3A_402 = vector.extract_strided_slice %get3A_10 {offsets = [0, 26], sizes = [128, 1], strides = [1, 1]} : vector<128x64xf32> to vector<128x1xf32>
      %slice3A_403 = vector.extract_strided_slice %get3A_13 {offsets = [26, 0], sizes = [1, 512], strides = [1, 1]} : vector<64x1024xf32> to vector<1x512xf32>
      %add3A_404 = vector.broadcast %slice3A_402 : vector<128x1xf32> to vector<128x512xf32>
      %add3A_405 = vector.broadcast %slice3A_403 : vector<1x512xf32> to vector<128x512xf32>
      %add3A_406 = arith.addf %add3A_404, %add3A_405 : vector<128x512xf32>
      %get3A_407 = arith.constant 26 : index
      %get3A_408 = arith.constant 0 : index
      %get3A_409 = vector.load %arg13[%get3A_407, %get3A_408] : memref<64x1xf32, #tpu.memory_space<vmem>>, vector<1x1xf32>
      %get3A_410 = vector.extract %get3A_409[0, 0] : f32 from vector<1x1xf32>
      %mul3A_411 = arith.constant 4.000000e-01 : f32
      %mul3A_412 = arith.mulf %mul3A_411, %get3A_410 : f32
      %abs3A_413 = math.absf %add3A_406 : vector<128x512xf32>
      %mul3A_414 = vector.broadcast %mul3A_412 : f32 to vector<128x512xf32>
      %mul3A_415 = arith.mulf %mul3A_414, %abs3A_413 : vector<128x512xf32>
      %add3A_416 = arith.addf %add3A_401, %mul3A_415 : vector<128x512xf32>
      %slice3A_417 = vector.extract_strided_slice %get3A_10 {offsets = [0, 27], sizes = [128, 1], strides = [1, 1]} : vector<128x64xf32> to vector<128x1xf32>
      %slice3A_418 = vector.extract_strided_slice %get3A_13 {offsets = [27, 0], sizes = [1, 512], strides = [1, 1]} : vector<64x1024xf32> to vector<1x512xf32>
      %add3A_419 = vector.broadcast %slice3A_417 : vector<128x1xf32> to vector<128x512xf32>
      %add3A_420 = vector.broadcast %slice3A_418 : vector<1x512xf32> to vector<128x512xf32>
      %add3A_421 = arith.addf %add3A_419, %add3A_420 : vector<128x512xf32>
      %get3A_422 = arith.constant 27 : index
      %get3A_423 = arith.constant 0 : index
      %get3A_424 = vector.load %arg13[%get3A_422, %get3A_423] : memref<64x1xf32, #tpu.memory_space<vmem>>, vector<1x1xf32>
      %get3A_425 = vector.extract %get3A_424[0, 0] : f32 from vector<1x1xf32>
      %mul3A_426 = arith.constant 4.000000e-01 : f32
      %mul3A_427 = arith.mulf %mul3A_426, %get3A_425 : f32
      %abs3A_428 = math.absf %add3A_421 : vector<128x512xf32>
      %mul3A_429 = vector.broadcast %mul3A_427 : f32 to vector<128x512xf32>
      %mul3A_430 = arith.mulf %mul3A_429, %abs3A_428 : vector<128x512xf32>
      %add3A_431 = arith.addf %add3A_416, %mul3A_430 : vector<128x512xf32>
      %slice3A_432 = vector.extract_strided_slice %get3A_10 {offsets = [0, 28], sizes = [128, 1], strides = [1, 1]} : vector<128x64xf32> to vector<128x1xf32>
      %slice3A_433 = vector.extract_strided_slice %get3A_13 {offsets = [28, 0], sizes = [1, 512], strides = [1, 1]} : vector<64x1024xf32> to vector<1x512xf32>
      %add3A_434 = vector.broadcast %slice3A_432 : vector<128x1xf32> to vector<128x512xf32>
      %add3A_435 = vector.broadcast %slice3A_433 : vector<1x512xf32> to vector<128x512xf32>
      %add3A_436 = arith.addf %add3A_434, %add3A_435 : vector<128x512xf32>
      %get3A_437 = arith.constant 28 : index
      %get3A_438 = arith.constant 0 : index
      %get3A_439 = vector.load %arg13[%get3A_437, %get3A_438] : memref<64x1xf32, #tpu.memory_space<vmem>>, vector<1x1xf32>
      %get3A_440 = vector.extract %get3A_439[0, 0] : f32 from vector<1x1xf32>
      %mul3A_441 = arith.constant 4.000000e-01 : f32
      %mul3A_442 = arith.mulf %mul3A_441, %get3A_440 : f32
      %abs3A_443 = math.absf %add3A_436 : vector<128x512xf32>
      %mul3A_444 = vector.broadcast %mul3A_442 : f32 to vector<128x512xf32>
      %mul3A_445 = arith.mulf %mul3A_444, %abs3A_443 : vector<128x512xf32>
      %add3A_446 = arith.addf %add3A_431, %mul3A_445 : vector<128x512xf32>
      %slice3A_447 = vector.extract_strided_slice %get3A_10 {offsets = [0, 29], sizes = [128, 1], strides = [1, 1]} : vector<128x64xf32> to vector<128x1xf32>
      %slice3A_448 = vector.extract_strided_slice %get3A_13 {offsets = [29, 0], sizes = [1, 512], strides = [1, 1]} : vector<64x1024xf32> to vector<1x512xf32>
      %add3A_449 = vector.broadcast %slice3A_447 : vector<128x1xf32> to vector<128x512xf32>
      %add3A_450 = vector.broadcast %slice3A_448 : vector<1x512xf32> to vector<128x512xf32>
      %add3A_451 = arith.addf %add3A_449, %add3A_450 : vector<128x512xf32>
      %get3A_452 = arith.constant 29 : index
      %get3A_453 = arith.constant 0 : index
      %get3A_454 = vector.load %arg13[%get3A_452, %get3A_453] : memref<64x1xf32, #tpu.memory_space<vmem>>, vector<1x1xf32>
      %get3A_455 = vector.extract %get3A_454[0, 0] : f32 from vector<1x1xf32>
      %mul3A_456 = arith.constant 4.000000e-01 : f32
      %mul3A_457 = arith.mulf %mul3A_456, %get3A_455 : f32
      %abs3A_458 = math.absf %add3A_451 : vector<128x512xf32>
      %mul3A_459 = vector.broadcast %mul3A_457 : f32 to vector<128x512xf32>
      %mul3A_460 = arith.mulf %mul3A_459, %abs3A_458 : vector<128x512xf32>
      %add3A_461 = arith.addf %add3A_446, %mul3A_460 : vector<128x512xf32>
      %slice3A_462 = vector.extract_strided_slice %get3A_10 {offsets = [0, 30], sizes = [128, 1], strides = [1, 1]} : vector<128x64xf32> to vector<128x1xf32>
      %slice3A_463 = vector.extract_strided_slice %get3A_13 {offsets = [30, 0], sizes = [1, 512], strides = [1, 1]} : vector<64x1024xf32> to vector<1x512xf32>
      %add3A_464 = vector.broadcast %slice3A_462 : vector<128x1xf32> to vector<128x512xf32>
      %add3A_465 = vector.broadcast %slice3A_463 : vector<1x512xf32> to vector<128x512xf32>
      %add3A_466 = arith.addf %add3A_464, %add3A_465 : vector<128x512xf32>
      %get3A_467 = arith.constant 30 : index
      %get3A_468 = arith.constant 0 : index
      %get3A_469 = vector.load %arg13[%get3A_467, %get3A_468] : memref<64x1xf32, #tpu.memory_space<vmem>>, vector<1x1xf32>
      %get3A_470 = vector.extract %get3A_469[0, 0] : f32 from vector<1x1xf32>
      %mul3A_471 = arith.constant 4.000000e-01 : f32
      %mul3A_472 = arith.mulf %mul3A_471, %get3A_470 : f32
      %abs3A_473 = math.absf %add3A_466 : vector<128x512xf32>
      %mul3A_474 = vector.broadcast %mul3A_472 : f32 to vector<128x512xf32>
      %mul3A_475 = arith.mulf %mul3A_474, %abs3A_473 : vector<128x512xf32>
      %add3A_476 = arith.addf %add3A_461, %mul3A_475 : vector<128x512xf32>
      %slice3A_477 = vector.extract_strided_slice %get3A_10 {offsets = [0, 31], sizes = [128, 1], strides = [1, 1]} : vector<128x64xf32> to vector<128x1xf32>
      %slice3A_478 = vector.extract_strided_slice %get3A_13 {offsets = [31, 0], sizes = [1, 512], strides = [1, 1]} : vector<64x1024xf32> to vector<1x512xf32>
      %add3A_479 = vector.broadcast %slice3A_477 : vector<128x1xf32> to vector<128x512xf32>
      %add3A_480 = vector.broadcast %slice3A_478 : vector<1x512xf32> to vector<128x512xf32>
      %add3A_481 = arith.addf %add3A_479, %add3A_480 : vector<128x512xf32>
      %get3A_482 = arith.constant 31 : index
      %get3A_483 = arith.constant 0 : index
      %get3A_484 = vector.load %arg13[%get3A_482, %get3A_483] : memref<64x1xf32, #tpu.memory_space<vmem>>, vector<1x1xf32>
      %get3A_485 = vector.extract %get3A_484[0, 0] : f32 from vector<1x1xf32>
      %mul3A_486 = arith.constant 4.000000e-01 : f32
      %mul3A_487 = arith.mulf %mul3A_486, %get3A_485 : f32
      %abs3A_488 = math.absf %add3A_481 : vector<128x512xf32>
      %mul3A_489 = vector.broadcast %mul3A_487 : f32 to vector<128x512xf32>
      %mul3A_490 = arith.mulf %mul3A_489, %abs3A_488 : vector<128x512xf32>
      %add3A_491 = arith.addf %add3A_476, %mul3A_490 : vector<128x512xf32>
      %slice3A_492 = vector.extract_strided_slice %get3A_10 {offsets = [0, 32], sizes = [128, 1], strides = [1, 1]} : vector<128x64xf32> to vector<128x1xf32>
      %slice3A_493 = vector.extract_strided_slice %get3A_13 {offsets = [32, 0], sizes = [1, 512], strides = [1, 1]} : vector<64x1024xf32> to vector<1x512xf32>
      %add3A_494 = vector.broadcast %slice3A_492 : vector<128x1xf32> to vector<128x512xf32>
      %add3A_495 = vector.broadcast %slice3A_493 : vector<1x512xf32> to vector<128x512xf32>
      %add3A_496 = arith.addf %add3A_494, %add3A_495 : vector<128x512xf32>
      %get3A_497 = arith.constant 32 : index
      %get3A_498 = arith.constant 0 : index
      %get3A_499 = vector.load %arg13[%get3A_497, %get3A_498] : memref<64x1xf32, #tpu.memory_space<vmem>>, vector<1x1xf32>
      %get3A_500 = vector.extract %get3A_499[0, 0] : f32 from vector<1x1xf32>
      %mul3A_501 = arith.constant 4.000000e-01 : f32
      %mul3A_502 = arith.mulf %mul3A_501, %get3A_500 : f32
      %abs3A_503 = math.absf %add3A_496 : vector<128x512xf32>
      %mul3A_504 = vector.broadcast %mul3A_502 : f32 to vector<128x512xf32>
      %mul3A_505 = arith.mulf %mul3A_504, %abs3A_503 : vector<128x512xf32>
      %add3A_506 = arith.addf %add3A_491, %mul3A_505 : vector<128x512xf32>
      %slice3A_507 = vector.extract_strided_slice %get3A_10 {offsets = [0, 33], sizes = [128, 1], strides = [1, 1]} : vector<128x64xf32> to vector<128x1xf32>
      %slice3A_508 = vector.extract_strided_slice %get3A_13 {offsets = [33, 0], sizes = [1, 512], strides = [1, 1]} : vector<64x1024xf32> to vector<1x512xf32>
      %add3A_509 = vector.broadcast %slice3A_507 : vector<128x1xf32> to vector<128x512xf32>
      %add3A_510 = vector.broadcast %slice3A_508 : vector<1x512xf32> to vector<128x512xf32>
      %add3A_511 = arith.addf %add3A_509, %add3A_510 : vector<128x512xf32>
      %get3A_512 = arith.constant 33 : index
      %get3A_513 = arith.constant 0 : index
      %get3A_514 = vector.load %arg13[%get3A_512, %get3A_513] : memref<64x1xf32, #tpu.memory_space<vmem>>, vector<1x1xf32>
      %get3A_515 = vector.extract %get3A_514[0, 0] : f32 from vector<1x1xf32>
      %mul3A_516 = arith.constant 4.000000e-01 : f32
      %mul3A_517 = arith.mulf %mul3A_516, %get3A_515 : f32
      %abs3A_518 = math.absf %add3A_511 : vector<128x512xf32>
      %mul3A_519 = vector.broadcast %mul3A_517 : f32 to vector<128x512xf32>
      %mul3A_520 = arith.mulf %mul3A_519, %abs3A_518 : vector<128x512xf32>
      %add3A_521 = arith.addf %add3A_506, %mul3A_520 : vector<128x512xf32>
      %slice3A_522 = vector.extract_strided_slice %get3A_10 {offsets = [0, 34], sizes = [128, 1], strides = [1, 1]} : vector<128x64xf32> to vector<128x1xf32>
      %slice3A_523 = vector.extract_strided_slice %get3A_13 {offsets = [34, 0], sizes = [1, 512], strides = [1, 1]} : vector<64x1024xf32> to vector<1x512xf32>
      %add3A_524 = vector.broadcast %slice3A_522 : vector<128x1xf32> to vector<128x512xf32>
      %add3A_525 = vector.broadcast %slice3A_523 : vector<1x512xf32> to vector<128x512xf32>
      %add3A_526 = arith.addf %add3A_524, %add3A_525 : vector<128x512xf32>
      %get3A_527 = arith.constant 34 : index
      %get3A_528 = arith.constant 0 : index
      %get3A_529 = vector.load %arg13[%get3A_527, %get3A_528] : memref<64x1xf32, #tpu.memory_space<vmem>>, vector<1x1xf32>
      %get3A_530 = vector.extract %get3A_529[0, 0] : f32 from vector<1x1xf32>
      %mul3A_531 = arith.constant 4.000000e-01 : f32
      %mul3A_532 = arith.mulf %mul3A_531, %get3A_530 : f32
      %abs3A_533 = math.absf %add3A_526 : vector<128x512xf32>
      %mul3A_534 = vector.broadcast %mul3A_532 : f32 to vector<128x512xf32>
      %mul3A_535 = arith.mulf %mul3A_534, %abs3A_533 : vector<128x512xf32>
      %add3A_536 = arith.addf %add3A_521, %mul3A_535 : vector<128x512xf32>
      %slice3A_537 = vector.extract_strided_slice %get3A_10 {offsets = [0, 35], sizes = [128, 1], strides = [1, 1]} : vector<128x64xf32> to vector<128x1xf32>
      %slice3A_538 = vector.extract_strided_slice %get3A_13 {offsets = [35, 0], sizes = [1, 512], strides = [1, 1]} : vector<64x1024xf32> to vector<1x512xf32>
      %add3A_539 = vector.broadcast %slice3A_537 : vector<128x1xf32> to vector<128x512xf32>
      %add3A_540 = vector.broadcast %slice3A_538 : vector<1x512xf32> to vector<128x512xf32>
      %add3A_541 = arith.addf %add3A_539, %add3A_540 : vector<128x512xf32>
      %get3A_542 = arith.constant 35 : index
      %get3A_543 = arith.constant 0 : index
      %get3A_544 = vector.load %arg13[%get3A_542, %get3A_543] : memref<64x1xf32, #tpu.memory_space<vmem>>, vector<1x1xf32>
      %get3A_545 = vector.extract %get3A_544[0, 0] : f32 from vector<1x1xf32>
      %mul3A_546 = arith.constant 4.000000e-01 : f32
      %mul3A_547 = arith.mulf %mul3A_546, %get3A_545 : f32
      %abs3A_548 = math.absf %add3A_541 : vector<128x512xf32>
      %mul3A_549 = vector.broadcast %mul3A_547 : f32 to vector<128x512xf32>
      %mul3A_550 = arith.mulf %mul3A_549, %abs3A_548 : vector<128x512xf32>
      %add3A_551 = arith.addf %add3A_536, %mul3A_550 : vector<128x512xf32>
      %slice3A_552 = vector.extract_strided_slice %get3A_10 {offsets = [0, 36], sizes = [128, 1], strides = [1, 1]} : vector<128x64xf32> to vector<128x1xf32>
      %slice3A_553 = vector.extract_strided_slice %get3A_13 {offsets = [36, 0], sizes = [1, 512], strides = [1, 1]} : vector<64x1024xf32> to vector<1x512xf32>
      %add3A_554 = vector.broadcast %slice3A_552 : vector<128x1xf32> to vector<128x512xf32>
      %add3A_555 = vector.broadcast %slice3A_553 : vector<1x512xf32> to vector<128x512xf32>
      %add3A_556 = arith.addf %add3A_554, %add3A_555 : vector<128x512xf32>
      %get3A_557 = arith.constant 36 : index
      %get3A_558 = arith.constant 0 : index
      %get3A_559 = vector.load %arg13[%get3A_557, %get3A_558] : memref<64x1xf32, #tpu.memory_space<vmem>>, vector<1x1xf32>
      %get3A_560 = vector.extract %get3A_559[0, 0] : f32 from vector<1x1xf32>
      %mul3A_561 = arith.constant 4.000000e-01 : f32
      %mul3A_562 = arith.mulf %mul3A_561, %get3A_560 : f32
      %abs3A_563 = math.absf %add3A_556 : vector<128x512xf32>
      %mul3A_564 = vector.broadcast %mul3A_562 : f32 to vector<128x512xf32>
      %mul3A_565 = arith.mulf %mul3A_564, %abs3A_563 : vector<128x512xf32>
      %add3A_566 = arith.addf %add3A_551, %mul3A_565 : vector<128x512xf32>
      %slice3A_567 = vector.extract_strided_slice %get3A_10 {offsets = [0, 37], sizes = [128, 1], strides = [1, 1]} : vector<128x64xf32> to vector<128x1xf32>
      %slice3A_568 = vector.extract_strided_slice %get3A_13 {offsets = [37, 0], sizes = [1, 512], strides = [1, 1]} : vector<64x1024xf32> to vector<1x512xf32>
      %add3A_569 = vector.broadcast %slice3A_567 : vector<128x1xf32> to vector<128x512xf32>
      %add3A_570 = vector.broadcast %slice3A_568 : vector<1x512xf32> to vector<128x512xf32>
      %add3A_571 = arith.addf %add3A_569, %add3A_570 : vector<128x512xf32>
      %get3A_572 = arith.constant 37 : index
      %get3A_573 = arith.constant 0 : index
      %get3A_574 = vector.load %arg13[%get3A_572, %get3A_573] : memref<64x1xf32, #tpu.memory_space<vmem>>, vector<1x1xf32>
      %get3A_575 = vector.extract %get3A_574[0, 0] : f32 from vector<1x1xf32>
      %mul3A_576 = arith.constant 4.000000e-01 : f32
      %mul3A_577 = arith.mulf %mul3A_576, %get3A_575 : f32
      %abs3A_578 = math.absf %add3A_571 : vector<128x512xf32>
      %mul3A_579 = vector.broadcast %mul3A_577 : f32 to vector<128x512xf32>
      %mul3A_580 = arith.mulf %mul3A_579, %abs3A_578 : vector<128x512xf32>
      %add3A_581 = arith.addf %add3A_566, %mul3A_580 : vector<128x512xf32>
      %slice3A_582 = vector.extract_strided_slice %get3A_10 {offsets = [0, 38], sizes = [128, 1], strides = [1, 1]} : vector<128x64xf32> to vector<128x1xf32>
      %slice3A_583 = vector.extract_strided_slice %get3A_13 {offsets = [38, 0], sizes = [1, 512], strides = [1, 1]} : vector<64x1024xf32> to vector<1x512xf32>
      %add3A_584 = vector.broadcast %slice3A_582 : vector<128x1xf32> to vector<128x512xf32>
      %add3A_585 = vector.broadcast %slice3A_583 : vector<1x512xf32> to vector<128x512xf32>
      %add3A_586 = arith.addf %add3A_584, %add3A_585 : vector<128x512xf32>
      %get3A_587 = arith.constant 38 : index
      %get3A_588 = arith.constant 0 : index
      %get3A_589 = vector.load %arg13[%get3A_587, %get3A_588] : memref<64x1xf32, #tpu.memory_space<vmem>>, vector<1x1xf32>
      %get3A_590 = vector.extract %get3A_589[0, 0] : f32 from vector<1x1xf32>
      %mul3A_591 = arith.constant 4.000000e-01 : f32
      %mul3A_592 = arith.mulf %mul3A_591, %get3A_590 : f32
      %abs3A_593 = math.absf %add3A_586 : vector<128x512xf32>
      %mul3A_594 = vector.broadcast %mul3A_592 : f32 to vector<128x512xf32>
      %mul3A_595 = arith.mulf %mul3A_594, %abs3A_593 : vector<128x512xf32>
      %add3A_596 = arith.addf %add3A_581, %mul3A_595 : vector<128x512xf32>
      %slice3A_597 = vector.extract_strided_slice %get3A_10 {offsets = [0, 39], sizes = [128, 1], strides = [1, 1]} : vector<128x64xf32> to vector<128x1xf32>
      %slice3A_598 = vector.extract_strided_slice %get3A_13 {offsets = [39, 0], sizes = [1, 512], strides = [1, 1]} : vector<64x1024xf32> to vector<1x512xf32>
      %add3A_599 = vector.broadcast %slice3A_597 : vector<128x1xf32> to vector<128x512xf32>
      %add3A_600 = vector.broadcast %slice3A_598 : vector<1x512xf32> to vector<128x512xf32>
      %add3A_601 = arith.addf %add3A_599, %add3A_600 : vector<128x512xf32>
      %get3A_602 = arith.constant 39 : index
      %get3A_603 = arith.constant 0 : index
      %get3A_604 = vector.load %arg13[%get3A_602, %get3A_603] : memref<64x1xf32, #tpu.memory_space<vmem>>, vector<1x1xf32>
      %get3A_605 = vector.extract %get3A_604[0, 0] : f32 from vector<1x1xf32>
      %mul3A_606 = arith.constant 4.000000e-01 : f32
      %mul3A_607 = arith.mulf %mul3A_606, %get3A_605 : f32
      %abs3A_608 = math.absf %add3A_601 : vector<128x512xf32>
      %mul3A_609 = vector.broadcast %mul3A_607 : f32 to vector<128x512xf32>
      %mul3A_610 = arith.mulf %mul3A_609, %abs3A_608 : vector<128x512xf32>
      %add3A_611 = arith.addf %add3A_596, %mul3A_610 : vector<128x512xf32>
      %slice3A_612 = vector.extract_strided_slice %get3A_10 {offsets = [0, 40], sizes = [128, 1], strides = [1, 1]} : vector<128x64xf32> to vector<128x1xf32>
      %slice3A_613 = vector.extract_strided_slice %get3A_13 {offsets = [40, 0], sizes = [1, 512], strides = [1, 1]} : vector<64x1024xf32> to vector<1x512xf32>
      %add3A_614 = vector.broadcast %slice3A_612 : vector<128x1xf32> to vector<128x512xf32>
      %add3A_615 = vector.broadcast %slice3A_613 : vector<1x512xf32> to vector<128x512xf32>
      %add3A_616 = arith.addf %add3A_614, %add3A_615 : vector<128x512xf32>
      %get3A_617 = arith.constant 40 : index
      %get3A_618 = arith.constant 0 : index
      %get3A_619 = vector.load %arg13[%get3A_617, %get3A_618] : memref<64x1xf32, #tpu.memory_space<vmem>>, vector<1x1xf32>
      %get3A_620 = vector.extract %get3A_619[0, 0] : f32 from vector<1x1xf32>
      %mul3A_621 = arith.constant 4.000000e-01 : f32
      %mul3A_622 = arith.mulf %mul3A_621, %get3A_620 : f32
      %abs3A_623 = math.absf %add3A_616 : vector<128x512xf32>
      %mul3A_624 = vector.broadcast %mul3A_622 : f32 to vector<128x512xf32>
      %mul3A_625 = arith.mulf %mul3A_624, %abs3A_623 : vector<128x512xf32>
      %add3A_626 = arith.addf %add3A_611, %mul3A_625 : vector<128x512xf32>
      %slice3A_627 = vector.extract_strided_slice %get3A_10 {offsets = [0, 41], sizes = [128, 1], strides = [1, 1]} : vector<128x64xf32> to vector<128x1xf32>
      %slice3A_628 = vector.extract_strided_slice %get3A_13 {offsets = [41, 0], sizes = [1, 512], strides = [1, 1]} : vector<64x1024xf32> to vector<1x512xf32>
      %add3A_629 = vector.broadcast %slice3A_627 : vector<128x1xf32> to vector<128x512xf32>
      %add3A_630 = vector.broadcast %slice3A_628 : vector<1x512xf32> to vector<128x512xf32>
      %add3A_631 = arith.addf %add3A_629, %add3A_630 : vector<128x512xf32>
      %get3A_632 = arith.constant 41 : index
      %get3A_633 = arith.constant 0 : index
      %get3A_634 = vector.load %arg13[%get3A_632, %get3A_633] : memref<64x1xf32, #tpu.memory_space<vmem>>, vector<1x1xf32>
      %get3A_635 = vector.extract %get3A_634[0, 0] : f32 from vector<1x1xf32>
      %mul3A_636 = arith.constant 4.000000e-01 : f32
      %mul3A_637 = arith.mulf %mul3A_636, %get3A_635 : f32
      %abs3A_638 = math.absf %add3A_631 : vector<128x512xf32>
      %mul3A_639 = vector.broadcast %mul3A_637 : f32 to vector<128x512xf32>
      %mul3A_640 = arith.mulf %mul3A_639, %abs3A_638 : vector<128x512xf32>
      %add3A_641 = arith.addf %add3A_626, %mul3A_640 : vector<128x512xf32>
      %slice3A_642 = vector.extract_strided_slice %get3A_10 {offsets = [0, 42], sizes = [128, 1], strides = [1, 1]} : vector<128x64xf32> to vector<128x1xf32>
      %slice3A_643 = vector.extract_strided_slice %get3A_13 {offsets = [42, 0], sizes = [1, 512], strides = [1, 1]} : vector<64x1024xf32> to vector<1x512xf32>
      %add3A_644 = vector.broadcast %slice3A_642 : vector<128x1xf32> to vector<128x512xf32>
      %add3A_645 = vector.broadcast %slice3A_643 : vector<1x512xf32> to vector<128x512xf32>
      %add3A_646 = arith.addf %add3A_644, %add3A_645 : vector<128x512xf32>
      %get3A_647 = arith.constant 42 : index
      %get3A_648 = arith.constant 0 : index
      %get3A_649 = vector.load %arg13[%get3A_647, %get3A_648] : memref<64x1xf32, #tpu.memory_space<vmem>>, vector<1x1xf32>
      %get3A_650 = vector.extract %get3A_649[0, 0] : f32 from vector<1x1xf32>
      %mul3A_651 = arith.constant 4.000000e-01 : f32
      %mul3A_652 = arith.mulf %mul3A_651, %get3A_650 : f32
      %abs3A_653 = math.absf %add3A_646 : vector<128x512xf32>
      %mul3A_654 = vector.broadcast %mul3A_652 : f32 to vector<128x512xf32>
      %mul3A_655 = arith.mulf %mul3A_654, %abs3A_653 : vector<128x512xf32>
      %add3A_656 = arith.addf %add3A_641, %mul3A_655 : vector<128x512xf32>
      %slice3A_657 = vector.extract_strided_slice %get3A_10 {offsets = [0, 43], sizes = [128, 1], strides = [1, 1]} : vector<128x64xf32> to vector<128x1xf32>
      %slice3A_658 = vector.extract_strided_slice %get3A_13 {offsets = [43, 0], sizes = [1, 512], strides = [1, 1]} : vector<64x1024xf32> to vector<1x512xf32>
      %add3A_659 = vector.broadcast %slice3A_657 : vector<128x1xf32> to vector<128x512xf32>
      %add3A_660 = vector.broadcast %slice3A_658 : vector<1x512xf32> to vector<128x512xf32>
      %add3A_661 = arith.addf %add3A_659, %add3A_660 : vector<128x512xf32>
      %get3A_662 = arith.constant 43 : index
      %get3A_663 = arith.constant 0 : index
      %get3A_664 = vector.load %arg13[%get3A_662, %get3A_663] : memref<64x1xf32, #tpu.memory_space<vmem>>, vector<1x1xf32>
      %get3A_665 = vector.extract %get3A_664[0, 0] : f32 from vector<1x1xf32>
      %mul3A_666 = arith.constant 4.000000e-01 : f32
      %mul3A_667 = arith.mulf %mul3A_666, %get3A_665 : f32
      %abs3A_668 = math.absf %add3A_661 : vector<128x512xf32>
      %mul3A_669 = vector.broadcast %mul3A_667 : f32 to vector<128x512xf32>
      %mul3A_670 = arith.mulf %mul3A_669, %abs3A_668 : vector<128x512xf32>
      %add3A_671 = arith.addf %add3A_656, %mul3A_670 : vector<128x512xf32>
      %slice3A_672 = vector.extract_strided_slice %get3A_10 {offsets = [0, 44], sizes = [128, 1], strides = [1, 1]} : vector<128x64xf32> to vector<128x1xf32>
      %slice3A_673 = vector.extract_strided_slice %get3A_13 {offsets = [44, 0], sizes = [1, 512], strides = [1, 1]} : vector<64x1024xf32> to vector<1x512xf32>
      %add3A_674 = vector.broadcast %slice3A_672 : vector<128x1xf32> to vector<128x512xf32>
      %add3A_675 = vector.broadcast %slice3A_673 : vector<1x512xf32> to vector<128x512xf32>
      %add3A_676 = arith.addf %add3A_674, %add3A_675 : vector<128x512xf32>
      %get3A_677 = arith.constant 44 : index
      %get3A_678 = arith.constant 0 : index
      %get3A_679 = vector.load %arg13[%get3A_677, %get3A_678] : memref<64x1xf32, #tpu.memory_space<vmem>>, vector<1x1xf32>
      %get3A_680 = vector.extract %get3A_679[0, 0] : f32 from vector<1x1xf32>
      %mul3A_681 = arith.constant 4.000000e-01 : f32
      %mul3A_682 = arith.mulf %mul3A_681, %get3A_680 : f32
      %abs3A_683 = math.absf %add3A_676 : vector<128x512xf32>
      %mul3A_684 = vector.broadcast %mul3A_682 : f32 to vector<128x512xf32>
      %mul3A_685 = arith.mulf %mul3A_684, %abs3A_683 : vector<128x512xf32>
      %add3A_686 = arith.addf %add3A_671, %mul3A_685 : vector<128x512xf32>
      %slice3A_687 = vector.extract_strided_slice %get3A_10 {offsets = [0, 45], sizes = [128, 1], strides = [1, 1]} : vector<128x64xf32> to vector<128x1xf32>
      %slice3A_688 = vector.extract_strided_slice %get3A_13 {offsets = [45, 0], sizes = [1, 512], strides = [1, 1]} : vector<64x1024xf32> to vector<1x512xf32>
      %add3A_689 = vector.broadcast %slice3A_687 : vector<128x1xf32> to vector<128x512xf32>
      %add3A_690 = vector.broadcast %slice3A_688 : vector<1x512xf32> to vector<128x512xf32>
      %add3A_691 = arith.addf %add3A_689, %add3A_690 : vector<128x512xf32>
      %get3A_692 = arith.constant 45 : index
      %get3A_693 = arith.constant 0 : index
      %get3A_694 = vector.load %arg13[%get3A_692, %get3A_693] : memref<64x1xf32, #tpu.memory_space<vmem>>, vector<1x1xf32>
      %get3A_695 = vector.extract %get3A_694[0, 0] : f32 from vector<1x1xf32>
      %mul3A_696 = arith.constant 4.000000e-01 : f32
      %mul3A_697 = arith.mulf %mul3A_696, %get3A_695 : f32
      %abs3A_698 = math.absf %add3A_691 : vector<128x512xf32>
      %mul3A_699 = vector.broadcast %mul3A_697 : f32 to vector<128x512xf32>
      %mul3A_700 = arith.mulf %mul3A_699, %abs3A_698 : vector<128x512xf32>
      %add3A_701 = arith.addf %add3A_686, %mul3A_700 : vector<128x512xf32>
      %slice3A_702 = vector.extract_strided_slice %get3A_10 {offsets = [0, 46], sizes = [128, 1], strides = [1, 1]} : vector<128x64xf32> to vector<128x1xf32>
      %slice3A_703 = vector.extract_strided_slice %get3A_13 {offsets = [46, 0], sizes = [1, 512], strides = [1, 1]} : vector<64x1024xf32> to vector<1x512xf32>
      %add3A_704 = vector.broadcast %slice3A_702 : vector<128x1xf32> to vector<128x512xf32>
      %add3A_705 = vector.broadcast %slice3A_703 : vector<1x512xf32> to vector<128x512xf32>
      %add3A_706 = arith.addf %add3A_704, %add3A_705 : vector<128x512xf32>
      %get3A_707 = arith.constant 46 : index
      %get3A_708 = arith.constant 0 : index
      %get3A_709 = vector.load %arg13[%get3A_707, %get3A_708] : memref<64x1xf32, #tpu.memory_space<vmem>>, vector<1x1xf32>
      %get3A_710 = vector.extract %get3A_709[0, 0] : f32 from vector<1x1xf32>
      %mul3A_711 = arith.constant 4.000000e-01 : f32
      %mul3A_712 = arith.mulf %mul3A_711, %get3A_710 : f32
      %abs3A_713 = math.absf %add3A_706 : vector<128x512xf32>
      %mul3A_714 = vector.broadcast %mul3A_712 : f32 to vector<128x512xf32>
      %mul3A_715 = arith.mulf %mul3A_714, %abs3A_713 : vector<128x512xf32>
      %add3A_716 = arith.addf %add3A_701, %mul3A_715 : vector<128x512xf32>
      %slice3A_717 = vector.extract_strided_slice %get3A_10 {offsets = [0, 47], sizes = [128, 1], strides = [1, 1]} : vector<128x64xf32> to vector<128x1xf32>
      %slice3A_718 = vector.extract_strided_slice %get3A_13 {offsets = [47, 0], sizes = [1, 512], strides = [1, 1]} : vector<64x1024xf32> to vector<1x512xf32>
      %add3A_719 = vector.broadcast %slice3A_717 : vector<128x1xf32> to vector<128x512xf32>
      %add3A_720 = vector.broadcast %slice3A_718 : vector<1x512xf32> to vector<128x512xf32>
      %add3A_721 = arith.addf %add3A_719, %add3A_720 : vector<128x512xf32>
      %get3A_722 = arith.constant 47 : index
      %get3A_723 = arith.constant 0 : index
      %get3A_724 = vector.load %arg13[%get3A_722, %get3A_723] : memref<64x1xf32, #tpu.memory_space<vmem>>, vector<1x1xf32>
      %get3A_725 = vector.extract %get3A_724[0, 0] : f32 from vector<1x1xf32>
      %mul3A_726 = arith.constant 4.000000e-01 : f32
      %mul3A_727 = arith.mulf %mul3A_726, %get3A_725 : f32
      %abs3A_728 = math.absf %add3A_721 : vector<128x512xf32>
      %mul3A_729 = vector.broadcast %mul3A_727 : f32 to vector<128x512xf32>
      %mul3A_730 = arith.mulf %mul3A_729, %abs3A_728 : vector<128x512xf32>
      %add3A_731 = arith.addf %add3A_716, %mul3A_730 : vector<128x512xf32>
      %slice3A_732 = vector.extract_strided_slice %get3A_10 {offsets = [0, 48], sizes = [128, 1], strides = [1, 1]} : vector<128x64xf32> to vector<128x1xf32>
      %slice3A_733 = vector.extract_strided_slice %get3A_13 {offsets = [48, 0], sizes = [1, 512], strides = [1, 1]} : vector<64x1024xf32> to vector<1x512xf32>
      %add3A_734 = vector.broadcast %slice3A_732 : vector<128x1xf32> to vector<128x512xf32>
      %add3A_735 = vector.broadcast %slice3A_733 : vector<1x512xf32> to vector<128x512xf32>
      %add3A_736 = arith.addf %add3A_734, %add3A_735 : vector<128x512xf32>
      %get3A_737 = arith.constant 48 : index
      %get3A_738 = arith.constant 0 : index
      %get3A_739 = vector.load %arg13[%get3A_737, %get3A_738] : memref<64x1xf32, #tpu.memory_space<vmem>>, vector<1x1xf32>
      %get3A_740 = vector.extract %get3A_739[0, 0] : f32 from vector<1x1xf32>
      %mul3A_741 = arith.constant 4.000000e-01 : f32
      %mul3A_742 = arith.mulf %mul3A_741, %get3A_740 : f32
      %abs3A_743 = math.absf %add3A_736 : vector<128x512xf32>
      %mul3A_744 = vector.broadcast %mul3A_742 : f32 to vector<128x512xf32>
      %mul3A_745 = arith.mulf %mul3A_744, %abs3A_743 : vector<128x512xf32>
      %add3A_746 = arith.addf %add3A_731, %mul3A_745 : vector<128x512xf32>
      %slice3A_747 = vector.extract_strided_slice %get3A_10 {offsets = [0, 49], sizes = [128, 1], strides = [1, 1]} : vector<128x64xf32> to vector<128x1xf32>
      %slice3A_748 = vector.extract_strided_slice %get3A_13 {offsets = [49, 0], sizes = [1, 512], strides = [1, 1]} : vector<64x1024xf32> to vector<1x512xf32>
      %add3A_749 = vector.broadcast %slice3A_747 : vector<128x1xf32> to vector<128x512xf32>
      %add3A_750 = vector.broadcast %slice3A_748 : vector<1x512xf32> to vector<128x512xf32>
      %add3A_751 = arith.addf %add3A_749, %add3A_750 : vector<128x512xf32>
      %get3A_752 = arith.constant 49 : index
      %get3A_753 = arith.constant 0 : index
      %get3A_754 = vector.load %arg13[%get3A_752, %get3A_753] : memref<64x1xf32, #tpu.memory_space<vmem>>, vector<1x1xf32>
      %get3A_755 = vector.extract %get3A_754[0, 0] : f32 from vector<1x1xf32>
      %mul3A_756 = arith.constant 4.000000e-01 : f32
      %mul3A_757 = arith.mulf %mul3A_756, %get3A_755 : f32
      %abs3A_758 = math.absf %add3A_751 : vector<128x512xf32>
      %mul3A_759 = vector.broadcast %mul3A_757 : f32 to vector<128x512xf32>
      %mul3A_760 = arith.mulf %mul3A_759, %abs3A_758 : vector<128x512xf32>
      %add3A_761 = arith.addf %add3A_746, %mul3A_760 : vector<128x512xf32>
      %slice3A_762 = vector.extract_strided_slice %get3A_10 {offsets = [0, 50], sizes = [128, 1], strides = [1, 1]} : vector<128x64xf32> to vector<128x1xf32>
      %slice3A_763 = vector.extract_strided_slice %get3A_13 {offsets = [50, 0], sizes = [1, 512], strides = [1, 1]} : vector<64x1024xf32> to vector<1x512xf32>
      %add3A_764 = vector.broadcast %slice3A_762 : vector<128x1xf32> to vector<128x512xf32>
      %add3A_765 = vector.broadcast %slice3A_763 : vector<1x512xf32> to vector<128x512xf32>
      %add3A_766 = arith.addf %add3A_764, %add3A_765 : vector<128x512xf32>
      %get3A_767 = arith.constant 50 : index
      %get3A_768 = arith.constant 0 : index
      %get3A_769 = vector.load %arg13[%get3A_767, %get3A_768] : memref<64x1xf32, #tpu.memory_space<vmem>>, vector<1x1xf32>
      %get3A_770 = vector.extract %get3A_769[0, 0] : f32 from vector<1x1xf32>
      %mul3A_771 = arith.constant 4.000000e-01 : f32
      %mul3A_772 = arith.mulf %mul3A_771, %get3A_770 : f32
      %abs3A_773 = math.absf %add3A_766 : vector<128x512xf32>
      %mul3A_774 = vector.broadcast %mul3A_772 : f32 to vector<128x512xf32>
      %mul3A_775 = arith.mulf %mul3A_774, %abs3A_773 : vector<128x512xf32>
      %add3A_776 = arith.addf %add3A_761, %mul3A_775 : vector<128x512xf32>
      %slice3A_777 = vector.extract_strided_slice %get3A_10 {offsets = [0, 51], sizes = [128, 1], strides = [1, 1]} : vector<128x64xf32> to vector<128x1xf32>
      %slice3A_778 = vector.extract_strided_slice %get3A_13 {offsets = [51, 0], sizes = [1, 512], strides = [1, 1]} : vector<64x1024xf32> to vector<1x512xf32>
      %add3A_779 = vector.broadcast %slice3A_777 : vector<128x1xf32> to vector<128x512xf32>
      %add3A_780 = vector.broadcast %slice3A_778 : vector<1x512xf32> to vector<128x512xf32>
      %add3A_781 = arith.addf %add3A_779, %add3A_780 : vector<128x512xf32>
      %get3A_782 = arith.constant 51 : index
      %get3A_783 = arith.constant 0 : index
      %get3A_784 = vector.load %arg13[%get3A_782, %get3A_783] : memref<64x1xf32, #tpu.memory_space<vmem>>, vector<1x1xf32>
      %get3A_785 = vector.extract %get3A_784[0, 0] : f32 from vector<1x1xf32>
      %mul3A_786 = arith.constant 4.000000e-01 : f32
      %mul3A_787 = arith.mulf %mul3A_786, %get3A_785 : f32
      %abs3A_788 = math.absf %add3A_781 : vector<128x512xf32>
      %mul3A_789 = vector.broadcast %mul3A_787 : f32 to vector<128x512xf32>
      %mul3A_790 = arith.mulf %mul3A_789, %abs3A_788 : vector<128x512xf32>
      %add3A_791 = arith.addf %add3A_776, %mul3A_790 : vector<128x512xf32>
      %slice3A_792 = vector.extract_strided_slice %get3A_10 {offsets = [0, 52], sizes = [128, 1], strides = [1, 1]} : vector<128x64xf32> to vector<128x1xf32>
      %slice3A_793 = vector.extract_strided_slice %get3A_13 {offsets = [52, 0], sizes = [1, 512], strides = [1, 1]} : vector<64x1024xf32> to vector<1x512xf32>
      %add3A_794 = vector.broadcast %slice3A_792 : vector<128x1xf32> to vector<128x512xf32>
      %add3A_795 = vector.broadcast %slice3A_793 : vector<1x512xf32> to vector<128x512xf32>
      %add3A_796 = arith.addf %add3A_794, %add3A_795 : vector<128x512xf32>
      %get3A_797 = arith.constant 52 : index
      %get3A_798 = arith.constant 0 : index
      %get3A_799 = vector.load %arg13[%get3A_797, %get3A_798] : memref<64x1xf32, #tpu.memory_space<vmem>>, vector<1x1xf32>
      %get3A_800 = vector.extract %get3A_799[0, 0] : f32 from vector<1x1xf32>
      %mul3A_801 = arith.constant 4.000000e-01 : f32
      %mul3A_802 = arith.mulf %mul3A_801, %get3A_800 : f32
      %abs3A_803 = math.absf %add3A_796 : vector<128x512xf32>
      %mul3A_804 = vector.broadcast %mul3A_802 : f32 to vector<128x512xf32>
      %mul3A_805 = arith.mulf %mul3A_804, %abs3A_803 : vector<128x512xf32>
      %add3A_806 = arith.addf %add3A_791, %mul3A_805 : vector<128x512xf32>
      %slice3A_807 = vector.extract_strided_slice %get3A_10 {offsets = [0, 53], sizes = [128, 1], strides = [1, 1]} : vector<128x64xf32> to vector<128x1xf32>
      %slice3A_808 = vector.extract_strided_slice %get3A_13 {offsets = [53, 0], sizes = [1, 512], strides = [1, 1]} : vector<64x1024xf32> to vector<1x512xf32>
      %add3A_809 = vector.broadcast %slice3A_807 : vector<128x1xf32> to vector<128x512xf32>
      %add3A_810 = vector.broadcast %slice3A_808 : vector<1x512xf32> to vector<128x512xf32>
      %add3A_811 = arith.addf %add3A_809, %add3A_810 : vector<128x512xf32>
      %get3A_812 = arith.constant 53 : index
      %get3A_813 = arith.constant 0 : index
      %get3A_814 = vector.load %arg13[%get3A_812, %get3A_813] : memref<64x1xf32, #tpu.memory_space<vmem>>, vector<1x1xf32>
      %get3A_815 = vector.extract %get3A_814[0, 0] : f32 from vector<1x1xf32>
      %mul3A_816 = arith.constant 4.000000e-01 : f32
      %mul3A_817 = arith.mulf %mul3A_816, %get3A_815 : f32
      %abs3A_818 = math.absf %add3A_811 : vector<128x512xf32>
      %mul3A_819 = vector.broadcast %mul3A_817 : f32 to vector<128x512xf32>
      %mul3A_820 = arith.mulf %mul3A_819, %abs3A_818 : vector<128x512xf32>
      %add3A_821 = arith.addf %add3A_806, %mul3A_820 : vector<128x512xf32>
      %slice3A_822 = vector.extract_strided_slice %get3A_10 {offsets = [0, 54], sizes = [128, 1], strides = [1, 1]} : vector<128x64xf32> to vector<128x1xf32>
      %slice3A_823 = vector.extract_strided_slice %get3A_13 {offsets = [54, 0], sizes = [1, 512], strides = [1, 1]} : vector<64x1024xf32> to vector<1x512xf32>
      %add3A_824 = vector.broadcast %slice3A_822 : vector<128x1xf32> to vector<128x512xf32>
      %add3A_825 = vector.broadcast %slice3A_823 : vector<1x512xf32> to vector<128x512xf32>
      %add3A_826 = arith.addf %add3A_824, %add3A_825 : vector<128x512xf32>
      %get3A_827 = arith.constant 54 : index
      %get3A_828 = arith.constant 0 : index
      %get3A_829 = vector.load %arg13[%get3A_827, %get3A_828] : memref<64x1xf32, #tpu.memory_space<vmem>>, vector<1x1xf32>
      %get3A_830 = vector.extract %get3A_829[0, 0] : f32 from vector<1x1xf32>
      %mul3A_831 = arith.constant 4.000000e-01 : f32
      %mul3A_832 = arith.mulf %mul3A_831, %get3A_830 : f32
      %abs3A_833 = math.absf %add3A_826 : vector<128x512xf32>
      %mul3A_834 = vector.broadcast %mul3A_832 : f32 to vector<128x512xf32>
      %mul3A_835 = arith.mulf %mul3A_834, %abs3A_833 : vector<128x512xf32>
      %add3A_836 = arith.addf %add3A_821, %mul3A_835 : vector<128x512xf32>
      %slice3A_837 = vector.extract_strided_slice %get3A_10 {offsets = [0, 55], sizes = [128, 1], strides = [1, 1]} : vector<128x64xf32> to vector<128x1xf32>
      %slice3A_838 = vector.extract_strided_slice %get3A_13 {offsets = [55, 0], sizes = [1, 512], strides = [1, 1]} : vector<64x1024xf32> to vector<1x512xf32>
      %add3A_839 = vector.broadcast %slice3A_837 : vector<128x1xf32> to vector<128x512xf32>
      %add3A_840 = vector.broadcast %slice3A_838 : vector<1x512xf32> to vector<128x512xf32>
      %add3A_841 = arith.addf %add3A_839, %add3A_840 : vector<128x512xf32>
      %get3A_842 = arith.constant 55 : index
      %get3A_843 = arith.constant 0 : index
      %get3A_844 = vector.load %arg13[%get3A_842, %get3A_843] : memref<64x1xf32, #tpu.memory_space<vmem>>, vector<1x1xf32>
      %get3A_845 = vector.extract %get3A_844[0, 0] : f32 from vector<1x1xf32>
      %mul3A_846 = arith.constant 4.000000e-01 : f32
      %mul3A_847 = arith.mulf %mul3A_846, %get3A_845 : f32
      %abs3A_848 = math.absf %add3A_841 : vector<128x512xf32>
      %mul3A_849 = vector.broadcast %mul3A_847 : f32 to vector<128x512xf32>
      %mul3A_850 = arith.mulf %mul3A_849, %abs3A_848 : vector<128x512xf32>
      %add3A_851 = arith.addf %add3A_836, %mul3A_850 : vector<128x512xf32>
      %slice3A_852 = vector.extract_strided_slice %get3A_10 {offsets = [0, 56], sizes = [128, 1], strides = [1, 1]} : vector<128x64xf32> to vector<128x1xf32>
      %slice3A_853 = vector.extract_strided_slice %get3A_13 {offsets = [56, 0], sizes = [1, 512], strides = [1, 1]} : vector<64x1024xf32> to vector<1x512xf32>
      %add3A_854 = vector.broadcast %slice3A_852 : vector<128x1xf32> to vector<128x512xf32>
      %add3A_855 = vector.broadcast %slice3A_853 : vector<1x512xf32> to vector<128x512xf32>
      %add3A_856 = arith.addf %add3A_854, %add3A_855 : vector<128x512xf32>
      %get3A_857 = arith.constant 56 : index
      %get3A_858 = arith.constant 0 : index
      %get3A_859 = vector.load %arg13[%get3A_857, %get3A_858] : memref<64x1xf32, #tpu.memory_space<vmem>>, vector<1x1xf32>
      %get3A_860 = vector.extract %get3A_859[0, 0] : f32 from vector<1x1xf32>
      %mul3A_861 = arith.constant 4.000000e-01 : f32
      %mul3A_862 = arith.mulf %mul3A_861, %get3A_860 : f32
      %abs3A_863 = math.absf %add3A_856 : vector<128x512xf32>
      %mul3A_864 = vector.broadcast %mul3A_862 : f32 to vector<128x512xf32>
      %mul3A_865 = arith.mulf %mul3A_864, %abs3A_863 : vector<128x512xf32>
      %add3A_866 = arith.addf %add3A_851, %mul3A_865 : vector<128x512xf32>
      %slice3A_867 = vector.extract_strided_slice %get3A_10 {offsets = [0, 57], sizes = [128, 1], strides = [1, 1]} : vector<128x64xf32> to vector<128x1xf32>
      %slice3A_868 = vector.extract_strided_slice %get3A_13 {offsets = [57, 0], sizes = [1, 512], strides = [1, 1]} : vector<64x1024xf32> to vector<1x512xf32>
      %add3A_869 = vector.broadcast %slice3A_867 : vector<128x1xf32> to vector<128x512xf32>
      %add3A_870 = vector.broadcast %slice3A_868 : vector<1x512xf32> to vector<128x512xf32>
      %add3A_871 = arith.addf %add3A_869, %add3A_870 : vector<128x512xf32>
      %get3A_872 = arith.constant 57 : index
      %get3A_873 = arith.constant 0 : index
      %get3A_874 = vector.load %arg13[%get3A_872, %get3A_873] : memref<64x1xf32, #tpu.memory_space<vmem>>, vector<1x1xf32>
      %get3A_875 = vector.extract %get3A_874[0, 0] : f32 from vector<1x1xf32>
      %mul3A_876 = arith.constant 4.000000e-01 : f32
      %mul3A_877 = arith.mulf %mul3A_876, %get3A_875 : f32
      %abs3A_878 = math.absf %add3A_871 : vector<128x512xf32>
      %mul3A_879 = vector.broadcast %mul3A_877 : f32 to vector<128x512xf32>
      %mul3A_880 = arith.mulf %mul3A_879, %abs3A_878 : vector<128x512xf32>
      %add3A_881 = arith.addf %add3A_866, %mul3A_880 : vector<128x512xf32>
      %slice3A_882 = vector.extract_strided_slice %get3A_10 {offsets = [0, 58], sizes = [128, 1], strides = [1, 1]} : vector<128x64xf32> to vector<128x1xf32>
      %slice3A_883 = vector.extract_strided_slice %get3A_13 {offsets = [58, 0], sizes = [1, 512], strides = [1, 1]} : vector<64x1024xf32> to vector<1x512xf32>
      %add3A_884 = vector.broadcast %slice3A_882 : vector<128x1xf32> to vector<128x512xf32>
      %add3A_885 = vector.broadcast %slice3A_883 : vector<1x512xf32> to vector<128x512xf32>
      %add3A_886 = arith.addf %add3A_884, %add3A_885 : vector<128x512xf32>
      %get3A_887 = arith.constant 58 : index
      %get3A_888 = arith.constant 0 : index
      %get3A_889 = vector.load %arg13[%get3A_887, %get3A_888] : memref<64x1xf32, #tpu.memory_space<vmem>>, vector<1x1xf32>
      %get3A_890 = vector.extract %get3A_889[0, 0] : f32 from vector<1x1xf32>
      %mul3A_891 = arith.constant 4.000000e-01 : f32
      %mul3A_892 = arith.mulf %mul3A_891, %get3A_890 : f32
      %abs3A_893 = math.absf %add3A_886 : vector<128x512xf32>
      %mul3A_894 = vector.broadcast %mul3A_892 : f32 to vector<128x512xf32>
      %mul3A_895 = arith.mulf %mul3A_894, %abs3A_893 : vector<128x512xf32>
      %add3A_896 = arith.addf %add3A_881, %mul3A_895 : vector<128x512xf32>
      %slice3A_897 = vector.extract_strided_slice %get3A_10 {offsets = [0, 59], sizes = [128, 1], strides = [1, 1]} : vector<128x64xf32> to vector<128x1xf32>
      %slice3A_898 = vector.extract_strided_slice %get3A_13 {offsets = [59, 0], sizes = [1, 512], strides = [1, 1]} : vector<64x1024xf32> to vector<1x512xf32>
      %add3A_899 = vector.broadcast %slice3A_897 : vector<128x1xf32> to vector<128x512xf32>
      %add3A_900 = vector.broadcast %slice3A_898 : vector<1x512xf32> to vector<128x512xf32>
      %add3A_901 = arith.addf %add3A_899, %add3A_900 : vector<128x512xf32>
      %get3A_902 = arith.constant 59 : index
      %get3A_903 = arith.constant 0 : index
      %get3A_904 = vector.load %arg13[%get3A_902, %get3A_903] : memref<64x1xf32, #tpu.memory_space<vmem>>, vector<1x1xf32>
      %get3A_905 = vector.extract %get3A_904[0, 0] : f32 from vector<1x1xf32>
      %mul3A_906 = arith.constant 4.000000e-01 : f32
      %mul3A_907 = arith.mulf %mul3A_906, %get3A_905 : f32
      %abs3A_908 = math.absf %add3A_901 : vector<128x512xf32>
      %mul3A_909 = vector.broadcast %mul3A_907 : f32 to vector<128x512xf32>
      %mul3A_910 = arith.mulf %mul3A_909, %abs3A_908 : vector<128x512xf32>
      %add3A_911 = arith.addf %add3A_896, %mul3A_910 : vector<128x512xf32>
      %slice3A_912 = vector.extract_strided_slice %get3A_10 {offsets = [0, 60], sizes = [128, 1], strides = [1, 1]} : vector<128x64xf32> to vector<128x1xf32>
      %slice3A_913 = vector.extract_strided_slice %get3A_13 {offsets = [60, 0], sizes = [1, 512], strides = [1, 1]} : vector<64x1024xf32> to vector<1x512xf32>
      %add3A_914 = vector.broadcast %slice3A_912 : vector<128x1xf32> to vector<128x512xf32>
      %add3A_915 = vector.broadcast %slice3A_913 : vector<1x512xf32> to vector<128x512xf32>
      %add3A_916 = arith.addf %add3A_914, %add3A_915 : vector<128x512xf32>
      %get3A_917 = arith.constant 60 : index
      %get3A_918 = arith.constant 0 : index
      %get3A_919 = vector.load %arg13[%get3A_917, %get3A_918] : memref<64x1xf32, #tpu.memory_space<vmem>>, vector<1x1xf32>
      %get3A_920 = vector.extract %get3A_919[0, 0] : f32 from vector<1x1xf32>
      %mul3A_921 = arith.constant 4.000000e-01 : f32
      %mul3A_922 = arith.mulf %mul3A_921, %get3A_920 : f32
      %abs3A_923 = math.absf %add3A_916 : vector<128x512xf32>
      %mul3A_924 = vector.broadcast %mul3A_922 : f32 to vector<128x512xf32>
      %mul3A_925 = arith.mulf %mul3A_924, %abs3A_923 : vector<128x512xf32>
      %add3A_926 = arith.addf %add3A_911, %mul3A_925 : vector<128x512xf32>
      %slice3A_927 = vector.extract_strided_slice %get3A_10 {offsets = [0, 61], sizes = [128, 1], strides = [1, 1]} : vector<128x64xf32> to vector<128x1xf32>
      %slice3A_928 = vector.extract_strided_slice %get3A_13 {offsets = [61, 0], sizes = [1, 512], strides = [1, 1]} : vector<64x1024xf32> to vector<1x512xf32>
      %add3A_929 = vector.broadcast %slice3A_927 : vector<128x1xf32> to vector<128x512xf32>
      %add3A_930 = vector.broadcast %slice3A_928 : vector<1x512xf32> to vector<128x512xf32>
      %add3A_931 = arith.addf %add3A_929, %add3A_930 : vector<128x512xf32>
      %get3A_932 = arith.constant 61 : index
      %get3A_933 = arith.constant 0 : index
      %get3A_934 = vector.load %arg13[%get3A_932, %get3A_933] : memref<64x1xf32, #tpu.memory_space<vmem>>, vector<1x1xf32>
      %get3A_935 = vector.extract %get3A_934[0, 0] : f32 from vector<1x1xf32>
      %mul3A_936 = arith.constant 4.000000e-01 : f32
      %mul3A_937 = arith.mulf %mul3A_936, %get3A_935 : f32
      %abs3A_938 = math.absf %add3A_931 : vector<128x512xf32>
      %mul3A_939 = vector.broadcast %mul3A_937 : f32 to vector<128x512xf32>
      %mul3A_940 = arith.mulf %mul3A_939, %abs3A_938 : vector<128x512xf32>
      %add3A_941 = arith.addf %add3A_926, %mul3A_940 : vector<128x512xf32>
      %slice3A_942 = vector.extract_strided_slice %get3A_10 {offsets = [0, 62], sizes = [128, 1], strides = [1, 1]} : vector<128x64xf32> to vector<128x1xf32>
      %slice3A_943 = vector.extract_strided_slice %get3A_13 {offsets = [62, 0], sizes = [1, 512], strides = [1, 1]} : vector<64x1024xf32> to vector<1x512xf32>
      %add3A_944 = vector.broadcast %slice3A_942 : vector<128x1xf32> to vector<128x512xf32>
      %add3A_945 = vector.broadcast %slice3A_943 : vector<1x512xf32> to vector<128x512xf32>
      %add3A_946 = arith.addf %add3A_944, %add3A_945 : vector<128x512xf32>
      %get3A_947 = arith.constant 62 : index
      %get3A_948 = arith.constant 0 : index
      %get3A_949 = vector.load %arg13[%get3A_947, %get3A_948] : memref<64x1xf32, #tpu.memory_space<vmem>>, vector<1x1xf32>
      %get3A_950 = vector.extract %get3A_949[0, 0] : f32 from vector<1x1xf32>
      %mul3A_951 = arith.constant 4.000000e-01 : f32
      %mul3A_952 = arith.mulf %mul3A_951, %get3A_950 : f32
      %abs3A_953 = math.absf %add3A_946 : vector<128x512xf32>
      %mul3A_954 = vector.broadcast %mul3A_952 : f32 to vector<128x512xf32>
      %mul3A_955 = arith.mulf %mul3A_954, %abs3A_953 : vector<128x512xf32>
      %add3A_956 = arith.addf %add3A_941, %mul3A_955 : vector<128x512xf32>
      %slice3A_957 = vector.extract_strided_slice %get3A_10 {offsets = [0, 63], sizes = [128, 1], strides = [1, 1]} : vector<128x64xf32> to vector<128x1xf32>
      %slice3A_958 = vector.extract_strided_slice %get3A_13 {offsets = [63, 0], sizes = [1, 512], strides = [1, 1]} : vector<64x1024xf32> to vector<1x512xf32>
      %add3A_959 = vector.broadcast %slice3A_957 : vector<128x1xf32> to vector<128x512xf32>
      %add3A_960 = vector.broadcast %slice3A_958 : vector<1x512xf32> to vector<128x512xf32>
      %add3A_961 = arith.addf %add3A_959, %add3A_960 : vector<128x512xf32>
      %get3A_962 = arith.constant 63 : index
      %get3A_963 = arith.constant 0 : index
      %get3A_964 = vector.load %arg13[%get3A_962, %get3A_963] : memref<64x1xf32, #tpu.memory_space<vmem>>, vector<1x1xf32>
      %get3A_965 = vector.extract %get3A_964[0, 0] : f32 from vector<1x1xf32>
      %mul3A_966 = arith.constant 4.000000e-01 : f32
      %mul3A_967 = arith.mulf %mul3A_966, %get3A_965 : f32
      %abs3A_968 = math.absf %add3A_961 : vector<128x512xf32>
      %mul3A_969 = vector.broadcast %mul3A_967 : f32 to vector<128x512xf32>
      %mul3A_970 = arith.mulf %mul3A_969, %abs3A_968 : vector<128x512xf32>
      %add3A_971 = arith.addf %add3A_956, %mul3A_970 : vector<128x512xf32>
      %broadcast_in_dim3A_972 = arith.constant 0.000000e+00 : f32
      %broadcast_in_dim3A_973 = vector.broadcast %broadcast_in_dim3A_972 : f32 to vector<128x512xf32>
      %slice3A_974 = vector.extract_strided_slice %get3A_10 {offsets = [0, 0], sizes = [128, 1], strides = [1, 1]} : vector<128x64xf32> to vector<128x1xf32>
      %slice3A_975 = vector.extract_strided_slice %get3A_13 {offsets = [0, 512], sizes = [1, 512], strides = [1, 1]} : vector<64x1024xf32> to vector<1x512xf32>
      %add3A_976 = vector.broadcast %slice3A_974 : vector<128x1xf32> to vector<128x512xf32>
      %add3A_977 = vector.broadcast %slice3A_975 : vector<1x512xf32> to vector<128x512xf32>
      %add3A_978 = arith.addf %add3A_976, %add3A_977 : vector<128x512xf32>
      %get3A_979 = arith.constant 0 : index
      %get3A_980 = arith.constant 0 : index
      %get3A_981 = vector.load %arg13[%get3A_979, %get3A_980] : memref<64x1xf32, #tpu.memory_space<vmem>>, vector<1x1xf32>
      %get3A_982 = vector.extract %get3A_981[0, 0] : f32 from vector<1x1xf32>
      %mul3A_983 = arith.constant 4.000000e-01 : f32
      %mul3A_984 = arith.mulf %mul3A_983, %get3A_982 : f32
      %abs3A_985 = math.absf %add3A_978 : vector<128x512xf32>
      %mul3A_986 = vector.broadcast %mul3A_984 : f32 to vector<128x512xf32>
      %mul3A_987 = arith.mulf %mul3A_986, %abs3A_985 : vector<128x512xf32>
      %add3A_988 = arith.addf %broadcast_in_dim3A_973, %mul3A_987 : vector<128x512xf32>
      %slice3A_989 = vector.extract_strided_slice %get3A_10 {offsets = [0, 1], sizes = [128, 1], strides = [1, 1]} : vector<128x64xf32> to vector<128x1xf32>
      %slice3A_990 = vector.extract_strided_slice %get3A_13 {offsets = [1, 512], sizes = [1, 512], strides = [1, 1]} : vector<64x1024xf32> to vector<1x512xf32>
      %add3A_991 = vector.broadcast %slice3A_989 : vector<128x1xf32> to vector<128x512xf32>
      %add3A_992 = vector.broadcast %slice3A_990 : vector<1x512xf32> to vector<128x512xf32>
      %add3A_993 = arith.addf %add3A_991, %add3A_992 : vector<128x512xf32>
      %get3A_994 = arith.constant 1 : index
      %get3A_995 = arith.constant 0 : index
      %get3A_996 = vector.load %arg13[%get3A_994, %get3A_995] : memref<64x1xf32, #tpu.memory_space<vmem>>, vector<1x1xf32>
      %get3A_997 = vector.extract %get3A_996[0, 0] : f32 from vector<1x1xf32>
      %mul3A_998 = arith.constant 4.000000e-01 : f32
      %mul3A_999 = arith.mulf %mul3A_998, %get3A_997 : f32
      %abs3A_1000 = math.absf %add3A_993 : vector<128x512xf32>
      %mul3A_1001 = vector.broadcast %mul3A_999 : f32 to vector<128x512xf32>
      %mul3A_1002 = arith.mulf %mul3A_1001, %abs3A_1000 : vector<128x512xf32>
      %add3A_1003 = arith.addf %add3A_988, %mul3A_1002 : vector<128x512xf32>
      %slice3A_1004 = vector.extract_strided_slice %get3A_10 {offsets = [0, 2], sizes = [128, 1], strides = [1, 1]} : vector<128x64xf32> to vector<128x1xf32>
      %slice3A_1005 = vector.extract_strided_slice %get3A_13 {offsets = [2, 512], sizes = [1, 512], strides = [1, 1]} : vector<64x1024xf32> to vector<1x512xf32>
      %add3A_1006 = vector.broadcast %slice3A_1004 : vector<128x1xf32> to vector<128x512xf32>
      %add3A_1007 = vector.broadcast %slice3A_1005 : vector<1x512xf32> to vector<128x512xf32>
      %add3A_1008 = arith.addf %add3A_1006, %add3A_1007 : vector<128x512xf32>
      %get3A_1009 = arith.constant 2 : index
      %get3A_1010 = arith.constant 0 : index
      %get3A_1011 = vector.load %arg13[%get3A_1009, %get3A_1010] : memref<64x1xf32, #tpu.memory_space<vmem>>, vector<1x1xf32>
      %get3A_1012 = vector.extract %get3A_1011[0, 0] : f32 from vector<1x1xf32>
      %mul3A_1013 = arith.constant 4.000000e-01 : f32
      %mul3A_1014 = arith.mulf %mul3A_1013, %get3A_1012 : f32
      %abs3A_1015 = math.absf %add3A_1008 : vector<128x512xf32>
      %mul3A_1016 = vector.broadcast %mul3A_1014 : f32 to vector<128x512xf32>
      %mul3A_1017 = arith.mulf %mul3A_1016, %abs3A_1015 : vector<128x512xf32>
      %add3A_1018 = arith.addf %add3A_1003, %mul3A_1017 : vector<128x512xf32>
      %slice3A_1019 = vector.extract_strided_slice %get3A_10 {offsets = [0, 3], sizes = [128, 1], strides = [1, 1]} : vector<128x64xf32> to vector<128x1xf32>
      %slice3A_1020 = vector.extract_strided_slice %get3A_13 {offsets = [3, 512], sizes = [1, 512], strides = [1, 1]} : vector<64x1024xf32> to vector<1x512xf32>
      %add3A_1021 = vector.broadcast %slice3A_1019 : vector<128x1xf32> to vector<128x512xf32>
      %add3A_1022 = vector.broadcast %slice3A_1020 : vector<1x512xf32> to vector<128x512xf32>
      %add3A_1023 = arith.addf %add3A_1021, %add3A_1022 : vector<128x512xf32>
      %get3A_1024 = arith.constant 3 : index
      %get3A_1025 = arith.constant 0 : index
      %get3A_1026 = vector.load %arg13[%get3A_1024, %get3A_1025] : memref<64x1xf32, #tpu.memory_space<vmem>>, vector<1x1xf32>
      %get3A_1027 = vector.extract %get3A_1026[0, 0] : f32 from vector<1x1xf32>
      %mul3A_1028 = arith.constant 4.000000e-01 : f32
      %mul3A_1029 = arith.mulf %mul3A_1028, %get3A_1027 : f32
      %abs3A_1030 = math.absf %add3A_1023 : vector<128x512xf32>
      %mul3A_1031 = vector.broadcast %mul3A_1029 : f32 to vector<128x512xf32>
      %mul3A_1032 = arith.mulf %mul3A_1031, %abs3A_1030 : vector<128x512xf32>
      %add3A_1033 = arith.addf %add3A_1018, %mul3A_1032 : vector<128x512xf32>
      %slice3A_1034 = vector.extract_strided_slice %get3A_10 {offsets = [0, 4], sizes = [128, 1], strides = [1, 1]} : vector<128x64xf32> to vector<128x1xf32>
      %slice3A_1035 = vector.extract_strided_slice %get3A_13 {offsets = [4, 512], sizes = [1, 512], strides = [1, 1]} : vector<64x1024xf32> to vector<1x512xf32>
      %add3A_1036 = vector.broadcast %slice3A_1034 : vector<128x1xf32> to vector<128x512xf32>
      %add3A_1037 = vector.broadcast %slice3A_1035 : vector<1x512xf32> to vector<128x512xf32>
      %add3A_1038 = arith.addf %add3A_1036, %add3A_1037 : vector<128x512xf32>
      %get3A_1039 = arith.constant 4 : index
      %get3A_1040 = arith.constant 0 : index
      %get3A_1041 = vector.load %arg13[%get3A_1039, %get3A_1040] : memref<64x1xf32, #tpu.memory_space<vmem>>, vector<1x1xf32>
      %get3A_1042 = vector.extract %get3A_1041[0, 0] : f32 from vector<1x1xf32>
      %mul3A_1043 = arith.constant 4.000000e-01 : f32
      %mul3A_1044 = arith.mulf %mul3A_1043, %get3A_1042 : f32
      %abs3A_1045 = math.absf %add3A_1038 : vector<128x512xf32>
      %mul3A_1046 = vector.broadcast %mul3A_1044 : f32 to vector<128x512xf32>
      %mul3A_1047 = arith.mulf %mul3A_1046, %abs3A_1045 : vector<128x512xf32>
      %add3A_1048 = arith.addf %add3A_1033, %mul3A_1047 : vector<128x512xf32>
      %slice3A_1049 = vector.extract_strided_slice %get3A_10 {offsets = [0, 5], sizes = [128, 1], strides = [1, 1]} : vector<128x64xf32> to vector<128x1xf32>
      %slice3A_1050 = vector.extract_strided_slice %get3A_13 {offsets = [5, 512], sizes = [1, 512], strides = [1, 1]} : vector<64x1024xf32> to vector<1x512xf32>
      %add3A_1051 = vector.broadcast %slice3A_1049 : vector<128x1xf32> to vector<128x512xf32>
      %add3A_1052 = vector.broadcast %slice3A_1050 : vector<1x512xf32> to vector<128x512xf32>
      %add3A_1053 = arith.addf %add3A_1051, %add3A_1052 : vector<128x512xf32>
      %get3A_1054 = arith.constant 5 : index
      %get3A_1055 = arith.constant 0 : index
      %get3A_1056 = vector.load %arg13[%get3A_1054, %get3A_1055] : memref<64x1xf32, #tpu.memory_space<vmem>>, vector<1x1xf32>
      %get3A_1057 = vector.extract %get3A_1056[0, 0] : f32 from vector<1x1xf32>
      %mul3A_1058 = arith.constant 4.000000e-01 : f32
      %mul3A_1059 = arith.mulf %mul3A_1058, %get3A_1057 : f32
      %abs3A_1060 = math.absf %add3A_1053 : vector<128x512xf32>
      %mul3A_1061 = vector.broadcast %mul3A_1059 : f32 to vector<128x512xf32>
      %mul3A_1062 = arith.mulf %mul3A_1061, %abs3A_1060 : vector<128x512xf32>
      %add3A_1063 = arith.addf %add3A_1048, %mul3A_1062 : vector<128x512xf32>
      %slice3A_1064 = vector.extract_strided_slice %get3A_10 {offsets = [0, 6], sizes = [128, 1], strides = [1, 1]} : vector<128x64xf32> to vector<128x1xf32>
      %slice3A_1065 = vector.extract_strided_slice %get3A_13 {offsets = [6, 512], sizes = [1, 512], strides = [1, 1]} : vector<64x1024xf32> to vector<1x512xf32>
      %add3A_1066 = vector.broadcast %slice3A_1064 : vector<128x1xf32> to vector<128x512xf32>
      %add3A_1067 = vector.broadcast %slice3A_1065 : vector<1x512xf32> to vector<128x512xf32>
      %add3A_1068 = arith.addf %add3A_1066, %add3A_1067 : vector<128x512xf32>
      %get3A_1069 = arith.constant 6 : index
      %get3A_1070 = arith.constant 0 : index
      %get3A_1071 = vector.load %arg13[%get3A_1069, %get3A_1070] : memref<64x1xf32, #tpu.memory_space<vmem>>, vector<1x1xf32>
      %get3A_1072 = vector.extract %get3A_1071[0, 0] : f32 from vector<1x1xf32>
      %mul3A_1073 = arith.constant 4.000000e-01 : f32
      %mul3A_1074 = arith.mulf %mul3A_1073, %get3A_1072 : f32
      %abs3A_1075 = math.absf %add3A_1068 : vector<128x512xf32>
      %mul3A_1076 = vector.broadcast %mul3A_1074 : f32 to vector<128x512xf32>
      %mul3A_1077 = arith.mulf %mul3A_1076, %abs3A_1075 : vector<128x512xf32>
      %add3A_1078 = arith.addf %add3A_1063, %mul3A_1077 : vector<128x512xf32>
      %slice3A_1079 = vector.extract_strided_slice %get3A_10 {offsets = [0, 7], sizes = [128, 1], strides = [1, 1]} : vector<128x64xf32> to vector<128x1xf32>
      %slice3A_1080 = vector.extract_strided_slice %get3A_13 {offsets = [7, 512], sizes = [1, 512], strides = [1, 1]} : vector<64x1024xf32> to vector<1x512xf32>
      %add3A_1081 = vector.broadcast %slice3A_1079 : vector<128x1xf32> to vector<128x512xf32>
      %add3A_1082 = vector.broadcast %slice3A_1080 : vector<1x512xf32> to vector<128x512xf32>
      %add3A_1083 = arith.addf %add3A_1081, %add3A_1082 : vector<128x512xf32>
      %get3A_1084 = arith.constant 7 : index
      %get3A_1085 = arith.constant 0 : index
      %get3A_1086 = vector.load %arg13[%get3A_1084, %get3A_1085] : memref<64x1xf32, #tpu.memory_space<vmem>>, vector<1x1xf32>
      %get3A_1087 = vector.extract %get3A_1086[0, 0] : f32 from vector<1x1xf32>
      %mul3A_1088 = arith.constant 4.000000e-01 : f32
      %mul3A_1089 = arith.mulf %mul3A_1088, %get3A_1087 : f32
      %abs3A_1090 = math.absf %add3A_1083 : vector<128x512xf32>
      %mul3A_1091 = vector.broadcast %mul3A_1089 : f32 to vector<128x512xf32>
      %mul3A_1092 = arith.mulf %mul3A_1091, %abs3A_1090 : vector<128x512xf32>
      %add3A_1093 = arith.addf %add3A_1078, %mul3A_1092 : vector<128x512xf32>
      %slice3A_1094 = vector.extract_strided_slice %get3A_10 {offsets = [0, 8], sizes = [128, 1], strides = [1, 1]} : vector<128x64xf32> to vector<128x1xf32>
      %slice3A_1095 = vector.extract_strided_slice %get3A_13 {offsets = [8, 512], sizes = [1, 512], strides = [1, 1]} : vector<64x1024xf32> to vector<1x512xf32>
      %add3A_1096 = vector.broadcast %slice3A_1094 : vector<128x1xf32> to vector<128x512xf32>
      %add3A_1097 = vector.broadcast %slice3A_1095 : vector<1x512xf32> to vector<128x512xf32>
      %add3A_1098 = arith.addf %add3A_1096, %add3A_1097 : vector<128x512xf32>
      %get3A_1099 = arith.constant 8 : index
      %get3A_1100 = arith.constant 0 : index
      %get3A_1101 = vector.load %arg13[%get3A_1099, %get3A_1100] : memref<64x1xf32, #tpu.memory_space<vmem>>, vector<1x1xf32>
      %get3A_1102 = vector.extract %get3A_1101[0, 0] : f32 from vector<1x1xf32>
      %mul3A_1103 = arith.constant 4.000000e-01 : f32
      %mul3A_1104 = arith.mulf %mul3A_1103, %get3A_1102 : f32
      %abs3A_1105 = math.absf %add3A_1098 : vector<128x512xf32>
      %mul3A_1106 = vector.broadcast %mul3A_1104 : f32 to vector<128x512xf32>
      %mul3A_1107 = arith.mulf %mul3A_1106, %abs3A_1105 : vector<128x512xf32>
      %add3A_1108 = arith.addf %add3A_1093, %mul3A_1107 : vector<128x512xf32>
      %slice3A_1109 = vector.extract_strided_slice %get3A_10 {offsets = [0, 9], sizes = [128, 1], strides = [1, 1]} : vector<128x64xf32> to vector<128x1xf32>
      %slice3A_1110 = vector.extract_strided_slice %get3A_13 {offsets = [9, 512], sizes = [1, 512], strides = [1, 1]} : vector<64x1024xf32> to vector<1x512xf32>
      %add3A_1111 = vector.broadcast %slice3A_1109 : vector<128x1xf32> to vector<128x512xf32>
      %add3A_1112 = vector.broadcast %slice3A_1110 : vector<1x512xf32> to vector<128x512xf32>
      %add3A_1113 = arith.addf %add3A_1111, %add3A_1112 : vector<128x512xf32>
      %get3A_1114 = arith.constant 9 : index
      %get3A_1115 = arith.constant 0 : index
      %get3A_1116 = vector.load %arg13[%get3A_1114, %get3A_1115] : memref<64x1xf32, #tpu.memory_space<vmem>>, vector<1x1xf32>
      %get3A_1117 = vector.extract %get3A_1116[0, 0] : f32 from vector<1x1xf32>
      %mul3A_1118 = arith.constant 4.000000e-01 : f32
      %mul3A_1119 = arith.mulf %mul3A_1118, %get3A_1117 : f32
      %abs3A_1120 = math.absf %add3A_1113 : vector<128x512xf32>
      %mul3A_1121 = vector.broadcast %mul3A_1119 : f32 to vector<128x512xf32>
      %mul3A_1122 = arith.mulf %mul3A_1121, %abs3A_1120 : vector<128x512xf32>
      %add3A_1123 = arith.addf %add3A_1108, %mul3A_1122 : vector<128x512xf32>
      %slice3A_1124 = vector.extract_strided_slice %get3A_10 {offsets = [0, 10], sizes = [128, 1], strides = [1, 1]} : vector<128x64xf32> to vector<128x1xf32>
      %slice3A_1125 = vector.extract_strided_slice %get3A_13 {offsets = [10, 512], sizes = [1, 512], strides = [1, 1]} : vector<64x1024xf32> to vector<1x512xf32>
      %add3A_1126 = vector.broadcast %slice3A_1124 : vector<128x1xf32> to vector<128x512xf32>
      %add3A_1127 = vector.broadcast %slice3A_1125 : vector<1x512xf32> to vector<128x512xf32>
      %add3A_1128 = arith.addf %add3A_1126, %add3A_1127 : vector<128x512xf32>
      %get3A_1129 = arith.constant 10 : index
      %get3A_1130 = arith.constant 0 : index
      %get3A_1131 = vector.load %arg13[%get3A_1129, %get3A_1130] : memref<64x1xf32, #tpu.memory_space<vmem>>, vector<1x1xf32>
      %get3A_1132 = vector.extract %get3A_1131[0, 0] : f32 from vector<1x1xf32>
      %mul3A_1133 = arith.constant 4.000000e-01 : f32
      %mul3A_1134 = arith.mulf %mul3A_1133, %get3A_1132 : f32
      %abs3A_1135 = math.absf %add3A_1128 : vector<128x512xf32>
      %mul3A_1136 = vector.broadcast %mul3A_1134 : f32 to vector<128x512xf32>
      %mul3A_1137 = arith.mulf %mul3A_1136, %abs3A_1135 : vector<128x512xf32>
      %add3A_1138 = arith.addf %add3A_1123, %mul3A_1137 : vector<128x512xf32>
      %slice3A_1139 = vector.extract_strided_slice %get3A_10 {offsets = [0, 11], sizes = [128, 1], strides = [1, 1]} : vector<128x64xf32> to vector<128x1xf32>
      %slice3A_1140 = vector.extract_strided_slice %get3A_13 {offsets = [11, 512], sizes = [1, 512], strides = [1, 1]} : vector<64x1024xf32> to vector<1x512xf32>
      %add3A_1141 = vector.broadcast %slice3A_1139 : vector<128x1xf32> to vector<128x512xf32>
      %add3A_1142 = vector.broadcast %slice3A_1140 : vector<1x512xf32> to vector<128x512xf32>
      %add3A_1143 = arith.addf %add3A_1141, %add3A_1142 : vector<128x512xf32>
      %get3A_1144 = arith.constant 11 : index
      %get3A_1145 = arith.constant 0 : index
      %get3A_1146 = vector.load %arg13[%get3A_1144, %get3A_1145] : memref<64x1xf32, #tpu.memory_space<vmem>>, vector<1x1xf32>
      %get3A_1147 = vector.extract %get3A_1146[0, 0] : f32 from vector<1x1xf32>
      %mul3A_1148 = arith.constant 4.000000e-01 : f32
      %mul3A_1149 = arith.mulf %mul3A_1148, %get3A_1147 : f32
      %abs3A_1150 = math.absf %add3A_1143 : vector<128x512xf32>
      %mul3A_1151 = vector.broadcast %mul3A_1149 : f32 to vector<128x512xf32>
      %mul3A_1152 = arith.mulf %mul3A_1151, %abs3A_1150 : vector<128x512xf32>
      %add3A_1153 = arith.addf %add3A_1138, %mul3A_1152 : vector<128x512xf32>
      %slice3A_1154 = vector.extract_strided_slice %get3A_10 {offsets = [0, 12], sizes = [128, 1], strides = [1, 1]} : vector<128x64xf32> to vector<128x1xf32>
      %slice3A_1155 = vector.extract_strided_slice %get3A_13 {offsets = [12, 512], sizes = [1, 512], strides = [1, 1]} : vector<64x1024xf32> to vector<1x512xf32>
      %add3A_1156 = vector.broadcast %slice3A_1154 : vector<128x1xf32> to vector<128x512xf32>
      %add3A_1157 = vector.broadcast %slice3A_1155 : vector<1x512xf32> to vector<128x512xf32>
      %add3A_1158 = arith.addf %add3A_1156, %add3A_1157 : vector<128x512xf32>
      %get3A_1159 = arith.constant 12 : index
      %get3A_1160 = arith.constant 0 : index
      %get3A_1161 = vector.load %arg13[%get3A_1159, %get3A_1160] : memref<64x1xf32, #tpu.memory_space<vmem>>, vector<1x1xf32>
      %get3A_1162 = vector.extract %get3A_1161[0, 0] : f32 from vector<1x1xf32>
      %mul3A_1163 = arith.constant 4.000000e-01 : f32
      %mul3A_1164 = arith.mulf %mul3A_1163, %get3A_1162 : f32
      %abs3A_1165 = math.absf %add3A_1158 : vector<128x512xf32>
      %mul3A_1166 = vector.broadcast %mul3A_1164 : f32 to vector<128x512xf32>
      %mul3A_1167 = arith.mulf %mul3A_1166, %abs3A_1165 : vector<128x512xf32>
      %add3A_1168 = arith.addf %add3A_1153, %mul3A_1167 : vector<128x512xf32>
      %slice3A_1169 = vector.extract_strided_slice %get3A_10 {offsets = [0, 13], sizes = [128, 1], strides = [1, 1]} : vector<128x64xf32> to vector<128x1xf32>
      %slice3A_1170 = vector.extract_strided_slice %get3A_13 {offsets = [13, 512], sizes = [1, 512], strides = [1, 1]} : vector<64x1024xf32> to vector<1x512xf32>
      %add3A_1171 = vector.broadcast %slice3A_1169 : vector<128x1xf32> to vector<128x512xf32>
      %add3A_1172 = vector.broadcast %slice3A_1170 : vector<1x512xf32> to vector<128x512xf32>
      %add3A_1173 = arith.addf %add3A_1171, %add3A_1172 : vector<128x512xf32>
      %get3A_1174 = arith.constant 13 : index
      %get3A_1175 = arith.constant 0 : index
      %get3A_1176 = vector.load %arg13[%get3A_1174, %get3A_1175] : memref<64x1xf32, #tpu.memory_space<vmem>>, vector<1x1xf32>
      %get3A_1177 = vector.extract %get3A_1176[0, 0] : f32 from vector<1x1xf32>
      %mul3A_1178 = arith.constant 4.000000e-01 : f32
      %mul3A_1179 = arith.mulf %mul3A_1178, %get3A_1177 : f32
      %abs3A_1180 = math.absf %add3A_1173 : vector<128x512xf32>
      %mul3A_1181 = vector.broadcast %mul3A_1179 : f32 to vector<128x512xf32>
      %mul3A_1182 = arith.mulf %mul3A_1181, %abs3A_1180 : vector<128x512xf32>
      %add3A_1183 = arith.addf %add3A_1168, %mul3A_1182 : vector<128x512xf32>
      %slice3A_1184 = vector.extract_strided_slice %get3A_10 {offsets = [0, 14], sizes = [128, 1], strides = [1, 1]} : vector<128x64xf32> to vector<128x1xf32>
      %slice3A_1185 = vector.extract_strided_slice %get3A_13 {offsets = [14, 512], sizes = [1, 512], strides = [1, 1]} : vector<64x1024xf32> to vector<1x512xf32>
      %add3A_1186 = vector.broadcast %slice3A_1184 : vector<128x1xf32> to vector<128x512xf32>
      %add3A_1187 = vector.broadcast %slice3A_1185 : vector<1x512xf32> to vector<128x512xf32>
      %add3A_1188 = arith.addf %add3A_1186, %add3A_1187 : vector<128x512xf32>
      %get3A_1189 = arith.constant 14 : index
      %get3A_1190 = arith.constant 0 : index
      %get3A_1191 = vector.load %arg13[%get3A_1189, %get3A_1190] : memref<64x1xf32, #tpu.memory_space<vmem>>, vector<1x1xf32>
      %get3A_1192 = vector.extract %get3A_1191[0, 0] : f32 from vector<1x1xf32>
      %mul3A_1193 = arith.constant 4.000000e-01 : f32
      %mul3A_1194 = arith.mulf %mul3A_1193, %get3A_1192 : f32
      %abs3A_1195 = math.absf %add3A_1188 : vector<128x512xf32>
      %mul3A_1196 = vector.broadcast %mul3A_1194 : f32 to vector<128x512xf32>
      %mul3A_1197 = arith.mulf %mul3A_1196, %abs3A_1195 : vector<128x512xf32>
      %add3A_1198 = arith.addf %add3A_1183, %mul3A_1197 : vector<128x512xf32>
      %slice3A_1199 = vector.extract_strided_slice %get3A_10 {offsets = [0, 15], sizes = [128, 1], strides = [1, 1]} : vector<128x64xf32> to vector<128x1xf32>
      %slice3A_1200 = vector.extract_strided_slice %get3A_13 {offsets = [15, 512], sizes = [1, 512], strides = [1, 1]} : vector<64x1024xf32> to vector<1x512xf32>
      %add3A_1201 = vector.broadcast %slice3A_1199 : vector<128x1xf32> to vector<128x512xf32>
      %add3A_1202 = vector.broadcast %slice3A_1200 : vector<1x512xf32> to vector<128x512xf32>
      %add3A_1203 = arith.addf %add3A_1201, %add3A_1202 : vector<128x512xf32>
      %get3A_1204 = arith.constant 15 : index
      %get3A_1205 = arith.constant 0 : index
      %get3A_1206 = vector.load %arg13[%get3A_1204, %get3A_1205] : memref<64x1xf32, #tpu.memory_space<vmem>>, vector<1x1xf32>
      %get3A_1207 = vector.extract %get3A_1206[0, 0] : f32 from vector<1x1xf32>
      %mul3A_1208 = arith.constant 4.000000e-01 : f32
      %mul3A_1209 = arith.mulf %mul3A_1208, %get3A_1207 : f32
      %abs3A_1210 = math.absf %add3A_1203 : vector<128x512xf32>
      %mul3A_1211 = vector.broadcast %mul3A_1209 : f32 to vector<128x512xf32>
      %mul3A_1212 = arith.mulf %mul3A_1211, %abs3A_1210 : vector<128x512xf32>
      %add3A_1213 = arith.addf %add3A_1198, %mul3A_1212 : vector<128x512xf32>
      %slice3A_1214 = vector.extract_strided_slice %get3A_10 {offsets = [0, 16], sizes = [128, 1], strides = [1, 1]} : vector<128x64xf32> to vector<128x1xf32>
      %slice3A_1215 = vector.extract_strided_slice %get3A_13 {offsets = [16, 512], sizes = [1, 512], strides = [1, 1]} : vector<64x1024xf32> to vector<1x512xf32>
      %add3A_1216 = vector.broadcast %slice3A_1214 : vector<128x1xf32> to vector<128x512xf32>
      %add3A_1217 = vector.broadcast %slice3A_1215 : vector<1x512xf32> to vector<128x512xf32>
      %add3A_1218 = arith.addf %add3A_1216, %add3A_1217 : vector<128x512xf32>
      %get3A_1219 = arith.constant 16 : index
      %get3A_1220 = arith.constant 0 : index
      %get3A_1221 = vector.load %arg13[%get3A_1219, %get3A_1220] : memref<64x1xf32, #tpu.memory_space<vmem>>, vector<1x1xf32>
      %get3A_1222 = vector.extract %get3A_1221[0, 0] : f32 from vector<1x1xf32>
      %mul3A_1223 = arith.constant 4.000000e-01 : f32
      %mul3A_1224 = arith.mulf %mul3A_1223, %get3A_1222 : f32
      %abs3A_1225 = math.absf %add3A_1218 : vector<128x512xf32>
      %mul3A_1226 = vector.broadcast %mul3A_1224 : f32 to vector<128x512xf32>
      %mul3A_1227 = arith.mulf %mul3A_1226, %abs3A_1225 : vector<128x512xf32>
      %add3A_1228 = arith.addf %add3A_1213, %mul3A_1227 : vector<128x512xf32>
      %slice3A_1229 = vector.extract_strided_slice %get3A_10 {offsets = [0, 17], sizes = [128, 1], strides = [1, 1]} : vector<128x64xf32> to vector<128x1xf32>
      %slice3A_1230 = vector.extract_strided_slice %get3A_13 {offsets = [17, 512], sizes = [1, 512], strides = [1, 1]} : vector<64x1024xf32> to vector<1x512xf32>
      %add3A_1231 = vector.broadcast %slice3A_1229 : vector<128x1xf32> to vector<128x512xf32>
      %add3A_1232 = vector.broadcast %slice3A_1230 : vector<1x512xf32> to vector<128x512xf32>
      %add3A_1233 = arith.addf %add3A_1231, %add3A_1232 : vector<128x512xf32>
      %get3A_1234 = arith.constant 17 : index
      %get3A_1235 = arith.constant 0 : index
      %get3A_1236 = vector.load %arg13[%get3A_1234, %get3A_1235] : memref<64x1xf32, #tpu.memory_space<vmem>>, vector<1x1xf32>
      %get3A_1237 = vector.extract %get3A_1236[0, 0] : f32 from vector<1x1xf32>
      %mul3A_1238 = arith.constant 4.000000e-01 : f32
      %mul3A_1239 = arith.mulf %mul3A_1238, %get3A_1237 : f32
      %abs3A_1240 = math.absf %add3A_1233 : vector<128x512xf32>
      %mul3A_1241 = vector.broadcast %mul3A_1239 : f32 to vector<128x512xf32>
      %mul3A_1242 = arith.mulf %mul3A_1241, %abs3A_1240 : vector<128x512xf32>
      %add3A_1243 = arith.addf %add3A_1228, %mul3A_1242 : vector<128x512xf32>
      %slice3A_1244 = vector.extract_strided_slice %get3A_10 {offsets = [0, 18], sizes = [128, 1], strides = [1, 1]} : vector<128x64xf32> to vector<128x1xf32>
      %slice3A_1245 = vector.extract_strided_slice %get3A_13 {offsets = [18, 512], sizes = [1, 512], strides = [1, 1]} : vector<64x1024xf32> to vector<1x512xf32>
      %add3A_1246 = vector.broadcast %slice3A_1244 : vector<128x1xf32> to vector<128x512xf32>
      %add3A_1247 = vector.broadcast %slice3A_1245 : vector<1x512xf32> to vector<128x512xf32>
      %add3A_1248 = arith.addf %add3A_1246, %add3A_1247 : vector<128x512xf32>
      %get3A_1249 = arith.constant 18 : index
      %get3A_1250 = arith.constant 0 : index
      %get3A_1251 = vector.load %arg13[%get3A_1249, %get3A_1250] : memref<64x1xf32, #tpu.memory_space<vmem>>, vector<1x1xf32>
      %get3A_1252 = vector.extract %get3A_1251[0, 0] : f32 from vector<1x1xf32>
      %mul3A_1253 = arith.constant 4.000000e-01 : f32
      %mul3A_1254 = arith.mulf %mul3A_1253, %get3A_1252 : f32
      %abs3A_1255 = math.absf %add3A_1248 : vector<128x512xf32>
      %mul3A_1256 = vector.broadcast %mul3A_1254 : f32 to vector<128x512xf32>
      %mul3A_1257 = arith.mulf %mul3A_1256, %abs3A_1255 : vector<128x512xf32>
      %add3A_1258 = arith.addf %add3A_1243, %mul3A_1257 : vector<128x512xf32>
      %slice3A_1259 = vector.extract_strided_slice %get3A_10 {offsets = [0, 19], sizes = [128, 1], strides = [1, 1]} : vector<128x64xf32> to vector<128x1xf32>
      %slice3A_1260 = vector.extract_strided_slice %get3A_13 {offsets = [19, 512], sizes = [1, 512], strides = [1, 1]} : vector<64x1024xf32> to vector<1x512xf32>
      %add3A_1261 = vector.broadcast %slice3A_1259 : vector<128x1xf32> to vector<128x512xf32>
      %add3A_1262 = vector.broadcast %slice3A_1260 : vector<1x512xf32> to vector<128x512xf32>
      %add3A_1263 = arith.addf %add3A_1261, %add3A_1262 : vector<128x512xf32>
      %get3A_1264 = arith.constant 19 : index
      %get3A_1265 = arith.constant 0 : index
      %get3A_1266 = vector.load %arg13[%get3A_1264, %get3A_1265] : memref<64x1xf32, #tpu.memory_space<vmem>>, vector<1x1xf32>
      %get3A_1267 = vector.extract %get3A_1266[0, 0] : f32 from vector<1x1xf32>
      %mul3A_1268 = arith.constant 4.000000e-01 : f32
      %mul3A_1269 = arith.mulf %mul3A_1268, %get3A_1267 : f32
      %abs3A_1270 = math.absf %add3A_1263 : vector<128x512xf32>
      %mul3A_1271 = vector.broadcast %mul3A_1269 : f32 to vector<128x512xf32>
      %mul3A_1272 = arith.mulf %mul3A_1271, %abs3A_1270 : vector<128x512xf32>
      %add3A_1273 = arith.addf %add3A_1258, %mul3A_1272 : vector<128x512xf32>
      %slice3A_1274 = vector.extract_strided_slice %get3A_10 {offsets = [0, 20], sizes = [128, 1], strides = [1, 1]} : vector<128x64xf32> to vector<128x1xf32>
      %slice3A_1275 = vector.extract_strided_slice %get3A_13 {offsets = [20, 512], sizes = [1, 512], strides = [1, 1]} : vector<64x1024xf32> to vector<1x512xf32>
      %add3A_1276 = vector.broadcast %slice3A_1274 : vector<128x1xf32> to vector<128x512xf32>
      %add3A_1277 = vector.broadcast %slice3A_1275 : vector<1x512xf32> to vector<128x512xf32>
      %add3A_1278 = arith.addf %add3A_1276, %add3A_1277 : vector<128x512xf32>
      %get3A_1279 = arith.constant 20 : index
      %get3A_1280 = arith.constant 0 : index
      %get3A_1281 = vector.load %arg13[%get3A_1279, %get3A_1280] : memref<64x1xf32, #tpu.memory_space<vmem>>, vector<1x1xf32>
      %get3A_1282 = vector.extract %get3A_1281[0, 0] : f32 from vector<1x1xf32>
      %mul3A_1283 = arith.constant 4.000000e-01 : f32
      %mul3A_1284 = arith.mulf %mul3A_1283, %get3A_1282 : f32
      %abs3A_1285 = math.absf %add3A_1278 : vector<128x512xf32>
      %mul3A_1286 = vector.broadcast %mul3A_1284 : f32 to vector<128x512xf32>
      %mul3A_1287 = arith.mulf %mul3A_1286, %abs3A_1285 : vector<128x512xf32>
      %add3A_1288 = arith.addf %add3A_1273, %mul3A_1287 : vector<128x512xf32>
      %slice3A_1289 = vector.extract_strided_slice %get3A_10 {offsets = [0, 21], sizes = [128, 1], strides = [1, 1]} : vector<128x64xf32> to vector<128x1xf32>
      %slice3A_1290 = vector.extract_strided_slice %get3A_13 {offsets = [21, 512], sizes = [1, 512], strides = [1, 1]} : vector<64x1024xf32> to vector<1x512xf32>
      %add3A_1291 = vector.broadcast %slice3A_1289 : vector<128x1xf32> to vector<128x512xf32>
      %add3A_1292 = vector.broadcast %slice3A_1290 : vector<1x512xf32> to vector<128x512xf32>
      %add3A_1293 = arith.addf %add3A_1291, %add3A_1292 : vector<128x512xf32>
      %get3A_1294 = arith.constant 21 : index
      %get3A_1295 = arith.constant 0 : index
      %get3A_1296 = vector.load %arg13[%get3A_1294, %get3A_1295] : memref<64x1xf32, #tpu.memory_space<vmem>>, vector<1x1xf32>
      %get3A_1297 = vector.extract %get3A_1296[0, 0] : f32 from vector<1x1xf32>
      %mul3A_1298 = arith.constant 4.000000e-01 : f32
      %mul3A_1299 = arith.mulf %mul3A_1298, %get3A_1297 : f32
      %abs3A_1300 = math.absf %add3A_1293 : vector<128x512xf32>
      %mul3A_1301 = vector.broadcast %mul3A_1299 : f32 to vector<128x512xf32>
      %mul3A_1302 = arith.mulf %mul3A_1301, %abs3A_1300 : vector<128x512xf32>
      %add3A_1303 = arith.addf %add3A_1288, %mul3A_1302 : vector<128x512xf32>
      %slice3A_1304 = vector.extract_strided_slice %get3A_10 {offsets = [0, 22], sizes = [128, 1], strides = [1, 1]} : vector<128x64xf32> to vector<128x1xf32>
      %slice3A_1305 = vector.extract_strided_slice %get3A_13 {offsets = [22, 512], sizes = [1, 512], strides = [1, 1]} : vector<64x1024xf32> to vector<1x512xf32>
      %add3A_1306 = vector.broadcast %slice3A_1304 : vector<128x1xf32> to vector<128x512xf32>
      %add3A_1307 = vector.broadcast %slice3A_1305 : vector<1x512xf32> to vector<128x512xf32>
      %add3A_1308 = arith.addf %add3A_1306, %add3A_1307 : vector<128x512xf32>
      %get3A_1309 = arith.constant 22 : index
      %get3A_1310 = arith.constant 0 : index
      %get3A_1311 = vector.load %arg13[%get3A_1309, %get3A_1310] : memref<64x1xf32, #tpu.memory_space<vmem>>, vector<1x1xf32>
      %get3A_1312 = vector.extract %get3A_1311[0, 0] : f32 from vector<1x1xf32>
      %mul3A_1313 = arith.constant 4.000000e-01 : f32
      %mul3A_1314 = arith.mulf %mul3A_1313, %get3A_1312 : f32
      %abs3A_1315 = math.absf %add3A_1308 : vector<128x512xf32>
      %mul3A_1316 = vector.broadcast %mul3A_1314 : f32 to vector<128x512xf32>
      %mul3A_1317 = arith.mulf %mul3A_1316, %abs3A_1315 : vector<128x512xf32>
      %add3A_1318 = arith.addf %add3A_1303, %mul3A_1317 : vector<128x512xf32>
      %slice3A_1319 = vector.extract_strided_slice %get3A_10 {offsets = [0, 23], sizes = [128, 1], strides = [1, 1]} : vector<128x64xf32> to vector<128x1xf32>
      %slice3A_1320 = vector.extract_strided_slice %get3A_13 {offsets = [23, 512], sizes = [1, 512], strides = [1, 1]} : vector<64x1024xf32> to vector<1x512xf32>
      %add3A_1321 = vector.broadcast %slice3A_1319 : vector<128x1xf32> to vector<128x512xf32>
      %add3A_1322 = vector.broadcast %slice3A_1320 : vector<1x512xf32> to vector<128x512xf32>
      %add3A_1323 = arith.addf %add3A_1321, %add3A_1322 : vector<128x512xf32>
      %get3A_1324 = arith.constant 23 : index
      %get3A_1325 = arith.constant 0 : index
      %get3A_1326 = vector.load %arg13[%get3A_1324, %get3A_1325] : memref<64x1xf32, #tpu.memory_space<vmem>>, vector<1x1xf32>
      %get3A_1327 = vector.extract %get3A_1326[0, 0] : f32 from vector<1x1xf32>
      %mul3A_1328 = arith.constant 4.000000e-01 : f32
      %mul3A_1329 = arith.mulf %mul3A_1328, %get3A_1327 : f32
      %abs3A_1330 = math.absf %add3A_1323 : vector<128x512xf32>
      %mul3A_1331 = vector.broadcast %mul3A_1329 : f32 to vector<128x512xf32>
      %mul3A_1332 = arith.mulf %mul3A_1331, %abs3A_1330 : vector<128x512xf32>
      %add3A_1333 = arith.addf %add3A_1318, %mul3A_1332 : vector<128x512xf32>
      %slice3A_1334 = vector.extract_strided_slice %get3A_10 {offsets = [0, 24], sizes = [128, 1], strides = [1, 1]} : vector<128x64xf32> to vector<128x1xf32>
      %slice3A_1335 = vector.extract_strided_slice %get3A_13 {offsets = [24, 512], sizes = [1, 512], strides = [1, 1]} : vector<64x1024xf32> to vector<1x512xf32>
      %add3A_1336 = vector.broadcast %slice3A_1334 : vector<128x1xf32> to vector<128x512xf32>
      %add3A_1337 = vector.broadcast %slice3A_1335 : vector<1x512xf32> to vector<128x512xf32>
      %add3A_1338 = arith.addf %add3A_1336, %add3A_1337 : vector<128x512xf32>
      %get3A_1339 = arith.constant 24 : index
      %get3A_1340 = arith.constant 0 : index
      %get3A_1341 = vector.load %arg13[%get3A_1339, %get3A_1340] : memref<64x1xf32, #tpu.memory_space<vmem>>, vector<1x1xf32>
      %get3A_1342 = vector.extract %get3A_1341[0, 0] : f32 from vector<1x1xf32>
      %mul3A_1343 = arith.constant 4.000000e-01 : f32
      %mul3A_1344 = arith.mulf %mul3A_1343, %get3A_1342 : f32
      %abs3A_1345 = math.absf %add3A_1338 : vector<128x512xf32>
      %mul3A_1346 = vector.broadcast %mul3A_1344 : f32 to vector<128x512xf32>
      %mul3A_1347 = arith.mulf %mul3A_1346, %abs3A_1345 : vector<128x512xf32>
      %add3A_1348 = arith.addf %add3A_1333, %mul3A_1347 : vector<128x512xf32>
      %slice3A_1349 = vector.extract_strided_slice %get3A_10 {offsets = [0, 25], sizes = [128, 1], strides = [1, 1]} : vector<128x64xf32> to vector<128x1xf32>
      %slice3A_1350 = vector.extract_strided_slice %get3A_13 {offsets = [25, 512], sizes = [1, 512], strides = [1, 1]} : vector<64x1024xf32> to vector<1x512xf32>
      %add3A_1351 = vector.broadcast %slice3A_1349 : vector<128x1xf32> to vector<128x512xf32>
      %add3A_1352 = vector.broadcast %slice3A_1350 : vector<1x512xf32> to vector<128x512xf32>
      %add3A_1353 = arith.addf %add3A_1351, %add3A_1352 : vector<128x512xf32>
      %get3A_1354 = arith.constant 25 : index
      %get3A_1355 = arith.constant 0 : index
      %get3A_1356 = vector.load %arg13[%get3A_1354, %get3A_1355] : memref<64x1xf32, #tpu.memory_space<vmem>>, vector<1x1xf32>
      %get3A_1357 = vector.extract %get3A_1356[0, 0] : f32 from vector<1x1xf32>
      %mul3A_1358 = arith.constant 4.000000e-01 : f32
      %mul3A_1359 = arith.mulf %mul3A_1358, %get3A_1357 : f32
      %abs3A_1360 = math.absf %add3A_1353 : vector<128x512xf32>
      %mul3A_1361 = vector.broadcast %mul3A_1359 : f32 to vector<128x512xf32>
      %mul3A_1362 = arith.mulf %mul3A_1361, %abs3A_1360 : vector<128x512xf32>
      %add3A_1363 = arith.addf %add3A_1348, %mul3A_1362 : vector<128x512xf32>
      %slice3A_1364 = vector.extract_strided_slice %get3A_10 {offsets = [0, 26], sizes = [128, 1], strides = [1, 1]} : vector<128x64xf32> to vector<128x1xf32>
      %slice3A_1365 = vector.extract_strided_slice %get3A_13 {offsets = [26, 512], sizes = [1, 512], strides = [1, 1]} : vector<64x1024xf32> to vector<1x512xf32>
      %add3A_1366 = vector.broadcast %slice3A_1364 : vector<128x1xf32> to vector<128x512xf32>
      %add3A_1367 = vector.broadcast %slice3A_1365 : vector<1x512xf32> to vector<128x512xf32>
      %add3A_1368 = arith.addf %add3A_1366, %add3A_1367 : vector<128x512xf32>
      %get3A_1369 = arith.constant 26 : index
      %get3A_1370 = arith.constant 0 : index
      %get3A_1371 = vector.load %arg13[%get3A_1369, %get3A_1370] : memref<64x1xf32, #tpu.memory_space<vmem>>, vector<1x1xf32>
      %get3A_1372 = vector.extract %get3A_1371[0, 0] : f32 from vector<1x1xf32>
      %mul3A_1373 = arith.constant 4.000000e-01 : f32
      %mul3A_1374 = arith.mulf %mul3A_1373, %get3A_1372 : f32
      %abs3A_1375 = math.absf %add3A_1368 : vector<128x512xf32>
      %mul3A_1376 = vector.broadcast %mul3A_1374 : f32 to vector<128x512xf32>
      %mul3A_1377 = arith.mulf %mul3A_1376, %abs3A_1375 : vector<128x512xf32>
      %add3A_1378 = arith.addf %add3A_1363, %mul3A_1377 : vector<128x512xf32>
      %slice3A_1379 = vector.extract_strided_slice %get3A_10 {offsets = [0, 27], sizes = [128, 1], strides = [1, 1]} : vector<128x64xf32> to vector<128x1xf32>
      %slice3A_1380 = vector.extract_strided_slice %get3A_13 {offsets = [27, 512], sizes = [1, 512], strides = [1, 1]} : vector<64x1024xf32> to vector<1x512xf32>
      %add3A_1381 = vector.broadcast %slice3A_1379 : vector<128x1xf32> to vector<128x512xf32>
      %add3A_1382 = vector.broadcast %slice3A_1380 : vector<1x512xf32> to vector<128x512xf32>
      %add3A_1383 = arith.addf %add3A_1381, %add3A_1382 : vector<128x512xf32>
      %get3A_1384 = arith.constant 27 : index
      %get3A_1385 = arith.constant 0 : index
      %get3A_1386 = vector.load %arg13[%get3A_1384, %get3A_1385] : memref<64x1xf32, #tpu.memory_space<vmem>>, vector<1x1xf32>
      %get3A_1387 = vector.extract %get3A_1386[0, 0] : f32 from vector<1x1xf32>
      %mul3A_1388 = arith.constant 4.000000e-01 : f32
      %mul3A_1389 = arith.mulf %mul3A_1388, %get3A_1387 : f32
      %abs3A_1390 = math.absf %add3A_1383 : vector<128x512xf32>
      %mul3A_1391 = vector.broadcast %mul3A_1389 : f32 to vector<128x512xf32>
      %mul3A_1392 = arith.mulf %mul3A_1391, %abs3A_1390 : vector<128x512xf32>
      %add3A_1393 = arith.addf %add3A_1378, %mul3A_1392 : vector<128x512xf32>
      %slice3A_1394 = vector.extract_strided_slice %get3A_10 {offsets = [0, 28], sizes = [128, 1], strides = [1, 1]} : vector<128x64xf32> to vector<128x1xf32>
      %slice3A_1395 = vector.extract_strided_slice %get3A_13 {offsets = [28, 512], sizes = [1, 512], strides = [1, 1]} : vector<64x1024xf32> to vector<1x512xf32>
      %add3A_1396 = vector.broadcast %slice3A_1394 : vector<128x1xf32> to vector<128x512xf32>
      %add3A_1397 = vector.broadcast %slice3A_1395 : vector<1x512xf32> to vector<128x512xf32>
      %add3A_1398 = arith.addf %add3A_1396, %add3A_1397 : vector<128x512xf32>
      %get3A_1399 = arith.constant 28 : index
      %get3A_1400 = arith.constant 0 : index
      %get3A_1401 = vector.load %arg13[%get3A_1399, %get3A_1400] : memref<64x1xf32, #tpu.memory_space<vmem>>, vector<1x1xf32>
      %get3A_1402 = vector.extract %get3A_1401[0, 0] : f32 from vector<1x1xf32>
      %mul3A_1403 = arith.constant 4.000000e-01 : f32
      %mul3A_1404 = arith.mulf %mul3A_1403, %get3A_1402 : f32
      %abs3A_1405 = math.absf %add3A_1398 : vector<128x512xf32>
      %mul3A_1406 = vector.broadcast %mul3A_1404 : f32 to vector<128x512xf32>
      %mul3A_1407 = arith.mulf %mul3A_1406, %abs3A_1405 : vector<128x512xf32>
      %add3A_1408 = arith.addf %add3A_1393, %mul3A_1407 : vector<128x512xf32>
      %slice3A_1409 = vector.extract_strided_slice %get3A_10 {offsets = [0, 29], sizes = [128, 1], strides = [1, 1]} : vector<128x64xf32> to vector<128x1xf32>
      %slice3A_1410 = vector.extract_strided_slice %get3A_13 {offsets = [29, 512], sizes = [1, 512], strides = [1, 1]} : vector<64x1024xf32> to vector<1x512xf32>
      %add3A_1411 = vector.broadcast %slice3A_1409 : vector<128x1xf32> to vector<128x512xf32>
      %add3A_1412 = vector.broadcast %slice3A_1410 : vector<1x512xf32> to vector<128x512xf32>
      %add3A_1413 = arith.addf %add3A_1411, %add3A_1412 : vector<128x512xf32>
      %get3A_1414 = arith.constant 29 : index
      %get3A_1415 = arith.constant 0 : index
      %get3A_1416 = vector.load %arg13[%get3A_1414, %get3A_1415] : memref<64x1xf32, #tpu.memory_space<vmem>>, vector<1x1xf32>
      %get3A_1417 = vector.extract %get3A_1416[0, 0] : f32 from vector<1x1xf32>
      %mul3A_1418 = arith.constant 4.000000e-01 : f32
      %mul3A_1419 = arith.mulf %mul3A_1418, %get3A_1417 : f32
      %abs3A_1420 = math.absf %add3A_1413 : vector<128x512xf32>
      %mul3A_1421 = vector.broadcast %mul3A_1419 : f32 to vector<128x512xf32>
      %mul3A_1422 = arith.mulf %mul3A_1421, %abs3A_1420 : vector<128x512xf32>
      %add3A_1423 = arith.addf %add3A_1408, %mul3A_1422 : vector<128x512xf32>
      %slice3A_1424 = vector.extract_strided_slice %get3A_10 {offsets = [0, 30], sizes = [128, 1], strides = [1, 1]} : vector<128x64xf32> to vector<128x1xf32>
      %slice3A_1425 = vector.extract_strided_slice %get3A_13 {offsets = [30, 512], sizes = [1, 512], strides = [1, 1]} : vector<64x1024xf32> to vector<1x512xf32>
      %add3A_1426 = vector.broadcast %slice3A_1424 : vector<128x1xf32> to vector<128x512xf32>
      %add3A_1427 = vector.broadcast %slice3A_1425 : vector<1x512xf32> to vector<128x512xf32>
      %add3A_1428 = arith.addf %add3A_1426, %add3A_1427 : vector<128x512xf32>
      %get3A_1429 = arith.constant 30 : index
      %get3A_1430 = arith.constant 0 : index
      %get3A_1431 = vector.load %arg13[%get3A_1429, %get3A_1430] : memref<64x1xf32, #tpu.memory_space<vmem>>, vector<1x1xf32>
      %get3A_1432 = vector.extract %get3A_1431[0, 0] : f32 from vector<1x1xf32>
      %mul3A_1433 = arith.constant 4.000000e-01 : f32
      %mul3A_1434 = arith.mulf %mul3A_1433, %get3A_1432 : f32
      %abs3A_1435 = math.absf %add3A_1428 : vector<128x512xf32>
      %mul3A_1436 = vector.broadcast %mul3A_1434 : f32 to vector<128x512xf32>
      %mul3A_1437 = arith.mulf %mul3A_1436, %abs3A_1435 : vector<128x512xf32>
      %add3A_1438 = arith.addf %add3A_1423, %mul3A_1437 : vector<128x512xf32>
      %slice3A_1439 = vector.extract_strided_slice %get3A_10 {offsets = [0, 31], sizes = [128, 1], strides = [1, 1]} : vector<128x64xf32> to vector<128x1xf32>
      %slice3A_1440 = vector.extract_strided_slice %get3A_13 {offsets = [31, 512], sizes = [1, 512], strides = [1, 1]} : vector<64x1024xf32> to vector<1x512xf32>
      %add3A_1441 = vector.broadcast %slice3A_1439 : vector<128x1xf32> to vector<128x512xf32>
      %add3A_1442 = vector.broadcast %slice3A_1440 : vector<1x512xf32> to vector<128x512xf32>
      %add3A_1443 = arith.addf %add3A_1441, %add3A_1442 : vector<128x512xf32>
      %get3A_1444 = arith.constant 31 : index
      %get3A_1445 = arith.constant 0 : index
      %get3A_1446 = vector.load %arg13[%get3A_1444, %get3A_1445] : memref<64x1xf32, #tpu.memory_space<vmem>>, vector<1x1xf32>
      %get3A_1447 = vector.extract %get3A_1446[0, 0] : f32 from vector<1x1xf32>
      %mul3A_1448 = arith.constant 4.000000e-01 : f32
      %mul3A_1449 = arith.mulf %mul3A_1448, %get3A_1447 : f32
      %abs3A_1450 = math.absf %add3A_1443 : vector<128x512xf32>
      %mul3A_1451 = vector.broadcast %mul3A_1449 : f32 to vector<128x512xf32>
      %mul3A_1452 = arith.mulf %mul3A_1451, %abs3A_1450 : vector<128x512xf32>
      %add3A_1453 = arith.addf %add3A_1438, %mul3A_1452 : vector<128x512xf32>
      %slice3A_1454 = vector.extract_strided_slice %get3A_10 {offsets = [0, 32], sizes = [128, 1], strides = [1, 1]} : vector<128x64xf32> to vector<128x1xf32>
      %slice3A_1455 = vector.extract_strided_slice %get3A_13 {offsets = [32, 512], sizes = [1, 512], strides = [1, 1]} : vector<64x1024xf32> to vector<1x512xf32>
      %add3A_1456 = vector.broadcast %slice3A_1454 : vector<128x1xf32> to vector<128x512xf32>
      %add3A_1457 = vector.broadcast %slice3A_1455 : vector<1x512xf32> to vector<128x512xf32>
      %add3A_1458 = arith.addf %add3A_1456, %add3A_1457 : vector<128x512xf32>
      %get3A_1459 = arith.constant 32 : index
      %get3A_1460 = arith.constant 0 : index
      %get3A_1461 = vector.load %arg13[%get3A_1459, %get3A_1460] : memref<64x1xf32, #tpu.memory_space<vmem>>, vector<1x1xf32>
      %get3A_1462 = vector.extract %get3A_1461[0, 0] : f32 from vector<1x1xf32>
      %mul3A_1463 = arith.constant 4.000000e-01 : f32
      %mul3A_1464 = arith.mulf %mul3A_1463, %get3A_1462 : f32
      %abs3A_1465 = math.absf %add3A_1458 : vector<128x512xf32>
      %mul3A_1466 = vector.broadcast %mul3A_1464 : f32 to vector<128x512xf32>
      %mul3A_1467 = arith.mulf %mul3A_1466, %abs3A_1465 : vector<128x512xf32>
      %add3A_1468 = arith.addf %add3A_1453, %mul3A_1467 : vector<128x512xf32>
      %slice3A_1469 = vector.extract_strided_slice %get3A_10 {offsets = [0, 33], sizes = [128, 1], strides = [1, 1]} : vector<128x64xf32> to vector<128x1xf32>
      %slice3A_1470 = vector.extract_strided_slice %get3A_13 {offsets = [33, 512], sizes = [1, 512], strides = [1, 1]} : vector<64x1024xf32> to vector<1x512xf32>
      %add3A_1471 = vector.broadcast %slice3A_1469 : vector<128x1xf32> to vector<128x512xf32>
      %add3A_1472 = vector.broadcast %slice3A_1470 : vector<1x512xf32> to vector<128x512xf32>
      %add3A_1473 = arith.addf %add3A_1471, %add3A_1472 : vector<128x512xf32>
      %get3A_1474 = arith.constant 33 : index
      %get3A_1475 = arith.constant 0 : index
      %get3A_1476 = vector.load %arg13[%get3A_1474, %get3A_1475] : memref<64x1xf32, #tpu.memory_space<vmem>>, vector<1x1xf32>
      %get3A_1477 = vector.extract %get3A_1476[0, 0] : f32 from vector<1x1xf32>
      %mul3A_1478 = arith.constant 4.000000e-01 : f32
      %mul3A_1479 = arith.mulf %mul3A_1478, %get3A_1477 : f32
      %abs3A_1480 = math.absf %add3A_1473 : vector<128x512xf32>
      %mul3A_1481 = vector.broadcast %mul3A_1479 : f32 to vector<128x512xf32>
      %mul3A_1482 = arith.mulf %mul3A_1481, %abs3A_1480 : vector<128x512xf32>
      %add3A_1483 = arith.addf %add3A_1468, %mul3A_1482 : vector<128x512xf32>
      %slice3A_1484 = vector.extract_strided_slice %get3A_10 {offsets = [0, 34], sizes = [128, 1], strides = [1, 1]} : vector<128x64xf32> to vector<128x1xf32>
      %slice3A_1485 = vector.extract_strided_slice %get3A_13 {offsets = [34, 512], sizes = [1, 512], strides = [1, 1]} : vector<64x1024xf32> to vector<1x512xf32>
      %add3A_1486 = vector.broadcast %slice3A_1484 : vector<128x1xf32> to vector<128x512xf32>
      %add3A_1487 = vector.broadcast %slice3A_1485 : vector<1x512xf32> to vector<128x512xf32>
      %add3A_1488 = arith.addf %add3A_1486, %add3A_1487 : vector<128x512xf32>
      %get3A_1489 = arith.constant 34 : index
      %get3A_1490 = arith.constant 0 : index
      %get3A_1491 = vector.load %arg13[%get3A_1489, %get3A_1490] : memref<64x1xf32, #tpu.memory_space<vmem>>, vector<1x1xf32>
      %get3A_1492 = vector.extract %get3A_1491[0, 0] : f32 from vector<1x1xf32>
      %mul3A_1493 = arith.constant 4.000000e-01 : f32
      %mul3A_1494 = arith.mulf %mul3A_1493, %get3A_1492 : f32
      %abs3A_1495 = math.absf %add3A_1488 : vector<128x512xf32>
      %mul3A_1496 = vector.broadcast %mul3A_1494 : f32 to vector<128x512xf32>
      %mul3A_1497 = arith.mulf %mul3A_1496, %abs3A_1495 : vector<128x512xf32>
      %add3A_1498 = arith.addf %add3A_1483, %mul3A_1497 : vector<128x512xf32>
      %slice3A_1499 = vector.extract_strided_slice %get3A_10 {offsets = [0, 35], sizes = [128, 1], strides = [1, 1]} : vector<128x64xf32> to vector<128x1xf32>
      %slice3A_1500 = vector.extract_strided_slice %get3A_13 {offsets = [35, 512], sizes = [1, 512], strides = [1, 1]} : vector<64x1024xf32> to vector<1x512xf32>
      %add3A_1501 = vector.broadcast %slice3A_1499 : vector<128x1xf32> to vector<128x512xf32>
      %add3A_1502 = vector.broadcast %slice3A_1500 : vector<1x512xf32> to vector<128x512xf32>
      %add3A_1503 = arith.addf %add3A_1501, %add3A_1502 : vector<128x512xf32>
      %get3A_1504 = arith.constant 35 : index
      %get3A_1505 = arith.constant 0 : index
      %get3A_1506 = vector.load %arg13[%get3A_1504, %get3A_1505] : memref<64x1xf32, #tpu.memory_space<vmem>>, vector<1x1xf32>
      %get3A_1507 = vector.extract %get3A_1506[0, 0] : f32 from vector<1x1xf32>
      %mul3A_1508 = arith.constant 4.000000e-01 : f32
      %mul3A_1509 = arith.mulf %mul3A_1508, %get3A_1507 : f32
      %abs3A_1510 = math.absf %add3A_1503 : vector<128x512xf32>
      %mul3A_1511 = vector.broadcast %mul3A_1509 : f32 to vector<128x512xf32>
      %mul3A_1512 = arith.mulf %mul3A_1511, %abs3A_1510 : vector<128x512xf32>
      %add3A_1513 = arith.addf %add3A_1498, %mul3A_1512 : vector<128x512xf32>
      %slice3A_1514 = vector.extract_strided_slice %get3A_10 {offsets = [0, 36], sizes = [128, 1], strides = [1, 1]} : vector<128x64xf32> to vector<128x1xf32>
      %slice3A_1515 = vector.extract_strided_slice %get3A_13 {offsets = [36, 512], sizes = [1, 512], strides = [1, 1]} : vector<64x1024xf32> to vector<1x512xf32>
      %add3A_1516 = vector.broadcast %slice3A_1514 : vector<128x1xf32> to vector<128x512xf32>
      %add3A_1517 = vector.broadcast %slice3A_1515 : vector<1x512xf32> to vector<128x512xf32>
      %add3A_1518 = arith.addf %add3A_1516, %add3A_1517 : vector<128x512xf32>
      %get3A_1519 = arith.constant 36 : index
      %get3A_1520 = arith.constant 0 : index
      %get3A_1521 = vector.load %arg13[%get3A_1519, %get3A_1520] : memref<64x1xf32, #tpu.memory_space<vmem>>, vector<1x1xf32>
      %get3A_1522 = vector.extract %get3A_1521[0, 0] : f32 from vector<1x1xf32>
      %mul3A_1523 = arith.constant 4.000000e-01 : f32
      %mul3A_1524 = arith.mulf %mul3A_1523, %get3A_1522 : f32
      %abs3A_1525 = math.absf %add3A_1518 : vector<128x512xf32>
      %mul3A_1526 = vector.broadcast %mul3A_1524 : f32 to vector<128x512xf32>
      %mul3A_1527 = arith.mulf %mul3A_1526, %abs3A_1525 : vector<128x512xf32>
      %add3A_1528 = arith.addf %add3A_1513, %mul3A_1527 : vector<128x512xf32>
      %slice3A_1529 = vector.extract_strided_slice %get3A_10 {offsets = [0, 37], sizes = [128, 1], strides = [1, 1]} : vector<128x64xf32> to vector<128x1xf32>
      %slice3A_1530 = vector.extract_strided_slice %get3A_13 {offsets = [37, 512], sizes = [1, 512], strides = [1, 1]} : vector<64x1024xf32> to vector<1x512xf32>
      %add3A_1531 = vector.broadcast %slice3A_1529 : vector<128x1xf32> to vector<128x512xf32>
      %add3A_1532 = vector.broadcast %slice3A_1530 : vector<1x512xf32> to vector<128x512xf32>
      %add3A_1533 = arith.addf %add3A_1531, %add3A_1532 : vector<128x512xf32>
      %get3A_1534 = arith.constant 37 : index
      %get3A_1535 = arith.constant 0 : index
      %get3A_1536 = vector.load %arg13[%get3A_1534, %get3A_1535] : memref<64x1xf32, #tpu.memory_space<vmem>>, vector<1x1xf32>
      %get3A_1537 = vector.extract %get3A_1536[0, 0] : f32 from vector<1x1xf32>
      %mul3A_1538 = arith.constant 4.000000e-01 : f32
      %mul3A_1539 = arith.mulf %mul3A_1538, %get3A_1537 : f32
      %abs3A_1540 = math.absf %add3A_1533 : vector<128x512xf32>
      %mul3A_1541 = vector.broadcast %mul3A_1539 : f32 to vector<128x512xf32>
      %mul3A_1542 = arith.mulf %mul3A_1541, %abs3A_1540 : vector<128x512xf32>
      %add3A_1543 = arith.addf %add3A_1528, %mul3A_1542 : vector<128x512xf32>
      %slice3A_1544 = vector.extract_strided_slice %get3A_10 {offsets = [0, 38], sizes = [128, 1], strides = [1, 1]} : vector<128x64xf32> to vector<128x1xf32>
      %slice3A_1545 = vector.extract_strided_slice %get3A_13 {offsets = [38, 512], sizes = [1, 512], strides = [1, 1]} : vector<64x1024xf32> to vector<1x512xf32>
      %add3A_1546 = vector.broadcast %slice3A_1544 : vector<128x1xf32> to vector<128x512xf32>
      %add3A_1547 = vector.broadcast %slice3A_1545 : vector<1x512xf32> to vector<128x512xf32>
      %add3A_1548 = arith.addf %add3A_1546, %add3A_1547 : vector<128x512xf32>
      %get3A_1549 = arith.constant 38 : index
      %get3A_1550 = arith.constant 0 : index
      %get3A_1551 = vector.load %arg13[%get3A_1549, %get3A_1550] : memref<64x1xf32, #tpu.memory_space<vmem>>, vector<1x1xf32>
      %get3A_1552 = vector.extract %get3A_1551[0, 0] : f32 from vector<1x1xf32>
      %mul3A_1553 = arith.constant 4.000000e-01 : f32
      %mul3A_1554 = arith.mulf %mul3A_1553, %get3A_1552 : f32
      %abs3A_1555 = math.absf %add3A_1548 : vector<128x512xf32>
      %mul3A_1556 = vector.broadcast %mul3A_1554 : f32 to vector<128x512xf32>
      %mul3A_1557 = arith.mulf %mul3A_1556, %abs3A_1555 : vector<128x512xf32>
      %add3A_1558 = arith.addf %add3A_1543, %mul3A_1557 : vector<128x512xf32>
      %slice3A_1559 = vector.extract_strided_slice %get3A_10 {offsets = [0, 39], sizes = [128, 1], strides = [1, 1]} : vector<128x64xf32> to vector<128x1xf32>
      %slice3A_1560 = vector.extract_strided_slice %get3A_13 {offsets = [39, 512], sizes = [1, 512], strides = [1, 1]} : vector<64x1024xf32> to vector<1x512xf32>
      %add3A_1561 = vector.broadcast %slice3A_1559 : vector<128x1xf32> to vector<128x512xf32>
      %add3A_1562 = vector.broadcast %slice3A_1560 : vector<1x512xf32> to vector<128x512xf32>
      %add3A_1563 = arith.addf %add3A_1561, %add3A_1562 : vector<128x512xf32>
      %get3A_1564 = arith.constant 39 : index
      %get3A_1565 = arith.constant 0 : index
      %get3A_1566 = vector.load %arg13[%get3A_1564, %get3A_1565] : memref<64x1xf32, #tpu.memory_space<vmem>>, vector<1x1xf32>
      %get3A_1567 = vector.extract %get3A_1566[0, 0] : f32 from vector<1x1xf32>
      %mul3A_1568 = arith.constant 4.000000e-01 : f32
      %mul3A_1569 = arith.mulf %mul3A_1568, %get3A_1567 : f32
      %abs3A_1570 = math.absf %add3A_1563 : vector<128x512xf32>
      %mul3A_1571 = vector.broadcast %mul3A_1569 : f32 to vector<128x512xf32>
      %mul3A_1572 = arith.mulf %mul3A_1571, %abs3A_1570 : vector<128x512xf32>
      %add3A_1573 = arith.addf %add3A_1558, %mul3A_1572 : vector<128x512xf32>
      %slice3A_1574 = vector.extract_strided_slice %get3A_10 {offsets = [0, 40], sizes = [128, 1], strides = [1, 1]} : vector<128x64xf32> to vector<128x1xf32>
      %slice3A_1575 = vector.extract_strided_slice %get3A_13 {offsets = [40, 512], sizes = [1, 512], strides = [1, 1]} : vector<64x1024xf32> to vector<1x512xf32>
      %add3A_1576 = vector.broadcast %slice3A_1574 : vector<128x1xf32> to vector<128x512xf32>
      %add3A_1577 = vector.broadcast %slice3A_1575 : vector<1x512xf32> to vector<128x512xf32>
      %add3A_1578 = arith.addf %add3A_1576, %add3A_1577 : vector<128x512xf32>
      %get3A_1579 = arith.constant 40 : index
      %get3A_1580 = arith.constant 0 : index
      %get3A_1581 = vector.load %arg13[%get3A_1579, %get3A_1580] : memref<64x1xf32, #tpu.memory_space<vmem>>, vector<1x1xf32>
      %get3A_1582 = vector.extract %get3A_1581[0, 0] : f32 from vector<1x1xf32>
      %mul3A_1583 = arith.constant 4.000000e-01 : f32
      %mul3A_1584 = arith.mulf %mul3A_1583, %get3A_1582 : f32
      %abs3A_1585 = math.absf %add3A_1578 : vector<128x512xf32>
      %mul3A_1586 = vector.broadcast %mul3A_1584 : f32 to vector<128x512xf32>
      %mul3A_1587 = arith.mulf %mul3A_1586, %abs3A_1585 : vector<128x512xf32>
      %add3A_1588 = arith.addf %add3A_1573, %mul3A_1587 : vector<128x512xf32>
      %slice3A_1589 = vector.extract_strided_slice %get3A_10 {offsets = [0, 41], sizes = [128, 1], strides = [1, 1]} : vector<128x64xf32> to vector<128x1xf32>
      %slice3A_1590 = vector.extract_strided_slice %get3A_13 {offsets = [41, 512], sizes = [1, 512], strides = [1, 1]} : vector<64x1024xf32> to vector<1x512xf32>
      %add3A_1591 = vector.broadcast %slice3A_1589 : vector<128x1xf32> to vector<128x512xf32>
      %add3A_1592 = vector.broadcast %slice3A_1590 : vector<1x512xf32> to vector<128x512xf32>
      %add3A_1593 = arith.addf %add3A_1591, %add3A_1592 : vector<128x512xf32>
      %get3A_1594 = arith.constant 41 : index
      %get3A_1595 = arith.constant 0 : index
      %get3A_1596 = vector.load %arg13[%get3A_1594, %get3A_1595] : memref<64x1xf32, #tpu.memory_space<vmem>>, vector<1x1xf32>
      %get3A_1597 = vector.extract %get3A_1596[0, 0] : f32 from vector<1x1xf32>
      %mul3A_1598 = arith.constant 4.000000e-01 : f32
      %mul3A_1599 = arith.mulf %mul3A_1598, %get3A_1597 : f32
      %abs3A_1600 = math.absf %add3A_1593 : vector<128x512xf32>
      %mul3A_1601 = vector.broadcast %mul3A_1599 : f32 to vector<128x512xf32>
      %mul3A_1602 = arith.mulf %mul3A_1601, %abs3A_1600 : vector<128x512xf32>
      %add3A_1603 = arith.addf %add3A_1588, %mul3A_1602 : vector<128x512xf32>
      %slice3A_1604 = vector.extract_strided_slice %get3A_10 {offsets = [0, 42], sizes = [128, 1], strides = [1, 1]} : vector<128x64xf32> to vector<128x1xf32>
      %slice3A_1605 = vector.extract_strided_slice %get3A_13 {offsets = [42, 512], sizes = [1, 512], strides = [1, 1]} : vector<64x1024xf32> to vector<1x512xf32>
      %add3A_1606 = vector.broadcast %slice3A_1604 : vector<128x1xf32> to vector<128x512xf32>
      %add3A_1607 = vector.broadcast %slice3A_1605 : vector<1x512xf32> to vector<128x512xf32>
      %add3A_1608 = arith.addf %add3A_1606, %add3A_1607 : vector<128x512xf32>
      %get3A_1609 = arith.constant 42 : index
      %get3A_1610 = arith.constant 0 : index
      %get3A_1611 = vector.load %arg13[%get3A_1609, %get3A_1610] : memref<64x1xf32, #tpu.memory_space<vmem>>, vector<1x1xf32>
      %get3A_1612 = vector.extract %get3A_1611[0, 0] : f32 from vector<1x1xf32>
      %mul3A_1613 = arith.constant 4.000000e-01 : f32
      %mul3A_1614 = arith.mulf %mul3A_1613, %get3A_1612 : f32
      %abs3A_1615 = math.absf %add3A_1608 : vector<128x512xf32>
      %mul3A_1616 = vector.broadcast %mul3A_1614 : f32 to vector<128x512xf32>
      %mul3A_1617 = arith.mulf %mul3A_1616, %abs3A_1615 : vector<128x512xf32>
      %add3A_1618 = arith.addf %add3A_1603, %mul3A_1617 : vector<128x512xf32>
      %slice3A_1619 = vector.extract_strided_slice %get3A_10 {offsets = [0, 43], sizes = [128, 1], strides = [1, 1]} : vector<128x64xf32> to vector<128x1xf32>
      %slice3A_1620 = vector.extract_strided_slice %get3A_13 {offsets = [43, 512], sizes = [1, 512], strides = [1, 1]} : vector<64x1024xf32> to vector<1x512xf32>
      %add3A_1621 = vector.broadcast %slice3A_1619 : vector<128x1xf32> to vector<128x512xf32>
      %add3A_1622 = vector.broadcast %slice3A_1620 : vector<1x512xf32> to vector<128x512xf32>
      %add3A_1623 = arith.addf %add3A_1621, %add3A_1622 : vector<128x512xf32>
      %get3A_1624 = arith.constant 43 : index
      %get3A_1625 = arith.constant 0 : index
      %get3A_1626 = vector.load %arg13[%get3A_1624, %get3A_1625] : memref<64x1xf32, #tpu.memory_space<vmem>>, vector<1x1xf32>
      %get3A_1627 = vector.extract %get3A_1626[0, 0] : f32 from vector<1x1xf32>
      %mul3A_1628 = arith.constant 4.000000e-01 : f32
      %mul3A_1629 = arith.mulf %mul3A_1628, %get3A_1627 : f32
      %abs3A_1630 = math.absf %add3A_1623 : vector<128x512xf32>
      %mul3A_1631 = vector.broadcast %mul3A_1629 : f32 to vector<128x512xf32>
      %mul3A_1632 = arith.mulf %mul3A_1631, %abs3A_1630 : vector<128x512xf32>
      %add3A_1633 = arith.addf %add3A_1618, %mul3A_1632 : vector<128x512xf32>
      %slice3A_1634 = vector.extract_strided_slice %get3A_10 {offsets = [0, 44], sizes = [128, 1], strides = [1, 1]} : vector<128x64xf32> to vector<128x1xf32>
      %slice3A_1635 = vector.extract_strided_slice %get3A_13 {offsets = [44, 512], sizes = [1, 512], strides = [1, 1]} : vector<64x1024xf32> to vector<1x512xf32>
      %add3A_1636 = vector.broadcast %slice3A_1634 : vector<128x1xf32> to vector<128x512xf32>
      %add3A_1637 = vector.broadcast %slice3A_1635 : vector<1x512xf32> to vector<128x512xf32>
      %add3A_1638 = arith.addf %add3A_1636, %add3A_1637 : vector<128x512xf32>
      %get3A_1639 = arith.constant 44 : index
      %get3A_1640 = arith.constant 0 : index
      %get3A_1641 = vector.load %arg13[%get3A_1639, %get3A_1640] : memref<64x1xf32, #tpu.memory_space<vmem>>, vector<1x1xf32>
      %get3A_1642 = vector.extract %get3A_1641[0, 0] : f32 from vector<1x1xf32>
      %mul3A_1643 = arith.constant 4.000000e-01 : f32
      %mul3A_1644 = arith.mulf %mul3A_1643, %get3A_1642 : f32
      %abs3A_1645 = math.absf %add3A_1638 : vector<128x512xf32>
      %mul3A_1646 = vector.broadcast %mul3A_1644 : f32 to vector<128x512xf32>
      %mul3A_1647 = arith.mulf %mul3A_1646, %abs3A_1645 : vector<128x512xf32>
      %add3A_1648 = arith.addf %add3A_1633, %mul3A_1647 : vector<128x512xf32>
      %slice3A_1649 = vector.extract_strided_slice %get3A_10 {offsets = [0, 45], sizes = [128, 1], strides = [1, 1]} : vector<128x64xf32> to vector<128x1xf32>
      %slice3A_1650 = vector.extract_strided_slice %get3A_13 {offsets = [45, 512], sizes = [1, 512], strides = [1, 1]} : vector<64x1024xf32> to vector<1x512xf32>
      %add3A_1651 = vector.broadcast %slice3A_1649 : vector<128x1xf32> to vector<128x512xf32>
      %add3A_1652 = vector.broadcast %slice3A_1650 : vector<1x512xf32> to vector<128x512xf32>
      %add3A_1653 = arith.addf %add3A_1651, %add3A_1652 : vector<128x512xf32>
      %get3A_1654 = arith.constant 45 : index
      %get3A_1655 = arith.constant 0 : index
      %get3A_1656 = vector.load %arg13[%get3A_1654, %get3A_1655] : memref<64x1xf32, #tpu.memory_space<vmem>>, vector<1x1xf32>
      %get3A_1657 = vector.extract %get3A_1656[0, 0] : f32 from vector<1x1xf32>
      %mul3A_1658 = arith.constant 4.000000e-01 : f32
      %mul3A_1659 = arith.mulf %mul3A_1658, %get3A_1657 : f32
      %abs3A_1660 = math.absf %add3A_1653 : vector<128x512xf32>
      %mul3A_1661 = vector.broadcast %mul3A_1659 : f32 to vector<128x512xf32>
      %mul3A_1662 = arith.mulf %mul3A_1661, %abs3A_1660 : vector<128x512xf32>
      %add3A_1663 = arith.addf %add3A_1648, %mul3A_1662 : vector<128x512xf32>
      %slice3A_1664 = vector.extract_strided_slice %get3A_10 {offsets = [0, 46], sizes = [128, 1], strides = [1, 1]} : vector<128x64xf32> to vector<128x1xf32>
      %slice3A_1665 = vector.extract_strided_slice %get3A_13 {offsets = [46, 512], sizes = [1, 512], strides = [1, 1]} : vector<64x1024xf32> to vector<1x512xf32>
      %add3A_1666 = vector.broadcast %slice3A_1664 : vector<128x1xf32> to vector<128x512xf32>
      %add3A_1667 = vector.broadcast %slice3A_1665 : vector<1x512xf32> to vector<128x512xf32>
      %add3A_1668 = arith.addf %add3A_1666, %add3A_1667 : vector<128x512xf32>
      %get3A_1669 = arith.constant 46 : index
      %get3A_1670 = arith.constant 0 : index
      %get3A_1671 = vector.load %arg13[%get3A_1669, %get3A_1670] : memref<64x1xf32, #tpu.memory_space<vmem>>, vector<1x1xf32>
      %get3A_1672 = vector.extract %get3A_1671[0, 0] : f32 from vector<1x1xf32>
      %mul3A_1673 = arith.constant 4.000000e-01 : f32
      %mul3A_1674 = arith.mulf %mul3A_1673, %get3A_1672 : f32
      %abs3A_1675 = math.absf %add3A_1668 : vector<128x512xf32>
      %mul3A_1676 = vector.broadcast %mul3A_1674 : f32 to vector<128x512xf32>
      %mul3A_1677 = arith.mulf %mul3A_1676, %abs3A_1675 : vector<128x512xf32>
      %add3A_1678 = arith.addf %add3A_1663, %mul3A_1677 : vector<128x512xf32>
      %slice3A_1679 = vector.extract_strided_slice %get3A_10 {offsets = [0, 47], sizes = [128, 1], strides = [1, 1]} : vector<128x64xf32> to vector<128x1xf32>
      %slice3A_1680 = vector.extract_strided_slice %get3A_13 {offsets = [47, 512], sizes = [1, 512], strides = [1, 1]} : vector<64x1024xf32> to vector<1x512xf32>
      %add3A_1681 = vector.broadcast %slice3A_1679 : vector<128x1xf32> to vector<128x512xf32>
      %add3A_1682 = vector.broadcast %slice3A_1680 : vector<1x512xf32> to vector<128x512xf32>
      %add3A_1683 = arith.addf %add3A_1681, %add3A_1682 : vector<128x512xf32>
      %get3A_1684 = arith.constant 47 : index
      %get3A_1685 = arith.constant 0 : index
      %get3A_1686 = vector.load %arg13[%get3A_1684, %get3A_1685] : memref<64x1xf32, #tpu.memory_space<vmem>>, vector<1x1xf32>
      %get3A_1687 = vector.extract %get3A_1686[0, 0] : f32 from vector<1x1xf32>
      %mul3A_1688 = arith.constant 4.000000e-01 : f32
      %mul3A_1689 = arith.mulf %mul3A_1688, %get3A_1687 : f32
      %abs3A_1690 = math.absf %add3A_1683 : vector<128x512xf32>
      %mul3A_1691 = vector.broadcast %mul3A_1689 : f32 to vector<128x512xf32>
      %mul3A_1692 = arith.mulf %mul3A_1691, %abs3A_1690 : vector<128x512xf32>
      %add3A_1693 = arith.addf %add3A_1678, %mul3A_1692 : vector<128x512xf32>
      %slice3A_1694 = vector.extract_strided_slice %get3A_10 {offsets = [0, 48], sizes = [128, 1], strides = [1, 1]} : vector<128x64xf32> to vector<128x1xf32>
      %slice3A_1695 = vector.extract_strided_slice %get3A_13 {offsets = [48, 512], sizes = [1, 512], strides = [1, 1]} : vector<64x1024xf32> to vector<1x512xf32>
      %add3A_1696 = vector.broadcast %slice3A_1694 : vector<128x1xf32> to vector<128x512xf32>
      %add3A_1697 = vector.broadcast %slice3A_1695 : vector<1x512xf32> to vector<128x512xf32>
      %add3A_1698 = arith.addf %add3A_1696, %add3A_1697 : vector<128x512xf32>
      %get3A_1699 = arith.constant 48 : index
      %get3A_1700 = arith.constant 0 : index
      %get3A_1701 = vector.load %arg13[%get3A_1699, %get3A_1700] : memref<64x1xf32, #tpu.memory_space<vmem>>, vector<1x1xf32>
      %get3A_1702 = vector.extract %get3A_1701[0, 0] : f32 from vector<1x1xf32>
      %mul3A_1703 = arith.constant 4.000000e-01 : f32
      %mul3A_1704 = arith.mulf %mul3A_1703, %get3A_1702 : f32
      %abs3A_1705 = math.absf %add3A_1698 : vector<128x512xf32>
      %mul3A_1706 = vector.broadcast %mul3A_1704 : f32 to vector<128x512xf32>
      %mul3A_1707 = arith.mulf %mul3A_1706, %abs3A_1705 : vector<128x512xf32>
      %add3A_1708 = arith.addf %add3A_1693, %mul3A_1707 : vector<128x512xf32>
      %slice3A_1709 = vector.extract_strided_slice %get3A_10 {offsets = [0, 49], sizes = [128, 1], strides = [1, 1]} : vector<128x64xf32> to vector<128x1xf32>
      %slice3A_1710 = vector.extract_strided_slice %get3A_13 {offsets = [49, 512], sizes = [1, 512], strides = [1, 1]} : vector<64x1024xf32> to vector<1x512xf32>
      %add3A_1711 = vector.broadcast %slice3A_1709 : vector<128x1xf32> to vector<128x512xf32>
      %add3A_1712 = vector.broadcast %slice3A_1710 : vector<1x512xf32> to vector<128x512xf32>
      %add3A_1713 = arith.addf %add3A_1711, %add3A_1712 : vector<128x512xf32>
      %get3A_1714 = arith.constant 49 : index
      %get3A_1715 = arith.constant 0 : index
      %get3A_1716 = vector.load %arg13[%get3A_1714, %get3A_1715] : memref<64x1xf32, #tpu.memory_space<vmem>>, vector<1x1xf32>
      %get3A_1717 = vector.extract %get3A_1716[0, 0] : f32 from vector<1x1xf32>
      %mul3A_1718 = arith.constant 4.000000e-01 : f32
      %mul3A_1719 = arith.mulf %mul3A_1718, %get3A_1717 : f32
      %abs3A_1720 = math.absf %add3A_1713 : vector<128x512xf32>
      %mul3A_1721 = vector.broadcast %mul3A_1719 : f32 to vector<128x512xf32>
      %mul3A_1722 = arith.mulf %mul3A_1721, %abs3A_1720 : vector<128x512xf32>
      %add3A_1723 = arith.addf %add3A_1708, %mul3A_1722 : vector<128x512xf32>
      %slice3A_1724 = vector.extract_strided_slice %get3A_10 {offsets = [0, 50], sizes = [128, 1], strides = [1, 1]} : vector<128x64xf32> to vector<128x1xf32>
      %slice3A_1725 = vector.extract_strided_slice %get3A_13 {offsets = [50, 512], sizes = [1, 512], strides = [1, 1]} : vector<64x1024xf32> to vector<1x512xf32>
      %add3A_1726 = vector.broadcast %slice3A_1724 : vector<128x1xf32> to vector<128x512xf32>
      %add3A_1727 = vector.broadcast %slice3A_1725 : vector<1x512xf32> to vector<128x512xf32>
      %add3A_1728 = arith.addf %add3A_1726, %add3A_1727 : vector<128x512xf32>
      %get3A_1729 = arith.constant 50 : index
      %get3A_1730 = arith.constant 0 : index
      %get3A_1731 = vector.load %arg13[%get3A_1729, %get3A_1730] : memref<64x1xf32, #tpu.memory_space<vmem>>, vector<1x1xf32>
      %get3A_1732 = vector.extract %get3A_1731[0, 0] : f32 from vector<1x1xf32>
      %mul3A_1733 = arith.constant 4.000000e-01 : f32
      %mul3A_1734 = arith.mulf %mul3A_1733, %get3A_1732 : f32
      %abs3A_1735 = math.absf %add3A_1728 : vector<128x512xf32>
      %mul3A_1736 = vector.broadcast %mul3A_1734 : f32 to vector<128x512xf32>
      %mul3A_1737 = arith.mulf %mul3A_1736, %abs3A_1735 : vector<128x512xf32>
      %add3A_1738 = arith.addf %add3A_1723, %mul3A_1737 : vector<128x512xf32>
      %slice3A_1739 = vector.extract_strided_slice %get3A_10 {offsets = [0, 51], sizes = [128, 1], strides = [1, 1]} : vector<128x64xf32> to vector<128x1xf32>
      %slice3A_1740 = vector.extract_strided_slice %get3A_13 {offsets = [51, 512], sizes = [1, 512], strides = [1, 1]} : vector<64x1024xf32> to vector<1x512xf32>
      %add3A_1741 = vector.broadcast %slice3A_1739 : vector<128x1xf32> to vector<128x512xf32>
      %add3A_1742 = vector.broadcast %slice3A_1740 : vector<1x512xf32> to vector<128x512xf32>
      %add3A_1743 = arith.addf %add3A_1741, %add3A_1742 : vector<128x512xf32>
      %get3A_1744 = arith.constant 51 : index
      %get3A_1745 = arith.constant 0 : index
      %get3A_1746 = vector.load %arg13[%get3A_1744, %get3A_1745] : memref<64x1xf32, #tpu.memory_space<vmem>>, vector<1x1xf32>
      %get3A_1747 = vector.extract %get3A_1746[0, 0] : f32 from vector<1x1xf32>
      %mul3A_1748 = arith.constant 4.000000e-01 : f32
      %mul3A_1749 = arith.mulf %mul3A_1748, %get3A_1747 : f32
      %abs3A_1750 = math.absf %add3A_1743 : vector<128x512xf32>
      %mul3A_1751 = vector.broadcast %mul3A_1749 : f32 to vector<128x512xf32>
      %mul3A_1752 = arith.mulf %mul3A_1751, %abs3A_1750 : vector<128x512xf32>
      %add3A_1753 = arith.addf %add3A_1738, %mul3A_1752 : vector<128x512xf32>
      %slice3A_1754 = vector.extract_strided_slice %get3A_10 {offsets = [0, 52], sizes = [128, 1], strides = [1, 1]} : vector<128x64xf32> to vector<128x1xf32>
      %slice3A_1755 = vector.extract_strided_slice %get3A_13 {offsets = [52, 512], sizes = [1, 512], strides = [1, 1]} : vector<64x1024xf32> to vector<1x512xf32>
      %add3A_1756 = vector.broadcast %slice3A_1754 : vector<128x1xf32> to vector<128x512xf32>
      %add3A_1757 = vector.broadcast %slice3A_1755 : vector<1x512xf32> to vector<128x512xf32>
      %add3A_1758 = arith.addf %add3A_1756, %add3A_1757 : vector<128x512xf32>
      %get3A_1759 = arith.constant 52 : index
      %get3A_1760 = arith.constant 0 : index
      %get3A_1761 = vector.load %arg13[%get3A_1759, %get3A_1760] : memref<64x1xf32, #tpu.memory_space<vmem>>, vector<1x1xf32>
      %get3A_1762 = vector.extract %get3A_1761[0, 0] : f32 from vector<1x1xf32>
      %mul3A_1763 = arith.constant 4.000000e-01 : f32
      %mul3A_1764 = arith.mulf %mul3A_1763, %get3A_1762 : f32
      %abs3A_1765 = math.absf %add3A_1758 : vector<128x512xf32>
      %mul3A_1766 = vector.broadcast %mul3A_1764 : f32 to vector<128x512xf32>
      %mul3A_1767 = arith.mulf %mul3A_1766, %abs3A_1765 : vector<128x512xf32>
      %add3A_1768 = arith.addf %add3A_1753, %mul3A_1767 : vector<128x512xf32>
      %slice3A_1769 = vector.extract_strided_slice %get3A_10 {offsets = [0, 53], sizes = [128, 1], strides = [1, 1]} : vector<128x64xf32> to vector<128x1xf32>
      %slice3A_1770 = vector.extract_strided_slice %get3A_13 {offsets = [53, 512], sizes = [1, 512], strides = [1, 1]} : vector<64x1024xf32> to vector<1x512xf32>
      %add3A_1771 = vector.broadcast %slice3A_1769 : vector<128x1xf32> to vector<128x512xf32>
      %add3A_1772 = vector.broadcast %slice3A_1770 : vector<1x512xf32> to vector<128x512xf32>
      %add3A_1773 = arith.addf %add3A_1771, %add3A_1772 : vector<128x512xf32>
      %get3A_1774 = arith.constant 53 : index
      %get3A_1775 = arith.constant 0 : index
      %get3A_1776 = vector.load %arg13[%get3A_1774, %get3A_1775] : memref<64x1xf32, #tpu.memory_space<vmem>>, vector<1x1xf32>
      %get3A_1777 = vector.extract %get3A_1776[0, 0] : f32 from vector<1x1xf32>
      %mul3A_1778 = arith.constant 4.000000e-01 : f32
      %mul3A_1779 = arith.mulf %mul3A_1778, %get3A_1777 : f32
      %abs3A_1780 = math.absf %add3A_1773 : vector<128x512xf32>
      %mul3A_1781 = vector.broadcast %mul3A_1779 : f32 to vector<128x512xf32>
      %mul3A_1782 = arith.mulf %mul3A_1781, %abs3A_1780 : vector<128x512xf32>
      %add3A_1783 = arith.addf %add3A_1768, %mul3A_1782 : vector<128x512xf32>
      %slice3A_1784 = vector.extract_strided_slice %get3A_10 {offsets = [0, 54], sizes = [128, 1], strides = [1, 1]} : vector<128x64xf32> to vector<128x1xf32>
      %slice3A_1785 = vector.extract_strided_slice %get3A_13 {offsets = [54, 512], sizes = [1, 512], strides = [1, 1]} : vector<64x1024xf32> to vector<1x512xf32>
      %add3A_1786 = vector.broadcast %slice3A_1784 : vector<128x1xf32> to vector<128x512xf32>
      %add3A_1787 = vector.broadcast %slice3A_1785 : vector<1x512xf32> to vector<128x512xf32>
      %add3A_1788 = arith.addf %add3A_1786, %add3A_1787 : vector<128x512xf32>
      %get3A_1789 = arith.constant 54 : index
      %get3A_1790 = arith.constant 0 : index
      %get3A_1791 = vector.load %arg13[%get3A_1789, %get3A_1790] : memref<64x1xf32, #tpu.memory_space<vmem>>, vector<1x1xf32>
      %get3A_1792 = vector.extract %get3A_1791[0, 0] : f32 from vector<1x1xf32>
      %mul3A_1793 = arith.constant 4.000000e-01 : f32
      %mul3A_1794 = arith.mulf %mul3A_1793, %get3A_1792 : f32
      %abs3A_1795 = math.absf %add3A_1788 : vector<128x512xf32>
      %mul3A_1796 = vector.broadcast %mul3A_1794 : f32 to vector<128x512xf32>
      %mul3A_1797 = arith.mulf %mul3A_1796, %abs3A_1795 : vector<128x512xf32>
      %add3A_1798 = arith.addf %add3A_1783, %mul3A_1797 : vector<128x512xf32>
      %slice3A_1799 = vector.extract_strided_slice %get3A_10 {offsets = [0, 55], sizes = [128, 1], strides = [1, 1]} : vector<128x64xf32> to vector<128x1xf32>
      %slice3A_1800 = vector.extract_strided_slice %get3A_13 {offsets = [55, 512], sizes = [1, 512], strides = [1, 1]} : vector<64x1024xf32> to vector<1x512xf32>
      %add3A_1801 = vector.broadcast %slice3A_1799 : vector<128x1xf32> to vector<128x512xf32>
      %add3A_1802 = vector.broadcast %slice3A_1800 : vector<1x512xf32> to vector<128x512xf32>
      %add3A_1803 = arith.addf %add3A_1801, %add3A_1802 : vector<128x512xf32>
      %get3A_1804 = arith.constant 55 : index
      %get3A_1805 = arith.constant 0 : index
      %get3A_1806 = vector.load %arg13[%get3A_1804, %get3A_1805] : memref<64x1xf32, #tpu.memory_space<vmem>>, vector<1x1xf32>
      %get3A_1807 = vector.extract %get3A_1806[0, 0] : f32 from vector<1x1xf32>
      %mul3A_1808 = arith.constant 4.000000e-01 : f32
      %mul3A_1809 = arith.mulf %mul3A_1808, %get3A_1807 : f32
      %abs3A_1810 = math.absf %add3A_1803 : vector<128x512xf32>
      %mul3A_1811 = vector.broadcast %mul3A_1809 : f32 to vector<128x512xf32>
      %mul3A_1812 = arith.mulf %mul3A_1811, %abs3A_1810 : vector<128x512xf32>
      %add3A_1813 = arith.addf %add3A_1798, %mul3A_1812 : vector<128x512xf32>
      %slice3A_1814 = vector.extract_strided_slice %get3A_10 {offsets = [0, 56], sizes = [128, 1], strides = [1, 1]} : vector<128x64xf32> to vector<128x1xf32>
      %slice3A_1815 = vector.extract_strided_slice %get3A_13 {offsets = [56, 512], sizes = [1, 512], strides = [1, 1]} : vector<64x1024xf32> to vector<1x512xf32>
      %add3A_1816 = vector.broadcast %slice3A_1814 : vector<128x1xf32> to vector<128x512xf32>
      %add3A_1817 = vector.broadcast %slice3A_1815 : vector<1x512xf32> to vector<128x512xf32>
      %add3A_1818 = arith.addf %add3A_1816, %add3A_1817 : vector<128x512xf32>
      %get3A_1819 = arith.constant 56 : index
      %get3A_1820 = arith.constant 0 : index
      %get3A_1821 = vector.load %arg13[%get3A_1819, %get3A_1820] : memref<64x1xf32, #tpu.memory_space<vmem>>, vector<1x1xf32>
      %get3A_1822 = vector.extract %get3A_1821[0, 0] : f32 from vector<1x1xf32>
      %mul3A_1823 = arith.constant 4.000000e-01 : f32
      %mul3A_1824 = arith.mulf %mul3A_1823, %get3A_1822 : f32
      %abs3A_1825 = math.absf %add3A_1818 : vector<128x512xf32>
      %mul3A_1826 = vector.broadcast %mul3A_1824 : f32 to vector<128x512xf32>
      %mul3A_1827 = arith.mulf %mul3A_1826, %abs3A_1825 : vector<128x512xf32>
      %add3A_1828 = arith.addf %add3A_1813, %mul3A_1827 : vector<128x512xf32>
      %slice3A_1829 = vector.extract_strided_slice %get3A_10 {offsets = [0, 57], sizes = [128, 1], strides = [1, 1]} : vector<128x64xf32> to vector<128x1xf32>
      %slice3A_1830 = vector.extract_strided_slice %get3A_13 {offsets = [57, 512], sizes = [1, 512], strides = [1, 1]} : vector<64x1024xf32> to vector<1x512xf32>
      %add3A_1831 = vector.broadcast %slice3A_1829 : vector<128x1xf32> to vector<128x512xf32>
      %add3A_1832 = vector.broadcast %slice3A_1830 : vector<1x512xf32> to vector<128x512xf32>
      %add3A_1833 = arith.addf %add3A_1831, %add3A_1832 : vector<128x512xf32>
      %get3A_1834 = arith.constant 57 : index
      %get3A_1835 = arith.constant 0 : index
      %get3A_1836 = vector.load %arg13[%get3A_1834, %get3A_1835] : memref<64x1xf32, #tpu.memory_space<vmem>>, vector<1x1xf32>
      %get3A_1837 = vector.extract %get3A_1836[0, 0] : f32 from vector<1x1xf32>
      %mul3A_1838 = arith.constant 4.000000e-01 : f32
      %mul3A_1839 = arith.mulf %mul3A_1838, %get3A_1837 : f32
      %abs3A_1840 = math.absf %add3A_1833 : vector<128x512xf32>
      %mul3A_1841 = vector.broadcast %mul3A_1839 : f32 to vector<128x512xf32>
      %mul3A_1842 = arith.mulf %mul3A_1841, %abs3A_1840 : vector<128x512xf32>
      %add3A_1843 = arith.addf %add3A_1828, %mul3A_1842 : vector<128x512xf32>
      %slice3A_1844 = vector.extract_strided_slice %get3A_10 {offsets = [0, 58], sizes = [128, 1], strides = [1, 1]} : vector<128x64xf32> to vector<128x1xf32>
      %slice3A_1845 = vector.extract_strided_slice %get3A_13 {offsets = [58, 512], sizes = [1, 512], strides = [1, 1]} : vector<64x1024xf32> to vector<1x512xf32>
      %add3A_1846 = vector.broadcast %slice3A_1844 : vector<128x1xf32> to vector<128x512xf32>
      %add3A_1847 = vector.broadcast %slice3A_1845 : vector<1x512xf32> to vector<128x512xf32>
      %add3A_1848 = arith.addf %add3A_1846, %add3A_1847 : vector<128x512xf32>
      %get3A_1849 = arith.constant 58 : index
      %get3A_1850 = arith.constant 0 : index
      %get3A_1851 = vector.load %arg13[%get3A_1849, %get3A_1850] : memref<64x1xf32, #tpu.memory_space<vmem>>, vector<1x1xf32>
      %get3A_1852 = vector.extract %get3A_1851[0, 0] : f32 from vector<1x1xf32>
      %mul3A_1853 = arith.constant 4.000000e-01 : f32
      %mul3A_1854 = arith.mulf %mul3A_1853, %get3A_1852 : f32
      %abs3A_1855 = math.absf %add3A_1848 : vector<128x512xf32>
      %mul3A_1856 = vector.broadcast %mul3A_1854 : f32 to vector<128x512xf32>
      %mul3A_1857 = arith.mulf %mul3A_1856, %abs3A_1855 : vector<128x512xf32>
      %add3A_1858 = arith.addf %add3A_1843, %mul3A_1857 : vector<128x512xf32>
      %slice3A_1859 = vector.extract_strided_slice %get3A_10 {offsets = [0, 59], sizes = [128, 1], strides = [1, 1]} : vector<128x64xf32> to vector<128x1xf32>
      %slice3A_1860 = vector.extract_strided_slice %get3A_13 {offsets = [59, 512], sizes = [1, 512], strides = [1, 1]} : vector<64x1024xf32> to vector<1x512xf32>
      %add3A_1861 = vector.broadcast %slice3A_1859 : vector<128x1xf32> to vector<128x512xf32>
      %add3A_1862 = vector.broadcast %slice3A_1860 : vector<1x512xf32> to vector<128x512xf32>
      %add3A_1863 = arith.addf %add3A_1861, %add3A_1862 : vector<128x512xf32>
      %get3A_1864 = arith.constant 59 : index
      %get3A_1865 = arith.constant 0 : index
      %get3A_1866 = vector.load %arg13[%get3A_1864, %get3A_1865] : memref<64x1xf32, #tpu.memory_space<vmem>>, vector<1x1xf32>
      %get3A_1867 = vector.extract %get3A_1866[0, 0] : f32 from vector<1x1xf32>
      %mul3A_1868 = arith.constant 4.000000e-01 : f32
      %mul3A_1869 = arith.mulf %mul3A_1868, %get3A_1867 : f32
      %abs3A_1870 = math.absf %add3A_1863 : vector<128x512xf32>
      %mul3A_1871 = vector.broadcast %mul3A_1869 : f32 to vector<128x512xf32>
      %mul3A_1872 = arith.mulf %mul3A_1871, %abs3A_1870 : vector<128x512xf32>
      %add3A_1873 = arith.addf %add3A_1858, %mul3A_1872 : vector<128x512xf32>
      %slice3A_1874 = vector.extract_strided_slice %get3A_10 {offsets = [0, 60], sizes = [128, 1], strides = [1, 1]} : vector<128x64xf32> to vector<128x1xf32>
      %slice3A_1875 = vector.extract_strided_slice %get3A_13 {offsets = [60, 512], sizes = [1, 512], strides = [1, 1]} : vector<64x1024xf32> to vector<1x512xf32>
      %add3A_1876 = vector.broadcast %slice3A_1874 : vector<128x1xf32> to vector<128x512xf32>
      %add3A_1877 = vector.broadcast %slice3A_1875 : vector<1x512xf32> to vector<128x512xf32>
      %add3A_1878 = arith.addf %add3A_1876, %add3A_1877 : vector<128x512xf32>
      %get3A_1879 = arith.constant 60 : index
      %get3A_1880 = arith.constant 0 : index
      %get3A_1881 = vector.load %arg13[%get3A_1879, %get3A_1880] : memref<64x1xf32, #tpu.memory_space<vmem>>, vector<1x1xf32>
      %get3A_1882 = vector.extract %get3A_1881[0, 0] : f32 from vector<1x1xf32>
      %mul3A_1883 = arith.constant 4.000000e-01 : f32
      %mul3A_1884 = arith.mulf %mul3A_1883, %get3A_1882 : f32
      %abs3A_1885 = math.absf %add3A_1878 : vector<128x512xf32>
      %mul3A_1886 = vector.broadcast %mul3A_1884 : f32 to vector<128x512xf32>
      %mul3A_1887 = arith.mulf %mul3A_1886, %abs3A_1885 : vector<128x512xf32>
      %add3A_1888 = arith.addf %add3A_1873, %mul3A_1887 : vector<128x512xf32>
      %slice3A_1889 = vector.extract_strided_slice %get3A_10 {offsets = [0, 61], sizes = [128, 1], strides = [1, 1]} : vector<128x64xf32> to vector<128x1xf32>
      %slice3A_1890 = vector.extract_strided_slice %get3A_13 {offsets = [61, 512], sizes = [1, 512], strides = [1, 1]} : vector<64x1024xf32> to vector<1x512xf32>
      %add3A_1891 = vector.broadcast %slice3A_1889 : vector<128x1xf32> to vector<128x512xf32>
      %add3A_1892 = vector.broadcast %slice3A_1890 : vector<1x512xf32> to vector<128x512xf32>
      %add3A_1893 = arith.addf %add3A_1891, %add3A_1892 : vector<128x512xf32>
      %get3A_1894 = arith.constant 61 : index
      %get3A_1895 = arith.constant 0 : index
      %get3A_1896 = vector.load %arg13[%get3A_1894, %get3A_1895] : memref<64x1xf32, #tpu.memory_space<vmem>>, vector<1x1xf32>
      %get3A_1897 = vector.extract %get3A_1896[0, 0] : f32 from vector<1x1xf32>
      %mul3A_1898 = arith.constant 4.000000e-01 : f32
      %mul3A_1899 = arith.mulf %mul3A_1898, %get3A_1897 : f32
      %abs3A_1900 = math.absf %add3A_1893 : vector<128x512xf32>
      %mul3A_1901 = vector.broadcast %mul3A_1899 : f32 to vector<128x512xf32>
      %mul3A_1902 = arith.mulf %mul3A_1901, %abs3A_1900 : vector<128x512xf32>
      %add3A_1903 = arith.addf %add3A_1888, %mul3A_1902 : vector<128x512xf32>
      %slice3A_1904 = vector.extract_strided_slice %get3A_10 {offsets = [0, 62], sizes = [128, 1], strides = [1, 1]} : vector<128x64xf32> to vector<128x1xf32>
      %slice3A_1905 = vector.extract_strided_slice %get3A_13 {offsets = [62, 512], sizes = [1, 512], strides = [1, 1]} : vector<64x1024xf32> to vector<1x512xf32>
      %add3A_1906 = vector.broadcast %slice3A_1904 : vector<128x1xf32> to vector<128x512xf32>
      %add3A_1907 = vector.broadcast %slice3A_1905 : vector<1x512xf32> to vector<128x512xf32>
      %add3A_1908 = arith.addf %add3A_1906, %add3A_1907 : vector<128x512xf32>
      %get3A_1909 = arith.constant 62 : index
      %get3A_1910 = arith.constant 0 : index
      %get3A_1911 = vector.load %arg13[%get3A_1909, %get3A_1910] : memref<64x1xf32, #tpu.memory_space<vmem>>, vector<1x1xf32>
      %get3A_1912 = vector.extract %get3A_1911[0, 0] : f32 from vector<1x1xf32>
      %mul3A_1913 = arith.constant 4.000000e-01 : f32
      %mul3A_1914 = arith.mulf %mul3A_1913, %get3A_1912 : f32
      %abs3A_1915 = math.absf %add3A_1908 : vector<128x512xf32>
      %mul3A_1916 = vector.broadcast %mul3A_1914 : f32 to vector<128x512xf32>
      %mul3A_1917 = arith.mulf %mul3A_1916, %abs3A_1915 : vector<128x512xf32>
      %add3A_1918 = arith.addf %add3A_1903, %mul3A_1917 : vector<128x512xf32>
      %slice3A_1919 = vector.extract_strided_slice %get3A_10 {offsets = [0, 63], sizes = [128, 1], strides = [1, 1]} : vector<128x64xf32> to vector<128x1xf32>
      %slice3A_1920 = vector.extract_strided_slice %get3A_13 {offsets = [63, 512], sizes = [1, 512], strides = [1, 1]} : vector<64x1024xf32> to vector<1x512xf32>
      %add3A_1921 = vector.broadcast %slice3A_1919 : vector<128x1xf32> to vector<128x512xf32>
      %add3A_1922 = vector.broadcast %slice3A_1920 : vector<1x512xf32> to vector<128x512xf32>
      %add3A_1923 = arith.addf %add3A_1921, %add3A_1922 : vector<128x512xf32>
      %get3A_1924 = arith.constant 63 : index
      %get3A_1925 = arith.constant 0 : index
      %get3A_1926 = vector.load %arg13[%get3A_1924, %get3A_1925] : memref<64x1xf32, #tpu.memory_space<vmem>>, vector<1x1xf32>
      %get3A_1927 = vector.extract %get3A_1926[0, 0] : f32 from vector<1x1xf32>
      %mul3A_1928 = arith.constant 4.000000e-01 : f32
      %mul3A_1929 = arith.mulf %mul3A_1928, %get3A_1927 : f32
      %abs3A_1930 = math.absf %add3A_1923 : vector<128x512xf32>
      %mul3A_1931 = vector.broadcast %mul3A_1929 : f32 to vector<128x512xf32>
      %mul3A_1932 = arith.mulf %mul3A_1931, %abs3A_1930 : vector<128x512xf32>
      %add3A_1933 = arith.addf %add3A_1918, %mul3A_1932 : vector<128x512xf32>
      %concatenate3A = tpu.concatenate %add3A_971, %add3A_1933 in 1 : vector<128x512xf32>, vector<128x512xf32> -> vector<128x1024xf32>
      %get3A_1934 = arith.index_cast %multiple_of3A : i32 to index
      %get3A_1935 = arith.constant 0 : index
      %get3A_1936 = vector.load %arg24[%get3A_1934, %get3A_1935] : memref<1024x1xf32, #tpu.memory_space<vmem>>, vector<128x1xf32>
      %add3A_1937 = vector.broadcast %get3A_1936 : vector<128x1xf32> to vector<128x1024xf32>
      %add3A_1938 = arith.addf %concatenate3A, %add3A_1937 : vector<128x1024xf32>
      %get3A_1939 = arith.constant 0 : index
      %get3A_1940 = arith.constant 0 : index
      %get3A_1941 = vector.load %arg25[%get3A_1939, %get3A_1940] : memref<1x1024xf32, #tpu.memory_space<vmem>>, vector<1x1024xf32>
      %add3A_1942 = vector.broadcast %get3A_1941 : vector<1x1024xf32> to vector<128x1024xf32>
      %add3A_1943 = arith.addf %add3A_1938, %add3A_1942 : vector<128x1024xf32>
      %iota3A = tpu.iota {dimensions = array<i32: 0>} : vector<128x1024xi32>
      %add3A_1944 = vector.broadcast %multiple_of3A : i32 to vector<128x1024xi32>
      %add3A_1945 = arith.addi %add3A_1944, %iota3A : vector<128x1024xi32>
      %iota3A_1946 = tpu.iota {dimensions = array<i32: 1>} : vector<128x1024xi32>
      %iota3A_1947 = tpu.iota {dimensions = array<i32: 0>} : vector<128x1xi32>
      %add3A_1948 = vector.broadcast %multiple_of3A : i32 to vector<128x1xi32>
      %add3A_1949 = arith.addi %add3A_1948, %iota3A_1947 : vector<128x1xi32>
      %ge3A_1950 = arith.constant 949 : i32
      %ge3A_1951 = vector.broadcast %ge3A_1950 : i32 to vector<128x1xi32>
      %ge3A_1952 = arith.cmpi sge, %add3A_1949, %ge3A_1951 : vector<128x1xi32>
      %sub3A_1953 = arith.constant 948 : i32
      %sub3A_1954 = vector.broadcast %sub3A_1953 : i32 to vector<128x1xi32>
      %sub3A_1955 = arith.subi %sub3A_1954, %add3A_1949 : vector<128x1xi32>
      %get3A_1956 = arith.index_cast %multiple_of3A : i32 to index
      %get3A_1957 = arith.constant 0 : index
      %get3A_1958 = vector.load %arg1[%get3A_1956, %get3A_1957] : memref<1024x1xi32, #tpu.memory_space<vmem>>, vector<128x1xi32>
      %select_n3A = arith.select %ge3A_1952, %sub3A_1955, %get3A_1958 : vector<128x1xi1>, vector<128x1xi32>
      %iota3A_1959 = tpu.iota {dimensions = array<i32: 1>} : vector<1x1024xi32>
      %ge3A_1960 = arith.constant 949 : i32
      %ge3A_1961 = vector.broadcast %ge3A_1960 : i32 to vector<1x1024xi32>
      %ge3A_1962 = arith.cmpi sge, %iota3A_1959, %ge3A_1961 : vector<1x1024xi32>
      %sub3A_1963 = arith.constant 948 : i32
      %sub3A_1964 = vector.broadcast %sub3A_1963 : i32 to vector<1x1024xi32>
      %sub3A_1965 = arith.subi %sub3A_1964, %iota3A_1959 : vector<1x1024xi32>
      %get3A_1966 = arith.constant 0 : index
      %get3A_1967 = arith.constant 0 : index
      %get3A_1968 = vector.load %arg2[%get3A_1966, %get3A_1967] : memref<1x1024xi32, #tpu.memory_space<vmem>>, vector<1x1024xi32>
      %select_n3A_1969 = arith.select %ge3A_1962, %sub3A_1965, %get3A_1968 : vector<1x1024xi1>, vector<1x1024xi32>
      %ne3A = vector.broadcast %select_n3A : vector<128x1xi32> to vector<128x1024xi32>
      %ne3A_1970 = vector.broadcast %select_n3A_1969 : vector<1x1024xi32> to vector<128x1024xi32>
      %ne3A_1971 = arith.cmpi ne, %ne3A, %ne3A_1970 : vector<128x1024xi32>
      %eq3A_1972 = arith.cmpi eq, %add3A_1945, %iota3A_1946 : vector<128x1024xi32>
      %or3A = arith.ori %ne3A_1971, %eq3A_1972 : vector<128x1024xi1>
      %jit3A = arith.constant -1.000000e+09 : f32
      %broadcast_in_dim3A_1973 = vector.broadcast %jit3A : f32 to vector<128x1024xf32>
      %select_n3A_1974 = arith.select %or3A, %add3A_1943, %broadcast_in_dim3A_1973 : vector<128x1024xi1>, vector<128x1024xf32>
      %reduce_max3A = arith.constant dense<0xFF800000> : vector<128xf32>
      %reduce_max3A_1975 = vector.multi_reduction <maximumf>, %select_n3A_1974, %reduce_max3A [1] : vector<128x1024xf32> to vector<128xf32>
      %broadcast_in_dim3A_1976 = vector.shape_cast %reduce_max3A_1975 : vector<128xf32> to vector<128x1xf32>
      %sub3A_1977 = vector.broadcast %broadcast_in_dim3A_1976 : vector<128x1xf32> to vector<128x1024xf32>
      %sub3A_1978 = arith.subf %select_n3A_1974, %sub3A_1977 : vector<128x1024xf32>
      %exp3A = math.exp %sub3A_1978 : vector<128x1024xf32>
      %reduce_sum3A = arith.constant dense<0.000000e+00> : vector<128xf32>
      %reduce_sum3A_1979 = vector.multi_reduction <add>, %exp3A, %reduce_sum3A [1] : vector<128x1024xf32> to vector<128xf32>
      %broadcast_in_dim3A_1980 = vector.shape_cast %reduce_sum3A_1979 : vector<128xf32> to vector<128x1xf32>
      %div3A = vector.broadcast %broadcast_in_dim3A_1980 : vector<128x1xf32> to vector<128x1024xf32>
      %div3A_1981 = arith.divf %exp3A, %div3A : vector<128x1024xf32>
      %get3A_1982 = arith.constant 0 : index
      %get3A_1983 = arith.constant 0 : index
      %get3A_1984 = vector.load %arg22[%get3A_1982, %get3A_1983] : memref<1024x64xf32, #tpu.memory_space<vmem>>, vector<1024x64xf32>
      %dot_general3A = arith.constant dense<0.000000e+00> : vector<128x64xf32>
      %dot_general3A_1985 = tpu.matmul %div3A_1981, %get3A_1984, %dot_general3A {dimension_numbers = #tpu.dot_dimension_numbers<[1], [0], [0], [1], [0, 0, 1, 1], [], []>, precision = #tpu.contract_precision<fp32>, transpose_lhs_hint = false} : vector<128x1024xf32>, vector<1024x64xf32>, vector<128x64xf32> -> vector<128x64xf32>
      %get3A_1986 = arith.constant 0 : index
      %get3A_1987 = arith.constant 0 : index
      %get3A_1988 = vector.load %arg14[%get3A_1986, %get3A_1987] : memref<1x64xf32, #tpu.memory_space<vmem>>, vector<1x64xf32>
      %add3A_1989 = vector.broadcast %get3A_1988 : vector<1x64xf32> to vector<128x64xf32>
      %add3A_1990 = arith.addf %dot_general3A_1985, %add3A_1989 : vector<128x64xf32>
      %gt3A = arith.constant 0.000000e+00 : f32
      %gt3A_1991 = vector.broadcast %gt3A : f32 to vector<128x64xf32>
      %gt3A_1992 = arith.cmpf ogt, %add3A_1990, %gt3A_1991 : vector<128x64xf32>
      %min3A = arith.constant 0.000000e+00 : f32
      %min3A_1993 = vector.broadcast %min3A : f32 to vector<128x64xf32>
      %min3A_1994 = arith.minimumf %add3A_1990, %min3A_1993 : vector<128x64xf32>
      %exp3A_1995 = math.exp %min3A_1994 : vector<128x64xf32>
      %sub3A_1996 = arith.constant 1.000000e+00 : f32
      %sub3A_1997 = vector.broadcast %sub3A_1996 : f32 to vector<128x64xf32>
      %sub3A_1998 = arith.subf %exp3A_1995, %sub3A_1997 : vector<128x64xf32>
      %select_n3A_1999 = arith.select %gt3A_1992, %add3A_1990, %sub3A_1998 : vector<128x64xi1>, vector<128x64xf32>
      %iota3A_2000 = tpu.iota {dimensions = array<i32: 0>} : vector<64x15xi32>
      %iota3A_2001 = tpu.iota {dimensions = array<i32: 1>} : vector<64x15xi32>
      %mul3A_2002 = arith.constant 4 : i32
      %mul3A_2003 = vector.broadcast %mul3A_2002 : i32 to vector<64x15xi32>
      %mul3A_2004 = arith.muli %mul3A_2003, %iota3A_2001 : vector<64x15xi32>
      %sub3A_2005 = arith.subi %iota3A_2000, %mul3A_2004 : vector<64x15xi32>
      %broadcast_in_dim3A_2006 = arith.constant 0.000000e+00 : f32
      %broadcast_in_dim3A_2007 = vector.broadcast %broadcast_in_dim3A_2006 : f32 to vector<64x15xf32>
      %get3A_2008 = arith.constant 0 : index
      %get3A_2009 = arith.constant 0 : index
      %get3A_2010 = vector.load %arg15[%get3A_2008, %get3A_2009] : memref<8x1xf32, #tpu.memory_space<vmem>>, vector<1x1xf32>
      %get3A_2011 = vector.extract %get3A_2010[0, 0] : f32 from vector<1x1xf32>
      %eq3A_2012 = arith.constant 0 : i32
      %eq3A_2013 = vector.broadcast %eq3A_2012 : i32 to vector<64x15xi32>
      %eq3A_2014 = arith.cmpi eq, %sub3A_2005, %eq3A_2013 : vector<64x15xi32>
      %convert_element_type3A_2015 = arith.extui %eq3A_2014 : vector<64x15xi1> to vector<64x15xi32>
      %convert_element_type3A_2016 = arith.sitofp %convert_element_type3A_2015 : vector<64x15xi32> to vector<64x15xf32>
      %mul3A_2017 = vector.broadcast %get3A_2011 : f32 to vector<64x15xf32>
      %mul3A_2018 = arith.mulf %mul3A_2017, %convert_element_type3A_2016 : vector<64x15xf32>
      %add3A_2019 = arith.addf %broadcast_in_dim3A_2007, %mul3A_2018 : vector<64x15xf32>
      %get3A_2020 = arith.constant 1 : index
      %get3A_2021 = arith.constant 0 : index
      %get3A_2022 = vector.load %arg15[%get3A_2020, %get3A_2021] : memref<8x1xf32, #tpu.memory_space<vmem>>, vector<1x1xf32>
      %get3A_2023 = vector.extract %get3A_2022[0, 0] : f32 from vector<1x1xf32>
      %eq3A_2024 = arith.constant 1 : i32
      %eq3A_2025 = vector.broadcast %eq3A_2024 : i32 to vector<64x15xi32>
      %eq3A_2026 = arith.cmpi eq, %sub3A_2005, %eq3A_2025 : vector<64x15xi32>
      %convert_element_type3A_2027 = arith.extui %eq3A_2026 : vector<64x15xi1> to vector<64x15xi32>
      %convert_element_type3A_2028 = arith.sitofp %convert_element_type3A_2027 : vector<64x15xi32> to vector<64x15xf32>
      %mul3A_2029 = vector.broadcast %get3A_2023 : f32 to vector<64x15xf32>
      %mul3A_2030 = arith.mulf %mul3A_2029, %convert_element_type3A_2028 : vector<64x15xf32>
      %add3A_2031 = arith.addf %add3A_2019, %mul3A_2030 : vector<64x15xf32>
      %get3A_2032 = arith.constant 2 : index
      %get3A_2033 = arith.constant 0 : index
      %get3A_2034 = vector.load %arg15[%get3A_2032, %get3A_2033] : memref<8x1xf32, #tpu.memory_space<vmem>>, vector<1x1xf32>
      %get3A_2035 = vector.extract %get3A_2034[0, 0] : f32 from vector<1x1xf32>
      %eq3A_2036 = arith.constant 2 : i32
      %eq3A_2037 = vector.broadcast %eq3A_2036 : i32 to vector<64x15xi32>
      %eq3A_2038 = arith.cmpi eq, %sub3A_2005, %eq3A_2037 : vector<64x15xi32>
      %convert_element_type3A_2039 = arith.extui %eq3A_2038 : vector<64x15xi1> to vector<64x15xi32>
      %convert_element_type3A_2040 = arith.sitofp %convert_element_type3A_2039 : vector<64x15xi32> to vector<64x15xf32>
      %mul3A_2041 = vector.broadcast %get3A_2035 : f32 to vector<64x15xf32>
      %mul3A_2042 = arith.mulf %mul3A_2041, %convert_element_type3A_2040 : vector<64x15xf32>
      %add3A_2043 = arith.addf %add3A_2031, %mul3A_2042 : vector<64x15xf32>
      %get3A_2044 = arith.constant 3 : index
      %get3A_2045 = arith.constant 0 : index
      %get3A_2046 = vector.load %arg15[%get3A_2044, %get3A_2045] : memref<8x1xf32, #tpu.memory_space<vmem>>, vector<1x1xf32>
      %get3A_2047 = vector.extract %get3A_2046[0, 0] : f32 from vector<1x1xf32>
      %eq3A_2048 = arith.constant 3 : i32
      %eq3A_2049 = vector.broadcast %eq3A_2048 : i32 to vector<64x15xi32>
      %eq3A_2050 = arith.cmpi eq, %sub3A_2005, %eq3A_2049 : vector<64x15xi32>
      %convert_element_type3A_2051 = arith.extui %eq3A_2050 : vector<64x15xi1> to vector<64x15xi32>
      %convert_element_type3A_2052 = arith.sitofp %convert_element_type3A_2051 : vector<64x15xi32> to vector<64x15xf32>
      %mul3A_2053 = vector.broadcast %get3A_2047 : f32 to vector<64x15xf32>
      %mul3A_2054 = arith.mulf %mul3A_2053, %convert_element_type3A_2052 : vector<64x15xf32>
      %add3A_2055 = arith.addf %add3A_2043, %mul3A_2054 : vector<64x15xf32>
      %get3A_2056 = arith.constant 4 : index
      %get3A_2057 = arith.constant 0 : index
      %get3A_2058 = vector.load %arg15[%get3A_2056, %get3A_2057] : memref<8x1xf32, #tpu.memory_space<vmem>>, vector<1x1xf32>
      %get3A_2059 = vector.extract %get3A_2058[0, 0] : f32 from vector<1x1xf32>
      %eq3A_2060 = arith.constant 4 : i32
      %eq3A_2061 = vector.broadcast %eq3A_2060 : i32 to vector<64x15xi32>
      %eq3A_2062 = arith.cmpi eq, %sub3A_2005, %eq3A_2061 : vector<64x15xi32>
      %convert_element_type3A_2063 = arith.extui %eq3A_2062 : vector<64x15xi1> to vector<64x15xi32>
      %convert_element_type3A_2064 = arith.sitofp %convert_element_type3A_2063 : vector<64x15xi32> to vector<64x15xf32>
      %mul3A_2065 = vector.broadcast %get3A_2059 : f32 to vector<64x15xf32>
      %mul3A_2066 = arith.mulf %mul3A_2065, %convert_element_type3A_2064 : vector<64x15xf32>
      %add3A_2067 = arith.addf %add3A_2055, %mul3A_2066 : vector<64x15xf32>
      %get3A_2068 = arith.constant 5 : index
      %get3A_2069 = arith.constant 0 : index
      %get3A_2070 = vector.load %arg15[%get3A_2068, %get3A_2069] : memref<8x1xf32, #tpu.memory_space<vmem>>, vector<1x1xf32>
      %get3A_2071 = vector.extract %get3A_2070[0, 0] : f32 from vector<1x1xf32>
      %eq3A_2072 = arith.constant 5 : i32
      %eq3A_2073 = vector.broadcast %eq3A_2072 : i32 to vector<64x15xi32>
      %eq3A_2074 = arith.cmpi eq, %sub3A_2005, %eq3A_2073 : vector<64x15xi32>
      %convert_element_type3A_2075 = arith.extui %eq3A_2074 : vector<64x15xi1> to vector<64x15xi32>
      %convert_element_type3A_2076 = arith.sitofp %convert_element_type3A_2075 : vector<64x15xi32> to vector<64x15xf32>
      %mul3A_2077 = vector.broadcast %get3A_2071 : f32 to vector<64x15xf32>
      %mul3A_2078 = arith.mulf %mul3A_2077, %convert_element_type3A_2076 : vector<64x15xf32>
      %add3A_2079 = arith.addf %add3A_2067, %mul3A_2078 : vector<64x15xf32>
      %get3A_2080 = arith.constant 6 : index
      %get3A_2081 = arith.constant 0 : index
      %get3A_2082 = vector.load %arg15[%get3A_2080, %get3A_2081] : memref<8x1xf32, #tpu.memory_space<vmem>>, vector<1x1xf32>
      %get3A_2083 = vector.extract %get3A_2082[0, 0] : f32 from vector<1x1xf32>
      %eq3A_2084 = arith.constant 6 : i32
      %eq3A_2085 = vector.broadcast %eq3A_2084 : i32 to vector<64x15xi32>
      %eq3A_2086 = arith.cmpi eq, %sub3A_2005, %eq3A_2085 : vector<64x15xi32>
      %convert_element_type3A_2087 = arith.extui %eq3A_2086 : vector<64x15xi1> to vector<64x15xi32>
      %convert_element_type3A_2088 = arith.sitofp %convert_element_type3A_2087 : vector<64x15xi32> to vector<64x15xf32>
      %mul3A_2089 = vector.broadcast %get3A_2083 : f32 to vector<64x15xf32>
      %mul3A_2090 = arith.mulf %mul3A_2089, %convert_element_type3A_2088 : vector<64x15xf32>
      %add3A_2091 = arith.addf %add3A_2079, %mul3A_2090 : vector<64x15xf32>
      %get3A_2092 = arith.constant 7 : index
      %get3A_2093 = arith.constant 0 : index
      %get3A_2094 = vector.load %arg15[%get3A_2092, %get3A_2093] : memref<8x1xf32, #tpu.memory_space<vmem>>, vector<1x1xf32>
      %get3A_2095 = vector.extract %get3A_2094[0, 0] : f32 from vector<1x1xf32>
      %eq3A_2096 = arith.constant 7 : i32
      %eq3A_2097 = vector.broadcast %eq3A_2096 : i32 to vector<64x15xi32>
      %eq3A_2098 = arith.cmpi eq, %sub3A_2005, %eq3A_2097 : vector<64x15xi32>
      %convert_element_type3A_2099 = arith.extui %eq3A_2098 : vector<64x15xi1> to vector<64x15xi32>
      %convert_element_type3A_2100 = arith.sitofp %convert_element_type3A_2099 : vector<64x15xi32> to vector<64x15xf32>
      %mul3A_2101 = vector.broadcast %get3A_2095 : f32 to vector<64x15xf32>
      %mul3A_2102 = arith.mulf %mul3A_2101, %convert_element_type3A_2100 : vector<64x15xf32>
      %add3A_2103 = arith.addf %add3A_2091, %mul3A_2102 : vector<64x15xf32>
      %dot_general3A_2104 = arith.constant dense<0.000000e+00> : vector<128x15xf32>
      %dot_general3A_2105 = tpu.matmul %select_n3A_1999, %add3A_2103, %dot_general3A_2104 {dimension_numbers = #tpu.dot_dimension_numbers<[1], [0], [0], [1], [0, 0, 1, 1], [], []>, precision = #tpu.contract_precision<fp32>, transpose_lhs_hint = false} : vector<128x64xf32>, vector<64x15xf32>, vector<128x15xf32> -> vector<128x15xf32>
      %get3A_2106 = arith.constant 0 : index
      %get3A_2107 = arith.constant 0 : index
      %get3A_2108 = vector.load %arg16[%get3A_2106, %get3A_2107] : memref<1x1xf32, #tpu.memory_space<vmem>>, vector<1x1xf32>
      %get3A_2109 = vector.extract %get3A_2108[0, 0] : f32 from vector<1x1xf32>
      %add3A_2110 = vector.broadcast %get3A_2109 : f32 to vector<128x15xf32>
      %add3A_2111 = arith.addf %dot_general3A_2105, %add3A_2110 : vector<128x15xf32>
      %neg3A = arith.constant 0.000000e+00 : f32
      %neg3A_2112 = vector.broadcast %neg3A : f32 to vector<128x15xf32>
      %neg3A_2113 = arith.subf %neg3A_2112, %add3A_2111 : vector<128x15xf32>
      %exp3A_2114 = math.exp %neg3A_2113 : vector<128x15xf32>
      %add3A_2115 = arith.constant 1.000000e+00 : f32
      %add3A_2116 = vector.broadcast %add3A_2115 : f32 to vector<128x15xf32>
      %add3A_2117 = arith.addf %add3A_2116, %exp3A_2114 : vector<128x15xf32>
      %div3A_2118 = arith.constant 1.000000e+00 : f32
      %div3A_2119 = vector.broadcast %div3A_2118 : f32 to vector<128x15xf32>
      %div3A_2120 = arith.divf %div3A_2119, %add3A_2117 : vector<128x15xf32>
      %get3A_2121 = arith.constant 0 : index
      %get3A_2122 = arith.constant 0 : index
      %get3A_2123 = vector.load %arg17[%get3A_2121, %get3A_2122] : memref<79x5xf32, #tpu.memory_space<vmem>>, vector<79x5xf32>
      %get3A_2124 = arith.index_cast %multiple_of3A : i32 to index
      %get3A_2125 = arith.constant 0 : index
      %get3A_2126 = vector.load %arg20[%get3A_2124, %get3A_2125] : memref<1024x64xf32, #tpu.memory_space<vmem>>, vector<128x64xf32>
      %slice3A_2127 = vector.extract_strided_slice %get3A_2123 {offsets = [0, 0], sizes = [64, 5], strides = [1, 1]} : vector<79x5xf32> to vector<64x5xf32>
      %dot_general3A_2128 = arith.constant dense<0.000000e+00> : vector<128x5xf32>
      %dot_general3A_2129 = tpu.matmul %get3A_2126, %slice3A_2127, %dot_general3A_2128 {dimension_numbers = #tpu.dot_dimension_numbers<[1], [0], [0], [1], [0, 0, 1, 1], [], []>, precision = #tpu.contract_precision<fp32>, transpose_lhs_hint = false} : vector<128x64xf32>, vector<64x5xf32>, vector<128x5xf32> -> vector<128x5xf32>
      %slice3A_2130 = vector.extract_strided_slice %get3A_2123 {offsets = [64, 0], sizes = [15, 5], strides = [1, 1]} : vector<79x5xf32> to vector<15x5xf32>
      %dot_general3A_2131 = arith.constant dense<0.000000e+00> : vector<128x5xf32>
      %dot_general3A_2132 = tpu.matmul %div3A_2120, %slice3A_2130, %dot_general3A_2131 {dimension_numbers = #tpu.dot_dimension_numbers<[1], [0], [0], [1], [0, 0, 1, 1], [], []>, precision = #tpu.contract_precision<fp32>, transpose_lhs_hint = false} : vector<128x15xf32>, vector<15x5xf32>, vector<128x5xf32> -> vector<128x5xf32>
      %add3A_2133 = arith.addf %dot_general3A_2129, %dot_general3A_2132 : vector<128x5xf32>
      %iota3A_2134 = tpu.iota {dimensions = array<i32: 1>} : vector<1x5xi32>
      %get3A_2135 = arith.index_cast %multiple_of3A : i32 to index
      %get3A_2136 = arith.constant 0 : index
      %get3A_2137 = vector.load %arg1[%get3A_2135, %get3A_2136] : memref<1024x1xi32, #tpu.memory_space<vmem>>, vector<128x1xi32>
      %eq3A_2138 = vector.broadcast %get3A_2137 : vector<128x1xi32> to vector<128x5xi32>
      %eq3A_2139 = vector.broadcast %iota3A_2134 : vector<1x5xi32> to vector<128x5xi32>
      %eq3A_2140 = arith.cmpi eq, %eq3A_2138, %eq3A_2139 : vector<128x5xi32>
      %convert_element_type3A_2141 = arith.extui %eq3A_2140 : vector<128x5xi1> to vector<128x5xi32>
      %convert_element_type3A_2142 = arith.sitofp %convert_element_type3A_2141 : vector<128x5xi32> to vector<128x5xf32>
      %dot_general3A_2143 = arith.constant dense<0.000000e+00> : vector<5x5xf32>
      %dot_general3A_2144 = tpu.matmul %convert_element_type3A_2142, %add3A_2133, %dot_general3A_2143 {dimension_numbers = #tpu.dot_dimension_numbers<[0], [0], [1], [1], [0, 1, 1, 1], [], []>, precision = #tpu.contract_precision<fp32>, transpose_lhs_hint = false} : vector<128x5xf32>, vector<128x5xf32>, vector<5x5xf32> -> vector<5x5xf32>
      %eq3A_2145 = arith.constant 1 : i32
      %eq3A_2146 = arith.cmpi eq, %arg0, %eq3A_2145 : i32
      %convert_element_type3A_2147 = arith.extui %eq3A_2146 : i1 to i32
      %cond3A_2148 = arith.constant 0 : i32
      %cond3A_2149 = arith.cmpi ne, %convert_element_type3A_2147, %cond3A_2148 : i32
      scf.if %cond3A_2149 {
        %swap3A = arith.constant 0 : index
        %swap3A_2160 = arith.constant 0 : index
        %swap3A_2161 = vector.load %arg26[%swap3A, %swap3A_2160] : memref<5x5xf32, #tpu.memory_space<vmem>>, vector<5x5xf32>
        tpu.vector_store %arg26[%swap3A, %swap3A_2160], %dot_general3A_2144 {strides = array<i32>} : memref<5x5xf32, #tpu.memory_space<vmem>>, vector<5x5xf32>,
      } else {
      }
      %gt3A_2150 = arith.constant 1 : i32
      %gt3A_2151 = arith.cmpi sgt, %arg0, %gt3A_2150 : i32
      %convert_element_type3A_2152 = arith.extui %gt3A_2151 : i1 to i32
      %cond3A_2153 = arith.constant 0 : i32
      %cond3A_2154 = arith.cmpi ne, %convert_element_type3A_2152, %cond3A_2153 : i32
      scf.if %cond3A_2154 {
        %get3A_2160 = arith.constant 0 : index
        %get3A_2161 = arith.constant 0 : index
        %get3A_2162 = vector.load %arg26[%get3A_2160, %get3A_2161] : memref<5x5xf32, #tpu.memory_space<vmem>>, vector<5x5xf32>
        %add3A_2163 = arith.addf %get3A_2162, %dot_general3A_2144 : vector<5x5xf32>
        %swap3A = arith.constant 0 : index
        %swap3A_2164 = arith.constant 0 : index
        %swap3A_2165 = vector.load %arg26[%swap3A, %swap3A_2164] : memref<5x5xf32, #tpu.memory_space<vmem>>, vector<5x5xf32>
        tpu.vector_store %arg26[%swap3A, %swap3A_2164], %add3A_2163 {strides = array<i32>} : memref<5x5xf32, #tpu.memory_space<vmem>>, vector<5x5xf32>,
      } else {
      }
      %eq3A_2155 = arith.constant 8 : i32
      %eq3A_2156 = arith.cmpi eq, %arg0, %eq3A_2155 : i32
      %convert_element_type3A_2157 = arith.extui %eq3A_2156 : i1 to i32
      %cond3A_2158 = arith.constant 0 : i32
      %cond3A_2159 = arith.cmpi ne, %convert_element_type3A_2157, %cond3A_2158 : i32
      scf.if %cond3A_2159 {
        %get3A_2160 = arith.constant 0 : index
        %get3A_2161 = arith.constant 0 : index
        %get3A_2162 = vector.load %arg1[%get3A_2160, %get3A_2161] : memref<1024x1xi32, #tpu.memory_space<vmem>>, vector<1024x1xi32>
        %eq3A_2163 = vector.broadcast %get3A_2162 : vector<1024x1xi32> to vector<1024x5xi32>
        %eq3A_2164 = vector.broadcast %iota3A_2134 : vector<1x5xi32> to vector<1024x5xi32>
        %eq3A_2165 = arith.cmpi eq, %eq3A_2163, %eq3A_2164 : vector<1024x5xi32>
        %convert_element_type3A_2166 = arith.extui %eq3A_2165 : vector<1024x5xi1> to vector<1024x5xi32>
        %convert_element_type3A_2167 = arith.sitofp %convert_element_type3A_2166 : vector<1024x5xi32> to vector<1024x5xf32>
        %broadcast_in_dim3A_2168 = arith.constant 1.000000e+00 : f32
        %broadcast_in_dim3A_2169 = vector.broadcast %broadcast_in_dim3A_2168 : f32 to vector<1024x1xf32>
        %dot_general3A_2170 = arith.constant dense<0.000000e+00> : vector<5x1xf32>
        %dot_general3A_2171 = tpu.matmul %convert_element_type3A_2167, %broadcast_in_dim3A_2169, %dot_general3A_2170 {dimension_numbers = #tpu.dot_dimension_numbers<[0], [0], [1], [1], [0, 1, 1, 1], [], []>, precision = #tpu.contract_precision<fp32>, transpose_lhs_hint = false} : vector<1024x5xf32>, vector<1024x1xf32>, vector<5x1xf32> -> vector<5x1xf32>
        %max3A = arith.constant 1.000000e+00 : f32
        %max3A_2172 = vector.broadcast %max3A : f32 to vector<5x1xf32>
        %max3A_2173 = arith.maximumf %dot_general3A_2171, %max3A_2172 : vector<5x1xf32>
        %broadcast_in_dim3A_2174 = arith.constant 0.000000e+00 : f32
        %broadcast_in_dim3A_2175 = vector.broadcast %broadcast_in_dim3A_2174 : f32 to vector<5x128xf32>
        %swap3A = arith.constant 0 : index
        %swap3A_2176 = arith.constant 0 : index
        %swap3A_2177 = vector.load %arg19[%swap3A, %swap3A_2176] : memref<5x128xf32, #tpu.memory_space<vmem>>, vector<5x128xf32>
        tpu.vector_store %arg19[%swap3A, %swap3A_2176], %broadcast_in_dim3A_2175 {strides = array<i32>} : memref<5x128xf32, #tpu.memory_space<vmem>>, vector<5x128xf32>,
        %get3A_2178 = arith.constant 0 : index
        %get3A_2179 = arith.constant 0 : index
        %get3A_2180 = vector.load %arg26[%get3A_2178, %get3A_2179] : memref<5x5xf32, #tpu.memory_space<vmem>>, vector<5x5xf32>
        %div3A_2181 = vector.broadcast %max3A_2173 : vector<5x1xf32> to vector<5x5xf32>
        %div3A_2182 = arith.divf %get3A_2180, %div3A_2181 : vector<5x5xf32>
        %get3A_2183 = arith.constant 0 : index
        %get3A_2184 = arith.constant 0 : index
        %get3A_2185 = vector.load %arg18[%get3A_2183, %get3A_2184] : memref<1x5xf32, #tpu.memory_space<vmem>>, vector<1x5xf32>
        %add3A_2186 = vector.broadcast %get3A_2185 : vector<1x5xf32> to vector<5x5xf32>
        %add3A_2187 = arith.addf %div3A_2182, %add3A_2186 : vector<5x5xf32>
        %swap3A_2188 = arith.constant 0 : index
        %swap3A_2189 = arith.constant 0 : index
        %swap3A_2190 = vector.load %arg19[%swap3A_2188, %swap3A_2189] : memref<5x128xf32, #tpu.memory_space<vmem>>, vector<5x5xf32>
        tpu.vector_store %arg19[%swap3A_2188, %swap3A_2189], %add3A_2187 {strides = array<i32>} : memref<5x128xf32, #tpu.memory_space<vmem>>, vector<5x5xf32>,
      } else {
      }
    } else {
    }
    return
  }
  func.func @transform_0(%arg0: i32) -> (i32, i32) {
    %c0_i32 = arith.constant 0 : i32
    %c0_i32_0 = arith.constant 0 : i32
    %c0_i32_1 = arith.constant 0 : i32
    return %c0_i32, %c0_i32_0 : i32, i32
  }
  func.func @transform_1(%arg0: i32) -> (i32, i32) {
    %c0_i32 = arith.constant 0 : i32
    %c0_i32_0 = arith.constant 0 : i32
    %c0_i32_1 = arith.constant 0 : i32
    return %c0_i32, %c0_i32_0 : i32, i32
  }
  func.func @transform_2(%arg0: i32) -> (i32, i32) {
    %c0_i32 = arith.constant 0 : i32
    %c0_i32_0 = arith.constant 0 : i32
    %c0_i32_1 = arith.constant 0 : i32
    return %c0_i32, %c0_i32_0 : i32, i32
  }
  func.func @transform_3(%arg0: i32) -> (i32, i32) {
    %c0_i32 = arith.constant 0 : i32
    %c0_i32_0 = arith.constant 0 : i32
    %c0_i32_1 = arith.constant 0 : i32
    return %c0_i32, %c0_i32_0 : i32, i32
  }
  func.func @transform_4(%arg0: i32) -> (i32, i32) {
    %c0_i32 = arith.constant 0 : i32
    %c0_i32_0 = arith.constant 0 : i32
    %c0_i32_1 = arith.constant 0 : i32
    return %c0_i32, %c0_i32_0 : i32, i32
  }
  func.func @transform_5(%arg0: i32) -> (i32, i32) {
    %c0_i32 = arith.constant 0 : i32
    %c0_i32_0 = arith.constant 0 : i32
    %c0_i32_1 = arith.constant 0 : i32
    return %c0_i32, %c0_i32_0 : i32, i32
  }
  func.func @transform_6(%arg0: i32) -> (i32, i32) {
    %c0_i32 = arith.constant 0 : i32
    %c0_i32_0 = arith.constant 0 : i32
    %c0_i32_1 = arith.constant 0 : i32
    return %c0_i32, %c0_i32_0 : i32, i32
  }
  func.func @transform_7(%arg0: i32) -> (i32, i32) {
    %c0_i32 = arith.constant 0 : i32
    %c0_i32_0 = arith.constant 0 : i32
    %c0_i32_1 = arith.constant 0 : i32
    return %c0_i32, %c0_i32_0 : i32, i32
  }
  func.func @transform_8(%arg0: i32) -> (i32, i32) {
    %c0_i32 = arith.constant 0 : i32
    %c0_i32_0 = arith.constant 0 : i32
    %c0_i32_1 = arith.constant 0 : i32
    return %c0_i32, %c0_i32_0 : i32, i32
  }
  func.func @transform_9(%arg0: i32) -> (i32, i32) {
    %c0_i32 = arith.constant 0 : i32
    %c0_i32_0 = arith.constant 0 : i32
    %c0_i32_1 = arith.constant 0 : i32
    return %c0_i32, %c0_i32_0 : i32, i32
  }
  func.func @transform_10(%arg0: i32) -> (i32, i32) {
    %c0_i32 = arith.constant 0 : i32
    %c0_i32_0 = arith.constant 0 : i32
    %c0_i32_1 = arith.constant 0 : i32
    return %c0_i32, %c0_i32_0 : i32, i32
  }
  func.func @transform_11(%arg0: i32) -> (i32, i32) {
    %c0_i32 = arith.constant 0 : i32
    %c0_i32_0 = arith.constant 0 : i32
    %c0_i32_1 = arith.constant 0 : i32
    return %c0_i32, %c0_i32_0 : i32, i32
  }
  func.func @transform_12(%arg0: i32) -> (i32, i32) {
    %c0_i32 = arith.constant 0 : i32
    %c0_i32_0 = arith.constant 0 : i32
    %c0_i32_1 = arith.constant 0 : i32
    return %c0_i32, %c0_i32_0 : i32, i32
  }
  func.func @transform_13(%arg0: i32) -> (i32, i32) {
    %c0_i32 = arith.constant 0 : i32
    %c0_i32_0 = arith.constant 0 : i32
    %c0_i32_1 = arith.constant 0 : i32
    return %c0_i32, %c0_i32_0 : i32, i32
  }
  func.func @transform_14(%arg0: i32) -> (i32, i32) {
    %c0_i32 = arith.constant 0 : i32
    %c0_i32_0 = arith.constant 0 : i32
    %c0_i32_1 = arith.constant 0 : i32
    return %c0_i32, %c0_i32_0 : i32, i32
  }
  func.func @transform_15(%arg0: i32) -> (i32, i32) {
    %c0_i32 = arith.constant 0 : i32
    %c0_i32_0 = arith.constant 0 : i32
    %c0_i32_1 = arith.constant 0 : i32
    return %c0_i32, %c0_i32_0 : i32, i32
  }
  func.func @transform_16(%arg0: i32) -> (i32, i32) {
    %c0_i32 = arith.constant 0 : i32
    %c0_i32_0 = arith.constant 0 : i32
    %c0_i32_1 = arith.constant 0 : i32
    return %c0_i32, %c0_i32_0 : i32, i32
  }
  func.func @transform_17(%arg0: i32) -> (i32, i32) {
    %c0_i32 = arith.constant 0 : i32
    %c0_i32_0 = arith.constant 0 : i32
    %c0_i32_1 = arith.constant 0 : i32
    return %c0_i32, %c0_i32_0 : i32, i32
  }
  func.func @transform_18(%arg0: i32) -> (i32, i32) {
    %c0_i32 = arith.constant 0 : i32
    %c0_i32_0 = arith.constant 0 : i32
    %c0_i32_1 = arith.constant 0 : i32
    return %c0_i32, %c0_i32_0 : i32, i32
  }
}

</mosaic_0001>

<sc_bundles>
// kernel: kernel.4.cloned.1.call-start
scs
__scs_entry_jumppad:
0x0: {  	(pc) =	sbr.rel $0x88, $3  }
0x1: {  	(tag) =	ssettag $0x0;
	lr =	simm.s32 $0x1  }
0x2: {  	[smem:$0x3F90] =	sst lr;
	_ =	strace $0xD0000000  }
0x3: {  	_ = 	snop  }
0x4: {  	_ = 	snop  }
0x5: {  	_ = 	snop  }
0x6: {  	_ = 	snop  }
0x7: {  	_ = 	snop  }
__scs_overlays_trampoline_lowered:
0x8: {  	[smem:$0x3F9F] =	sst s0  }
0x9: {  	[smem:$0x3FA0] =	sst s1  }
0xa: {  	[smem:$0x3FA1] =	sst s2  }
0xb: {  	[smem:$0x3FA2] =	sst s3  }
0xc: {  	[smem:$0x3FA3] =	sst s4  }
0xd: {  	[smem:$0x3FA4] =	sst s5  }
0xe: {  	[smem:$0x3FA5] =	sst s6  }
0xf: {  	[smem:$0x3FA6] =	sst s7  }
0x10: {  	[smem:$0x3FA7] =	sst s8  }
0x11: {  	[smem:$0x3FA8] =	sst s9;
	s0 =	simm.s32 @!p0 $0x0  }
0x12: {  	s1 =	sld [smem:$0x3F8E];
	s0 =	simm.s32 @p0 $0x1  }
0x13: {  	[smem:$0x3FA9] =	sst s0;
	s0 =	simm.s32 @!p1 $0x0  }
0x14: {  	s2 =	sld [smem:$0x3F8D];
	s0 =	simm.s32 @p1 $0x1  }
0x15: {  	[smem:$0x3FAA] =	sst s0;
	s0 =	simm.s32 @!p2 $0x0  }
0x16: {  	s3 =	sld [smem:$0x3FDB];
	s0 =	simm.s32 @p2 $0x1  }
0x17: {  	s4 =	simm.s32 $0x1BF5;
	[smem:$0x3FAC] =	sst s0  }
0x18: {  	s0 =	sld [smem:$0x3F8F];
	_ =	swait.ge [sflag:s4], $0x0  }
0x19: {  	s7 =	sld [smem:$0x3F90]  }
0x1a: {  	s8 =	sadd.s32 $0xFFFFE003, lr  }
0x1b: {  	s9 =	sadd.s32 $0xFFFFFEF7, lr;
	s5 =	simm.s32 $0xFFFFFFFF;
	p2 =	slt.u32 s8, $0xFFFFF086  }
0x1c: {  	p1 =	slt.u32 s9, $0xF7A;
	s5 =	simm.s32 @!p2 $0x0  }
0x1d: {  	s5 =	simm.s32 @p1 $0x1;
	p0 =	seq.s32 s7, s2  }
0x1e: {  	s7 =	smul.u32 @!p0 $0xF7A, s2;
	p2 =	seq.s32 @!p0 s5, $0x0  }
0x1f: {  	s9 =	smul.u32 $0xF7A, s1;
	s8 =	simm.s32 @!p0 $0x1BF5;
	p2 =	por !p2, p0  }
0x20: {  	[sflag:s8] =	ssyncset.s32 @!p0 $0xFFFFF086;
	s6 =	sadd.s32 @!p0 s3, s7;
	s7 =	simm.s32 @!p0 $0x108  }
0x21: {  	s3 =	sadd.s32 s3, s9;
	s6 =	sadd.s32 @!p0 $0x88, s6;
	s7 =	simm.s32 @p2 $0x1082  }
0x22: {  	[simem:s7], [sflag:s8] =	dma.local @!p0 [hbm:s6], $0xF7A  }
0x23: {  	s9 =	sor.u32 $0xD0000000, s2;
	s6 =	simm.s32 $0x108;
	_ =	swait.ge @!p0 [sflag:s8], $0x0  }
0x24: {  	s3 =	sadd.s32 $0x88, s3;
	s6 =	simm.s32 @!p1 $0x1082;
	[sflag:s4] =	ssyncset.s32 $0xFFFFF086  }
0x25: {  	[simem:s6], [sflag:s4] =	dma.local [hbm:s3], $0xF7A  }
0x26: {  	[smem:$0x3F90] =	sst s1;
	(tag) =	ssettag s2;
	_ =	strace s9  }
0x27: {  	s1 =	sld [smem:$0x3FA0]  }
0x28: {  	s2 =	sld [smem:$0x3FA1]  }
0x29: {  	s4 =	sld [smem:$0x3FA3]  }
0x2a: {  	p0 =	seq.s32 s5, $0x0;
	s5 =	sld [smem:$0x3FA4]  }
0x2b: {  	s6 =	sld [smem:$0x3FA5]  }
0x2c: {  	s7 =	sld [smem:$0x3FA6]  }
0x2d: {  	s3 =	simm.s32 $0x108;
	s8 =	sld [smem:$0x3FA7]  }
0x2e: {  	s3 =	simm.s32 @!p0 $0x1082;
	s9 =	sld [smem:$0x3FA8]  }
0x2f: {  	lr =	sadd.s32 s0, s3;
	s0 =	sld [smem:$0x3F9F]  }
0x30: {  	s3 =	sld [smem:$0x3FA2]  }
0x31: {  	[smem:$0x3FAB] =	sst s10  }
0x32: {  	s10 =	sld [smem:$0x3FA9];
	_ =	sdelay $0x3  }
0x33: {  	p0 =	seq.s32 s10, $0x1;
	s10 =	sld [smem:$0x3FAB];
	_ =	sdelay $0x3  }
0x34: {  	[smem:$0x3FAB] =	sst s10  }
0x35: {  	s10 =	sld [smem:$0x3FAA];
	_ =	sdelay $0x3  }
0x36: {  	p1 =	seq.s32 s10, $0x1;
	s10 =	sld [smem:$0x3FAB];
	_ =	sdelay $0x3  }
0x37: {  	[smem:$0x3FAB] =	sst s10  }
0x38: {  	s10 =	sld [smem:$0x3FAC]  }
0x39: {  	_ = 	snop;
	(pc) =	sbr.ind lr, $3  }
0x3a: {  	_ = 	snop  }
0x3b: {  	_ = 	snop  }
0x3c: {  	p2 =	seq.s32 s10, $0x1;
	s10 =	sld [smem:$0x3FAB]  }
0x3d: {  	_ =	shalt  }
0x3e: {  	_ =	shalt  }
0x3f: {  	_ =	shalt  }
0x40: {  	_ =	shalt  }
0x41: {  	_ =	shalt  }
0x42: {  	_ =	shalt  }
0x43: {  	_ =	shalt  }
0x44: {  	_ =	shalt  }
0x45: {  	_ =	shalt  }
0x46: {  	_ =	shalt  }
0x47: {  	_ =	shalt  }
0x48: {  	_ =	shalt  }
0x49: {  	_ =	shalt  }
0x4a: {  	_ =	shalt  }
0x4b: {  	_ =	shalt  }
0x4c: {  	_ =	shalt  }
0x4d: {  	_ =	shalt  }
0x4e: {  	_ =	shalt  }
0x4f: {  	_ =	shalt  }
0x50: {  	_ =	shalt  }
0x51: {  	_ =	shalt  }
0x52: {  	_ =	shalt  }
0x53: {  	_ =	shalt  }
0x54: {  	_ =	shalt  }
0x55: {  	_ =	shalt  }
0x56: {  	_ =	shalt  }
0x57: {  	_ =	shalt  }
0x58: {  	_ =	shalt  }
0x59: {  	_ =	shalt  }
0x5a: {  	_ =	shalt  }
0x5b: {  	_ =	shalt  }
0x5c: {  	_ =	shalt  }
0x5d: {  	_ =	shalt  }
0x5e: {  	_ =	shalt  }
0x5f: {  	_ =	shalt  }
0x60: {  	_ =	shalt  }
0x61: {  	_ =	shalt  }
0x62: {  	_ =	shalt  }
0x63: {  	_ =	shalt  }
0x64: {  	_ =	shalt  }
0x65: {  	_ =	shalt  }
0x66: {  	_ =	shalt  }
0x67: {  	_ =	shalt  }
0x68: {  	_ =	shalt  }
0x69: {  	_ =	shalt  }
0x6a: {  	_ =	shalt  }
0x6b: {  	_ =	shalt  }
0x6c: {  	_ =	shalt  }
0x6d: {  	_ =	shalt  }
0x6e: {  	_ =	shalt  }
0x6f: {  	_ =	shalt  }
0x70: {  	_ =	shalt  }
0x71: {  	_ =	shalt  }
0x72: {  	_ =	shalt  }
0x73: {  	_ =	shalt  }
0x74: {  	_ =	shalt  }
0x75: {  	_ =	shalt  }
0x76: {  	_ =	shalt  }
0x77: {  	_ =	shalt  }
0x78: {  	_ =	shalt  }
0x79: {  	_ =	shalt  }
0x7a: {  	_ =	shalt  }
0x7b: {  	_ =	shalt  }
0x7c: {  	_ =	shalt  }
0x7d: {  	_ =	shalt  }
0x7e: {  	_ =	shalt  }
0x7f: {  	_ =	shalt  }
0x80: {  	_ =	shalt  }
0x81: {  	_ =	shalt  }
0x82: {  	_ =	shalt  }
0x83: {  	_ =	shalt  }
0x84: {  	_ =	shalt  }
0x85: {  	_ =	shalt  }
0x86: {  	_ =	shalt  }
0x87: {  	_ =	shalt  }
.Lfunc_end0:
.L_simem_size_0:
called_computation_lowered:
.L_overlay_start_0:
0x88: {  	s2 =	sld [smem:$0x3FD9]  }
0x89: {  	s3 =	sld [smem:$0x3FFE];
	_ =	sdelay $0x1  }
0x8a: {  	s1 =	srdreg.scid  }
0x8b: {  	s0 =	sand.u32 $0x1, s1  }
0x8c: {  	s17 =	sshll.u32 s0, $0xA;
	s2 =	sadd.s32 s3, s2  }
0x8d: {  	s2 =	sadd.s32 s2, s17  }
0x8e: {  	[smem:$0x3FB7] =	sst s2  }
0x8f: {  	_ = 	snop  }
0x90: {  	s2 =	sld [smem:$0x3FC7]  }
0x91: {  	s18 =	sld [smem:$0x3FD0];
	(tm) =	ssettm $0x1  }
0x92: {  	s4 =	sld [smem:$0x3FFB];
	_ =	sdelay $0x3  }
0x93: {  	_ =	strace s4  }
0x94: {  	s4 =	sld [smem:$0x3FFC];
	_ =	sdelay $0x3  }
0x95: {  	_ =	strace s4  }
0x96: {  	s4 =	sld [smem:$0x3FFD];
	_ =	sdelay $0x3  }
0x97: {  	_ =	strace s4  }
0x98: {  	_ =	strace $0x8FFFFFFF  }
0x99: {  	s19 =	sld [smem:$0x3FDB];
	_ =	sdelay $0x1  }
0x9a: {  	s5 =	simm.s32 $_scs_section_size  }
0x9b: {  	s6 =	simm.s32 $_size__tile_overlayer_lowered;
	s7 =	simm.s32 $_tile_overlayer_lowered  }
0x9c: {  	s22 =	simm.s32 $0x1BFF;
	s21 =	sshll.u32 s7, $0x1;
	s4 =	sadd.s32 s5, s19  }
0x9d: {  	s8 =	simm.s32 $0x0;
	s20 =	sshll.u32 s6, $0x1;
	s6 =	sadd.s32 s21, s4  }
0x9e: {  	[timem:s8], [sflag:s22] =	dma.local [hbm:s6], s20  }
0x9f: {  	_ =	swait.ge [sflag:s22], s20  }
0xa0: {  	s5 =	ssub.s32 $0x0, s20;
	[sflag:s22] =	ssyncset.done $0x0  }
0xa1: {  	[sflag:s22] =	ssyncadd.s32 s5;
	_ =	sdelay $0x1  }
0xa2: {  	s23 =	simm.s32 $0x1B8B  }
0xa3: {  	_ =	swait.ge [sflag:s23], $0x1  }
0xa4: {  	[sflag:s23] =	ssyncset.done $0x0  }
0xa5: {  	s25 =	simm.s32 $0x1B8E;
	s24 =	sld [smem:$0x3FFE];
	[sflag:s23] =	ssyncadd.s32 $0xFFFFFFFF  }
0xa6: {  	s26 =	simm.s32 $execute0_lowered;
	[smem:$0x3FD2] =	sst s25  }
0xa7: {  	s6 =	sshll.u32 s26, $0x1;
	_ =	strace $0x80000046;
	[dreg:$0x1] =	wrdreg $0xFFFFFFFF  }
0xa8: {  	s28 =	simm.s32 $_size_execute0_lowered;
	s4 =	sadd.s32 s4, s6;
	[dreg:$0x0] =	wrdreg $0x0  }
0xa9: {  	s6 =	sshll.u32 s28, $0x1;
	[dreg:$0x2] =	wrdreg s4  }
0xaa: {  	[dreg:$0x3] =	wrdreg s6  }
0xab: {  	[dreg:$0x4] =	wrdreg $0xC0  }
0xac: {  	_ =	task [dreg:s8], $0x5FFFF  }
0xad: {  	[dreg:$0x1] =	wrdreg $0xFFFFFFFF  }
0xae: {  	[dreg:$0x0] =	wrdreg $0x60  }
0xaf: {  	[dreg:$0x2] =	wrdreg s18  }
0xb0: {  	[dreg:$0x3] =	wrdreg s2  }
0xb1: {  	[dreg:$0x4] =	wrdreg s24  }
0xb2: {  	[dreg:$0x5] =	wrdreg $0x9  }
0xb3: {  	_ =	task.clear_ibuf [dreg:s8], $0x6FFFF;
	_ =	strace $0x90000046  }
0xb4: {  	s29 =	simm.s32 $0x9;
	_ =	strace $0x8000004F  }
0xb5: {  	_ =	swait.ge [sflag:s29], $0x1  }
0xb6: {  	[sflag:s29] =	ssyncadd.s32 $0xFFFFFFFF  }
0xb7: {  	_ =	strace $0x9000004F  }
0xb8: {  	_ =	sfence  }
0xb9: {  	s30 =	sld [smem:$0x0];
	_ =	sdelay $0x2  }
0xba: {  	s31 =	sshll.u32 s1, $0xD;
	s1 =	sshrl.u32 s1, $0x2  }
0xbb: {  	s3 =	sand.u32 $0x4000, s31;
	s1 =	sadd.s32 s1, s30  }
0xbc: {  	s0 =	sor.u32 s3, s0;
	s1 =	sshll.u32 s1, $0x11  }
0xbd: {  	s0 =	sor.u32 s1, s0  }
0xbe: {  	s0 =	sadd.s32 $0x8F2B, s0  }
0xbf: {  	[sflag:s0] =	ssyncadd.remote.s32 $0x1  }
0xc0: {  	_ =	sfence.sel $0xFFFF  }
0xc1: {  	[dreg:$0x0] =	wrdreg $0xFFFFFFFF;
	(pc) =	sbr.abs _section_cstart, $3  }
0xc2: {  	[dreg:$0x1] =	wrdreg $0xFFFFFFFF  }
0xc3: {  	_ =	task.clear_ibuf [dreg:s8], $0x2FFFF;
	_ =	strace $0x9FFFFFFF  }
0xc4: {  	(tm) =	ssettm $0x7FFFFFFF  }
0xc5: {  	_ =	shalt  }
tec
execute0_lowered:
.L_overlay_start_1:
0x0: {  	(tag) =	ssettag $0x1  }
0x1: {  	s1 =	stileid.u32  }
0x2: {  	p0 =	sgt.u32 s1, $0x7  }
.Ltmp0:
0x3: {  	s2 =	rddreg [dreg:$0x0];
	(pc) =	sbr.rel @p0 .LBB2_4-.Ltmp0, $4  }
0x4: {  	s4 =	rddreg [dreg:$0x1]  }
0x5: {  	s9 =	rddreg [dreg:$0x2];
	s3 =	simm.s32 $0x0  }
0x6: {  	[smem:$0x7FF] =	sst s3  }
0x7: {  	s0 =	rddreg [dreg:$0x3];
	_ =	strace $0x80000047  }
0x8: {  	s10 =	smin.u32 s1, $0x8  }
0x9: {  	s5 =	sshll.u32 s10, $0x4  }
0xa: {  	_ =	strace $0x80000048;
	s4 =	sadd.s32 s4, s5  }
0xb: {  	[tilespmem:s3], [sflag:$0x1] =	stream.linear.gather [hbm4b:s4+s3], $0x80, $0x200038;
	[tilespmem:$0x8100] =	vst v63  }
0xc: {  	_ =	strace $0x90000048  }
0xd: {  	s5 =	simm.s32 $0x1;
	_ =	strace $0x8000004A  }
0xe: {  	_ =	swait.ge [sflag:s5], $0x80  }
0xf: {  	[sflag:s5] =	ssyncset.done $0x0  }
0x10: {  	s6 =	simm.s32 $0x80;
	s7 =	simm.s32 $0x100;
	[sflag:s5] =	ssyncadd.s32 $0xFFFFFF80  }
0x11: {  	s8 =	simm.s32 $0x5;
	s11 =	srdreg.scid;
	_ =	strace $0x9000004A  }
0x12: {  	s10 =	sshll.u32 s10, $0xB;
	s30 =	sand.u32 $0x1, s11;
	_ =	strace $0x8000004B  }
0x13: {  	[tilespmem:s7], [sflag:$0x5] =	stream.indirect.gather [hbm4b:s2+s6], $0x80, s3, s6, $0x2000b8;
	[tilespmem:$0x8100] =	vst v63  }
0x14: {  	s9 =	sadd.s32 s10, s9;
	s10 =	ssub.s32 $0x2, s30;
	_ =	swait.ge [sflag:s8], $0x4000  }
0x15: {  	s31 =	sshrl.u32 s10, $0x1;
	[sflag:s8] =	ssyncset.done $0x0  }
0x16: {  	s11 =	ssub.s32 s10, s31;
	[sflag:s8] =	ssyncadd.s32 $0xFFFFC000  }
0x17: {  	s11 =	smax.u32 s11, $0x1;
	_ =	strace $0x9000004B  }
0x18: {  	s9 =	sadd.s32 $0x1A00, s9;
	p0 =	sne.s32 s11, $0x1;
	_ =	strace $0x8000004C  }
0x19: {  	[hbm4b:s9+s3] =	stream.linear.scatter [tilespmem:s7], [sflag:$0x3], $0x4000, $0x200038;
	[tilespmem:$0x8100] =	vst v63  }
.Ltmp1:
0x1a: {  	_ =	strace $0x9000004C;
	(pc) =	sbr.rel @!p0 .LBB2_3-.Ltmp1, $4  }
0x1b: {  	s10 =	simm.s32 $0x3;
	_ =	strace $0x8000004E  }
0x1c: {  	_ =	swait.ge [sflag:s10], $0x4000  }
0x1d: {  	[sflag:s10] =	ssyncset.done $0x0  }
0x1e: {  	s11 =	sadd.s32 $0xFFFFFFFF, s11;
	[sflag:s10] =	ssyncadd.s32 $0xFFFFC000  }
.LBB2_2:
0x1f: {  	p0 =	sne.s32 s11, $0x1;
	s11 =	sadd.s32 $0xFFFFFFFF, s11;
	_ =	strace $0x9000004E  }
0x20: {  	_ =	strace $0x80000048  }
0x21: {  	[tilespmem:s3], [sflag:$0x1] =	stream.linear.gather [hbm4b:s4+s3], $0x80, $0x200038;
	[tilespmem:$0x8100] =	vst v63  }
0x22: {  	_ =	strace $0x90000048  }
0x23: {  	_ =	strace $0x8000004A  }
0x24: {  	_ =	swait.ge [sflag:s5], $0x80  }
0x25: {  	[sflag:s5] =	ssyncset.done $0x0  }
0x26: {  	[sflag:s5] =	ssyncadd.s32 $0xFFFFFF80  }
0x27: {  	_ =	strace $0x9000004A  }
0x28: {  	_ =	strace $0x8000004B  }
0x29: {  	[tilespmem:s7], [sflag:$0x5] =	stream.indirect.gather [hbm4b:s2+s6], $0x80, s3, s6, $0x2000b8;
	[tilespmem:$0x8100] =	vst v63  }
0x2a: {  	_ =	swait.ge [sflag:s8], $0x4000  }
0x2b: {  	[sflag:s8] =	ssyncset.done $0x0  }
0x2c: {  	[sflag:s8] =	ssyncadd.s32 $0xFFFFC000  }
0x2d: {  	_ =	strace $0x9000004B  }
0x2e: {  	_ =	strace $0x8000004C  }
0x2f: {  	[hbm4b:s9+s3] =	stream.linear.scatter [tilespmem:s7], [sflag:$0x3], $0x4000, $0x200038;
	[tilespmem:$0x8100] =	vst v63  }
.Ltmp2:
0x30: {  	_ =	strace $0x9000004C;
	(pc) =	sbr.rel @p0 .LBB2_2-.Ltmp2, $4  }
0x31: {  	_ =	strace $0x8000004E  }
0x32: {  	_ =	swait.ge [sflag:s10], $0x4000  }
0x33: {  	[sflag:s10] =	ssyncset.done $0x0  }
0x34: {  	[sflag:s10] =	ssyncadd.s32 $0xFFFFC000  }
.LBB2_3:
0x35: {  	_ =	strace $0x9000004E  }
.LBB2_4:
0x36: {  	_ =	sfence.sel $0x180000  }
0x37: {  	[bflag:$0x0] =	sbarrier.arrive $0xFFFF  }
0x38: {  	p0 =	sne.s32 s1, $0x0;
	_ =	strace $0x90000047  }
0x39: {  	s0 =	sadd.s32 @!p0 $0x100000, s0;
	[bflag:$0x2] =	sbarrier.arrive $0xFFFF  }
0x3a: {  	[sflag:s0] =	ssyncadd.tile.s32 @!p0 $0x1;
	_ =	shalt  }
.Lfunc_end2:
_tile_overlayer_lowered:
.L_overlay_start_2:
0x3b: {  	(tag) =	ssettag $0x2  }
0x3c: {  	s0 =	rddreg [dreg:$0x0];
	s2 =	stileid.u32  }
0x3d: {  	s1 =	rddreg [dreg:$0x1];
	p0 =	sne.s32 s2, $0x0  }
0x3e: {  	s3 =	rddreg [dreg:$0x2];
	[bflag:$0x3] =	sbarrier.arrive $0xFFFF;
	s2 =	simm.s32 @!p0 $0x1C01  }
0x3f: {  	[timem:s3], [sflag:s2] =	dma.local @!p0 [hbm:s0], s1  }
0x40: {  	s0 =	simm.s32 @!p0 $0x1  }
0x41: {  	_ =	swait.ge @!p0 [sflag:s0], s1  }
0x42: {  	s1 =	ssub.s32 @!p0 $0x0, s1;
	[sflag:s0] =	ssyncset.done @!p0 $0x0  }
0x43: {  	[sflag:s0] =	ssyncadd.s32 @!p0 s1  }
0x44: {  	[bflag:$0x3] =	sbarrier.arrive $0xFFFF  }
0x45: {  	_ =	shalt  }

</sc_bundles>
